<compile_context>
chip_gen: v7x
topology: tpu7x:2x2x1
jax: 0.10.2.dev20260603
libtpu: 0.0.44.dev20260713+nightly
codegen_flags: <defaults>
</compile_context>

<pallas_src>
import functools

import jax
import jax.numpy as jnp
from jax.experimental import pallas as pl
from jax.experimental.pallas import tpu as pltpu

N = 10000
E = 160000
B = 1024
D_IN = 128
HID = 128
OUT = 64


def _combine_body(osr_ref, feat_ref, w1_ref, b1_ref, w2_ref, b2_ref,
                  alpha_ref, out_ref, ostruct_ref):
    x = osr_ref[:]
    h = jnp.maximum(jnp.dot(x, w1_ref[:]) + b1_ref[:], 0.0)
    y = jnp.dot(h, w2_ref[:]) + b2_ref[:]
    os_ = jax.nn.sigmoid(y)
    al = alpha_ref[:]
    m = jnp.max(al)
    ea = jnp.exp(al - m)
    a = ea / jnp.sum(ea)
    ostruct_ref[:] = os_
    out_ref[:] = a[0, 0] * os_ + a[0, 1] * feat_ref[:] + 1e-15


def _combine(out_struct_raw, out_feat, gp_W1, gp_b1, gp_W2, gp_b2, alpha):
    return pl.pallas_call(
        _combine_body,
        out_shape=(
            jax.ShapeDtypeStruct((B, 1), jnp.float32),
            jax.ShapeDtypeStruct((B, 1), jnp.float32),
        ),
    )(out_struct_raw, out_feat, gp_W1, gp_b1.reshape(1, HID),
      gp_W2, gp_b2.reshape(1, 1), alpha.reshape(1, 2))


def _mlp(x, W1, b1, W2, b2):
    return jax.nn.relu(x @ W1 + b1) @ W2 + b2


def _gcn_conv(x, row, col, W, b):
    n = x.shape[0]
    x = x @ W
    sl = jnp.arange(n, dtype=row.dtype)
    r = jnp.concatenate([row, sl])
    c = jnp.concatenate([col, sl])
    deg = jax.ops.segment_sum(jnp.ones(r.shape[0], x.dtype), c, num_segments=n)
    dinv = jax.lax.rsqrt(jnp.maximum(deg, 1e-12))
    norm = dinv[r] * dinv[c]
    msg = x[c] * norm[:, None]
    return jax.ops.segment_sum(msg, r, num_segments=n) + b


def kernel(x, edge_index, edge, A_values, W0, b0, W1, b1, W2, b2, fe_W1,
           fe_b1, fe_W2, fe_b2, fn_W1, fn_b1, fn_W2, fn_b2, gp_W1, gp_b1,
           gp_W2, gp_b2, alpha):
    row, col = edge_index[0], edge_index[1]
    h = jax.nn.relu(_gcn_conv(x, row, col, W0, b0))
    h = jax.nn.relu(_gcn_conv(h, row, col, W1, b1))
    h = _gcn_conv(h, row, col, W2, b2)
    e0, e1 = edge[0], edge[1]
    out_feat = jnp.sum(h[e0] * h[e1], axis=-1, keepdims=True)

    ew = _mlp(A_values[:, None], fe_W1, fe_b1, fe_W2, fe_b2)
    nsf = jax.ops.segment_sum(ew, col, num_segments=N)
    fn = _mlp(nsf, fn_W1, fn_b1, fn_W2, fn_b2)[:, 0]

    A_dense = jnp.zeros((N, N), jnp.float32).at[row, col].add(A_values)
    mat_src = A_dense[e0] * fn[None, :]
    mat_dst = A_dense[e1] * fn[None, :]
    out_struct_raw = jnp.sum(mat_src * mat_dst, axis=1, keepdims=True)

    out, out_struct = _combine(out_struct_raw, out_feat, gp_W1, gp_b1,
                               gp_W2, gp_b2, alpha)
    return out, out_struct, out_feat

# --- scband reference (transcript-rebuilt; emitter-appended) ---
"""Pipeline reference for scband-neo-gnn-32315333935776 (READ-ONLY COPY).

The authoritative reference and input builder live on the scoring server;
editing this copy changes nothing except your own understanding.
"""

import jax, jax.numpy as jnp
import numpy as np

N = 10000
E = 160000
B = 1024
D_IN = 128
HID = 128
OUT = 64

def _mlp(x, W1, b1, W2, b2):
    return jax.nn.relu(x @ W1 + b1) @ W2 + b2

def _gcn_conv(x, row, col, W, b):
    n = x.shape[0]
    x = x @ W
    sl = jnp.arange(n, dtype=row.dtype)
    r = jnp.concatenate([row, sl])
    c = jnp.concatenate([col, sl])
    deg = jax.ops.segment_sum(jnp.ones(r.shape[0], x.dtype), c, num_segments=n)
    dinv = jax.lax.rsqrt(jnp.maximum(deg, 1e-12))
    norm = dinv[r] * dinv[c]
    msg = x[c] * norm[:, None]
    return jax.ops.segment_sum(msg, r, num_segments=n) + b

def setup_inputs(seed: int = 0):
    key = jax.random.key(seed)
    ks = jax.random.split(key, 30)
    def lin(i, fin, fout):
        s = 1.0 / np.sqrt(fin)
        W = jax.random.uniform(ks[i], (fin, fout), jnp.float32, -s, s)
        b = jax.random.uniform(ks[i + 1], (fout,), jnp.float32, -s, s)
        return W, b
    inp = {}
    inp['x'] = jax.random.normal(ks[0], (N, D_IN), jnp.float32)
    inp['edge_index'] = jax.random.randint(ks[1], (2, E), 0, N, dtype=jnp.int32)
    inp['edge'] = jax.random.randint(ks[2], (2, B), 0, N, dtype=jnp.int32)
    inp['A_values'] = jax.random.uniform(ks[3], (E,), jnp.float32)
    inp['W0'], inp['b0'] = lin(4, D_IN, HID)
    inp['W1'], inp['b1'] = lin(6, HID, HID)
    inp['W2'], inp['b2'] = lin(8, HID, OUT)
    inp['fe_W1'], inp['fe_b1'] = lin(10, 1, 8)
    inp['fe_W2'], inp['fe_b2'] = lin(12, 8, 1)
    inp['fn_W1'], inp['fn_b1'] = lin(14, 1, 128)
    inp['fn_W2'], inp['fn_b2'] = lin(16, 128, 1)
    inp['gp_W1'], inp['gp_b1'] = lin(18, 1, 128)
    inp['gp_W2'], inp['gp_b2'] = lin(20, 128, 1)
    inp['alpha'] = jnp.zeros((2,), jnp.float32)
    return inp

def reference(x, edge_index, edge, A_values, W0, b0, W1, b1, W2, b2, fe_W1, fe_b1, fe_W2, fe_b2, fn_W1, fn_b1, fn_W2, fn_b2, gp_W1, gp_b1, gp_W2, gp_b2, alpha):
    row, col = edge_index[0], edge_index[1]
    # GCN feature branch (dropout p=0, eval mode)
    h = jax.nn.relu(_gcn_conv(x, row, col, W0, b0))
    h = jax.nn.relu(_gcn_conv(h, row, col, W1, b1))
    h = _gcn_conv(h, row, col, W2, b2)
    e0, e1 = edge[0], edge[1]
    out_feat = jnp.sum(h[e0] * h[e1], axis=-1, keepdims=True)
    # structural branch: f_edge over adjacency values, scatter-add into node struct feat
    ew = _mlp(A_values[:, None], fe_W1, fe_b1, fe_W2, fe_b2)
    nsf = jax.ops.segment_sum(ew, col, num_segments=N)
    fn = _mlp(nsf, fn_W1, fn_b1, fn_W2, fn_b2)[:, 0]
    # dense A stands in for scipy sparse row slicing A[indexes]
    A_dense = jnp.zeros((N, N), jnp.float32).at[row, col].add(A_values)
    mat_src = A_dense[e0] * fn[None, :]
    mat_dst = A_dense[e1] * fn[None, :]
    # diag of mat_src @ mat_dst.T (== spspmm diagonal scores)
    out_struct = jnp.sum(mat_src * mat_dst, axis=1, keepdims=True)
    out_struct = jax.nn.sigmoid(_mlp(out_struct, gp_W1, gp_b1, gp_W2, gp_b2))
    a = jax.nn.softmax(alpha)
    out = a[0] * out_struct + a[1] * out_feat + 1e-15
    return out, out_struct, out_feat

if __name__ == "__main__":
    import jax
    _d = setup_inputs()
    print(jax.jit(kernel)(*tuple(_d.values())))

</pallas_src>

<mosaic_0001>
module attributes {stable_mosaic.version = 14 : i64} {
  func.func @_combine_body(%arg0: memref<1024x1xf32, #tpu.memory_space<vmem>>, %arg1: memref<1024x1xf32, #tpu.memory_space<vmem>>, %arg2: memref<1x128xf32, #tpu.memory_space<vmem>>, %arg3: memref<1x128xf32, #tpu.memory_space<vmem>>, %arg4: memref<128x1xf32, #tpu.memory_space<vmem>>, %arg5: memref<1x1xf32, #tpu.memory_space<vmem>>, %arg6: memref<1x2xf32, #tpu.memory_space<vmem>>, %arg7: memref<1024x1xf32, #tpu.memory_space<vmem>>, %arg8: memref<1024x1xf32, #tpu.memory_space<vmem>>) attributes {dimension_semantics = [], scalar_prefetch = 0 : i64, scratch_operands = 0 : i64, tpu.core_type = #tpu.core_type<tc>} {
    %get3A = arith.constant 0 : index
    %get3A_0 = arith.constant 0 : index
    %get3A_1 = vector.load %arg0[%get3A, %get3A_0] : memref<1024x1xf32, #tpu.memory_space<vmem>>, vector<1024x1xf32>
    %get3A_2 = arith.constant 0 : index
    %get3A_3 = arith.constant 0 : index
    %get3A_4 = vector.load %arg2[%get3A_2, %get3A_3] : memref<1x128xf32, #tpu.memory_space<vmem>>, vector<1x128xf32>
    %dot_general3A = arith.constant dense<0.000000e+00> : vector<1024x128xf32>
    %dot_general3A_5 = tpu.matmul %get3A_1, %get3A_4, %dot_general3A {dimension_numbers = #tpu.dot_dimension_numbers<[1], [0], [0], [1], [0, 0, 1, 1], [], []>, transpose_lhs_hint = false} : vector<1024x1xf32>, vector<1x128xf32>, vector<1024x128xf32> -> vector<1024x128xf32>
    %get3A_6 = arith.constant 0 : index
    %get3A_7 = arith.constant 0 : index
    %get3A_8 = vector.load %arg3[%get3A_6, %get3A_7] : memref<1x128xf32, #tpu.memory_space<vmem>>, vector<1x128xf32>
    %add3A = vector.broadcast %get3A_8 : vector<1x128xf32> to vector<1024x128xf32>
    %add3A_9 = arith.addf %dot_general3A_5, %add3A : vector<1024x128xf32>
    %max3A = arith.constant 0.000000e+00 : f32
    %max3A_10 = vector.broadcast %max3A : f32 to vector<1024x128xf32>
    %max3A_11 = arith.maximumf %add3A_9, %max3A_10 : vector<1024x128xf32>
    %get3A_12 = arith.constant 0 : index
    %get3A_13 = arith.constant 0 : index
    %get3A_14 = vector.load %arg4[%get3A_12, %get3A_13] : memref<128x1xf32, #tpu.memory_space<vmem>>, vector<128x1xf32>
    %dot_general3A_15 = arith.constant dense<0.000000e+00> : vector<1024x1xf32>
    %dot_general3A_16 = tpu.matmul %max3A_11, %get3A_14, %dot_general3A_15 {dimension_numbers = #tpu.dot_dimension_numbers<[1], [0], [0], [1], [0, 0, 1, 1], [], []>, transpose_lhs_hint = false} : vector<1024x128xf32>, vector<128x1xf32>, vector<1024x1xf32> -> vector<1024x1xf32>
    %get3A_17 = arith.constant 0 : index
    %get3A_18 = arith.constant 0 : index
    %get3A_19 = vector.load %arg5[%get3A_17, %get3A_18] : memref<1x1xf32, #tpu.memory_space<vmem>>, vector<1x1xf32>
    %add3A_20 = vector.broadcast %get3A_19 : vector<1x1xf32> to vector<1024x1xf32>
    %add3A_21 = arith.addf %dot_general3A_16, %add3A_20 : vector<1024x1xf32>
    %logistic3A = arith.negf %add3A_21 : vector<1024x1xf32>
    %logistic3A_22 = math.exp %logistic3A : vector<1024x1xf32>
    %logistic3A_23 = arith.constant 1.000000e+00 : f32
    %logistic3A_24 = vector.broadcast %logistic3A_23 : f32 to vector<1024x1xf32>
    %logistic3A_25 = arith.addf %logistic3A_24, %logistic3A_22 : vector<1024x1xf32>
    %logistic3A_26 = arith.divf %logistic3A_24, %logistic3A_25 : vector<1024x1xf32>
    %get3A_27 = arith.constant 0 : index
    %get3A_28 = arith.constant 0 : index
    %get3A_29 = vector.load %arg6[%get3A_27, %get3A_28] : memref<1x2xf32, #tpu.memory_space<vmem>>, vector<1x2xf32>
    %reduce_max3A = vector.shape_cast %get3A_29 : vector<1x2xf32> to vector<1x1x2xf32>
    %reduce_max3A_30 = arith.constant dense<0xFF800000> : vector<1xf32>
    %reduce_max3A_31 = vector.multi_reduction <maximumf>, %reduce_max3A, %reduce_max3A_30 [1, 2] : vector<1x1x2xf32> to vector<1xf32>
    %reduce_max3A_32 = vector.shape_cast %reduce_max3A_31 : vector<1xf32> to vector<1x1x1xf32>
    %reduce_max3A_33 = vector.extract %reduce_max3A_32[0, 0, 0] : f32 from vector<1x1x1xf32>
    %sub3A = vector.broadcast %reduce_max3A_33 : f32 to vector<1x2xf32>
    %sub3A_34 = arith.subf %get3A_29, %sub3A : vector<1x2xf32>
    %exp3A = math.exp %sub3A_34 : vector<1x2xf32>
    %reduce_sum3A = vector.shape_cast %exp3A : vector<1x2xf32> to vector<1x1x2xf32>
    %reduce_sum3A_35 = arith.constant dense<0.000000e+00> : vector<1xf32>
    %reduce_sum3A_36 = vector.multi_reduction <add>, %reduce_sum3A, %reduce_sum3A_35 [1, 2] : vector<1x1x2xf32> to vector<1xf32>
    %reduce_sum3A_37 = vector.shape_cast %reduce_sum3A_36 : vector<1xf32> to vector<1x1x1xf32>
    %reduce_sum3A_38 = vector.extract %reduce_sum3A_37[0, 0, 0] : f32 from vector<1x1x1xf32>
    %div3A = vector.broadcast %reduce_sum3A_38 : f32 to vector<1x2xf32>
    %div3A_39 = arith.divf %exp3A, %div3A : vector<1x2xf32>
    %swap3A = arith.constant 0 : index
    %swap3A_40 = arith.constant 0 : index
    %swap3A_41 = vector.load %arg8[%swap3A, %swap3A_40] : memref<1024x1xf32, #tpu.memory_space<vmem>>, vector<1024x1xf32>
    tpu.vector_store %arg8[%swap3A, %swap3A_40], %logistic3A_26 {strides = array<i32>} : memref<1024x1xf32, #tpu.memory_space<vmem>>, vector<1024x1xf32>,
    %slice3A = vector.extract_strided_slice %div3A_39 {offsets = [0, 0], sizes = [1, 1], strides = [1, 1]} : vector<1x2xf32> to vector<1x1xf32>
    %squeeze3A = vector.extract %slice3A[0, 0] : f32 from vector<1x1xf32>
    %mul3A = vector.broadcast %squeeze3A : f32 to vector<1024x1xf32>
    %mul3A_42 = arith.mulf %mul3A, %logistic3A_26 : vector<1024x1xf32>
    %slice3A_43 = vector.extract_strided_slice %div3A_39 {offsets = [0, 1], sizes = [1, 1], strides = [1, 1]} : vector<1x2xf32> to vector<1x1xf32>
    %squeeze3A_44 = vector.extract %slice3A_43[0, 0] : f32 from vector<1x1xf32>
    %get3A_45 = arith.constant 0 : index
    %get3A_46 = arith.constant 0 : index
    %get3A_47 = vector.load %arg1[%get3A_45, %get3A_46] : memref<1024x1xf32, #tpu.memory_space<vmem>>, vector<1024x1xf32>
    %mul3A_48 = vector.broadcast %squeeze3A_44 : f32 to vector<1024x1xf32>
    %mul3A_49 = arith.mulf %mul3A_48, %get3A_47 : vector<1024x1xf32>
    %add3A_50 = arith.addf %mul3A_42, %mul3A_49 : vector<1024x1xf32>
    %add3A_51 = arith.constant 1.000000e-15 : f32
    %add3A_52 = vector.broadcast %add3A_51 : f32 to vector<1024x1xf32>
    %add3A_53 = arith.addf %add3A_50, %add3A_52 : vector<1024x1xf32>
    %swap3A_54 = arith.constant 0 : index
    %swap3A_55 = arith.constant 0 : index
    %swap3A_56 = vector.load %arg7[%swap3A_54, %swap3A_55] : memref<1024x1xf32, #tpu.memory_space<vmem>>, vector<1024x1xf32>
    tpu.vector_store %arg7[%swap3A_54, %swap3A_55], %add3A_53 {strides = array<i32>} : memref<1024x1xf32, #tpu.memory_space<vmem>>, vector<1024x1xf32>,
    return
  }
}

</mosaic_0001>

<sc_bundles>
// kernel: scatter_offload_async_start.1
scs
__scs_entry_jumppad:
0x0: {  	(pc) =	sbr.rel $0x88, $3  }
0x1: {  	(tag) =	ssettag $0x0;
	lr =	simm.s32 $0x1  }
0x2: {  	[smem:$0x3F8A] =	sst lr;
	_ =	strace $0xD0000000  }
0x3: {  	_ = 	snop  }
0x4: {  	_ = 	snop  }
0x5: {  	_ = 	snop  }
0x6: {  	_ = 	snop  }
0x7: {  	_ = 	snop  }
__scs_overlays_trampoline_lowered:
0x8: {  	[smem:$0x3F99] =	sst s0  }
0x9: {  	[smem:$0x3F9A] =	sst s1  }
0xa: {  	[smem:$0x3F9B] =	sst s2  }
0xb: {  	[smem:$0x3F9C] =	sst s3  }
0xc: {  	[smem:$0x3F9D] =	sst s4  }
0xd: {  	[smem:$0x3F9E] =	sst s5  }
0xe: {  	[smem:$0x3F9F] =	sst s6  }
0xf: {  	[smem:$0x3FA0] =	sst s7  }
0x10: {  	[smem:$0x3FA1] =	sst s8  }
0x11: {  	[smem:$0x3FA2] =	sst s9;
	s0 =	simm.s32 @!p0 $0x0  }
0x12: {  	s1 =	sld [smem:$0x3F88];
	s0 =	simm.s32 @p0 $0x1  }
0x13: {  	[smem:$0x3FA3] =	sst s0;
	s0 =	simm.s32 @!p1 $0x0  }
0x14: {  	s2 =	sld [smem:$0x3F87];
	s0 =	simm.s32 @p1 $0x1  }
0x15: {  	[smem:$0x3FA4] =	sst s0;
	s0 =	simm.s32 @!p2 $0x0  }
0x16: {  	s3 =	sld [smem:$0x3FDB];
	s0 =	simm.s32 @p2 $0x1  }
0x17: {  	s4 =	simm.s32 $0x1BF5;
	[smem:$0x3FA6] =	sst s0  }
0x18: {  	s0 =	sld [smem:$0x3F89];
	_ =	swait.ge [sflag:s4], $0x0  }
0x19: {  	s7 =	sld [smem:$0x3F8A]  }
0x1a: {  	s8 =	sadd.s32 $0xFFFFE003, lr  }
0x1b: {  	s9 =	sadd.s32 $0xFFFFFEF7, lr;
	s5 =	simm.s32 $0xFFFFFFFF;
	p2 =	slt.u32 s8, $0xFFFFF086  }
0x1c: {  	p1 =	slt.u32 s9, $0xF7A;
	s5 =	simm.s32 @!p2 $0x0  }
0x1d: {  	s5 =	simm.s32 @p1 $0x1;
	p0 =	seq.s32 s7, s2  }
0x1e: {  	s7 =	smul.u32 @!p0 $0xF7A, s2;
	p2 =	seq.s32 @!p0 s5, $0x0  }
0x1f: {  	s9 =	smul.u32 $0xF7A, s1;
	s8 =	simm.s32 @!p0 $0x1BF5;
	p2 =	por !p2, p0  }
0x20: {  	[sflag:s8] =	ssyncset.s32 @!p0 $0xFFFFF086;
	s6 =	sadd.s32 @!p0 s3, s7;
	s7 =	simm.s32 @!p0 $0x108  }
0x21: {  	s3 =	sadd.s32 s3, s9;
	s6 =	sadd.s32 @!p0 $0x88, s6;
	s7 =	simm.s32 @p2 $0x1082  }
0x22: {  	[simem:s7], [sflag:s8] =	dma.local @!p0 [hbm:s6], $0xF7A  }
0x23: {  	s9 =	sor.u32 $0xD0000000, s2;
	s6 =	simm.s32 $0x108;
	_ =	swait.ge @!p0 [sflag:s8], $0x0  }
0x24: {  	s3 =	sadd.s32 $0x88, s3;
	s6 =	simm.s32 @!p1 $0x1082;
	[sflag:s4] =	ssyncset.s32 $0xFFFFF086  }
0x25: {  	[simem:s6], [sflag:s4] =	dma.local [hbm:s3], $0xF7A  }
0x26: {  	[smem:$0x3F8A] =	sst s1;
	(tag) =	ssettag s2;
	_ =	strace s9  }
0x27: {  	s1 =	sld [smem:$0x3F9A]  }
0x28: {  	s2 =	sld [smem:$0x3F9B]  }
0x29: {  	s4 =	sld [smem:$0x3F9D]  }
0x2a: {  	p0 =	seq.s32 s5, $0x0;
	s5 =	sld [smem:$0x3F9E]  }
0x2b: {  	s6 =	sld [smem:$0x3F9F]  }
0x2c: {  	s7 =	sld [smem:$0x3FA0]  }
0x2d: {  	s3 =	simm.s32 $0x108;
	s8 =	sld [smem:$0x3FA1]  }
0x2e: {  	s3 =	simm.s32 @!p0 $0x1082;
	s9 =	sld [smem:$0x3FA2]  }
0x2f: {  	lr =	sadd.s32 s0, s3;
	s0 =	sld [smem:$0x3F99]  }
0x30: {  	s3 =	sld [smem:$0x3F9C]  }
0x31: {  	[smem:$0x3FA5] =	sst s10  }
0x32: {  	s10 =	sld [smem:$0x3FA3];
	_ =	sdelay $0x3  }
0x33: {  	p0 =	seq.s32 s10, $0x1;
	s10 =	sld [smem:$0x3FA5];
	_ =	sdelay $0x3  }
0x34: {  	[smem:$0x3FA5] =	sst s10  }
0x35: {  	s10 =	sld [smem:$0x3FA4];
	_ =	sdelay $0x3  }
0x36: {  	p1 =	seq.s32 s10, $0x1;
	s10 =	sld [smem:$0x3FA5];
	_ =	sdelay $0x3  }
0x37: {  	[smem:$0x3FA5] =	sst s10  }
0x38: {  	s10 =	sld [smem:$0x3FA6]  }
0x39: {  	_ = 	snop;
	(pc) =	sbr.ind lr, $3  }
0x3a: {  	_ = 	snop  }
0x3b: {  	_ = 	snop  }
0x3c: {  	p2 =	seq.s32 s10, $0x1;
	s10 =	sld [smem:$0x3FA5]  }
0x3d: {  	_ =	shalt  }
0x3e: {  	_ =	shalt  }
0x3f: {  	_ =	shalt  }
0x40: {  	_ =	shalt  }
0x41: {  	_ =	shalt  }
0x42: {  	_ =	shalt  }
0x43: {  	_ =	shalt  }
0x44: {  	_ =	shalt  }
0x45: {  	_ =	shalt  }
0x46: {  	_ =	shalt  }
0x47: {  	_ =	shalt  }
0x48: {  	_ =	shalt  }
0x49: {  	_ =	shalt  }
0x4a: {  	_ =	shalt  }
0x4b: {  	_ =	shalt  }
0x4c: {  	_ =	shalt  }
0x4d: {  	_ =	shalt  }
0x4e: {  	_ =	shalt  }
0x4f: {  	_ =	shalt  }
0x50: {  	_ =	shalt  }
0x51: {  	_ =	shalt  }
0x52: {  	_ =	shalt  }
0x53: {  	_ =	shalt  }
0x54: {  	_ =	shalt  }
0x55: {  	_ =	shalt  }
0x56: {  	_ =	shalt  }
0x57: {  	_ =	shalt  }
0x58: {  	_ =	shalt  }
0x59: {  	_ =	shalt  }
0x5a: {  	_ =	shalt  }
0x5b: {  	_ =	shalt  }
0x5c: {  	_ =	shalt  }
0x5d: {  	_ =	shalt  }
0x5e: {  	_ =	shalt  }
0x5f: {  	_ =	shalt  }
0x60: {  	_ =	shalt  }
0x61: {  	_ =	shalt  }
0x62: {  	_ =	shalt  }
0x63: {  	_ =	shalt  }
0x64: {  	_ =	shalt  }
0x65: {  	_ =	shalt  }
0x66: {  	_ =	shalt  }
0x67: {  	_ =	shalt  }
0x68: {  	_ =	shalt  }
0x69: {  	_ =	shalt  }
0x6a: {  	_ =	shalt  }
0x6b: {  	_ =	shalt  }
0x6c: {  	_ =	shalt  }
0x6d: {  	_ =	shalt  }
0x6e: {  	_ =	shalt  }
0x6f: {  	_ =	shalt  }
0x70: {  	_ =	shalt  }
0x71: {  	_ =	shalt  }
0x72: {  	_ =	shalt  }
0x73: {  	_ =	shalt  }
0x74: {  	_ =	shalt  }
0x75: {  	_ =	shalt  }
0x76: {  	_ =	shalt  }
0x77: {  	_ =	shalt  }
0x78: {  	_ =	shalt  }
0x79: {  	_ =	shalt  }
0x7a: {  	_ =	shalt  }
0x7b: {  	_ =	shalt  }
0x7c: {  	_ =	shalt  }
0x7d: {  	_ =	shalt  }
0x7e: {  	_ =	shalt  }
0x7f: {  	_ =	shalt  }
0x80: {  	_ =	shalt  }
0x81: {  	_ =	shalt  }
0x82: {  	_ =	shalt  }
0x83: {  	_ =	shalt  }
0x84: {  	_ =	shalt  }
0x85: {  	_ =	shalt  }
0x86: {  	_ =	shalt  }
0x87: {  	_ =	shalt  }
.Lfunc_end0:
.L_simem_size_0:
called_computation.1_lowered:
.L_overlay_start_0:
0x88: {  	s0 =	sld [smem:$0x3FD9]  }
0x89: {  	s1 =	sld [smem:$0x3FFE];
	_ =	sdelay $0x3  }
0x8a: {  	s0 =	sadd.s32 s1, s0  }
0x8b: {  	[smem:$0x3FB1] =	sst s0  }
0x8c: {  	_ = 	snop  }
0x8d: {  	(tm) =	ssettm $0x1  }
0x8e: {  	s15 =	sld [smem:$0x3FFB];
	_ =	sdelay $0x3  }
0x8f: {  	_ =	strace s15  }
0x90: {  	s0 =	sld [smem:$0x3FFC];
	_ =	sdelay $0x3  }
0x91: {  	_ =	strace s0  }
0x92: {  	s0 =	sld [smem:$0x3FFD];
	_ =	sdelay $0x3  }
0x93: {  	_ =	strace s0  }
0x94: {  	_ =	strace $0x8FFFFFFF  }
0x95: {  	s16 =	sld [smem:$0x3FDB];
	_ =	sdelay $0x1  }
0x96: {  	s17 =	simm.s32 $_scs_section_size  }
0x97: {  	s2 =	simm.s32 $_size__tile_overlayer_lowered;
	s3 =	simm.s32 $_tile_overlayer_lowered  }
0x98: {  	s20 =	simm.s32 $0x1BFF;
	s19 =	sshll.u32 s3, $0x1;
	s0 =	sadd.s32 s17, s16  }
0x99: {  	s4 =	simm.s32 $0x0;
	s18 =	sshll.u32 s2, $0x1;
	s2 =	sadd.s32 s19, s0  }
0x9a: {  	[timem:s4], [sflag:s20] =	dma.local [hbm:s2], s18  }
0x9b: {  	_ =	swait.ge [sflag:s20], s18  }
0x9c: {  	s1 =	ssub.s32 $0x0, s18;
	[sflag:s20] =	ssyncset.done $0x0  }
0x9d: {  	[sflag:s20] =	ssyncadd.s32 s1;
	_ =	sdelay $0x1  }
0x9e: {  	s21 =	simm.s32 $0x1B8B  }
0x9f: {  	_ =	swait.ge [sflag:s21], $0x1  }
0xa0: {  	[sflag:s21] =	ssyncset.done $0x0  }
0xa1: {  	s23 =	simm.s32 $0x1B8E;
	s22 =	sld [smem:$0x3FFE];
	[sflag:s21] =	ssyncadd.s32 $0xFFFFFFFF  }
0xa2: {  	s24 =	simm.s32 $execute0_lowered;
	[smem:$0x3FD2] =	sst s23  }
0xa3: {  	s2 =	sshll.u32 s24, $0x1;
	_ =	strace $0x8000004C;
	[dreg:$0x1] =	wrdreg $0xFFFFFFFF  }
0xa4: {  	s25 =	simm.s32 $_size_execute0_lowered;
	s0 =	sadd.s32 s0, s2;
	[dreg:$0x0] =	wrdreg $0x0  }
0xa5: {  	s2 =	sshll.u32 s25, $0x1;
	[dreg:$0x2] =	wrdreg s0  }
0xa6: {  	[dreg:$0x3] =	wrdreg s2  }
0xa7: {  	[dreg:$0x4] =	wrdreg $0xC0  }
0xa8: {  	_ =	task [dreg:s4], $0x5FFFF  }
0xa9: {  	[dreg:$0x1] =	wrdreg $0xFFFFFFFF  }
0xaa: {  	[dreg:$0x0] =	wrdreg $0x60  }
0xab: {  	[dreg:$0x2] =	wrdreg s22  }
0xac: {  	[dreg:$0x3] =	wrdreg $0x9  }
0xad: {  	_ =	task.clear_ibuf [dreg:s4], $0x4FFFF;
	_ =	strace $0x9000004C  }
0xae: {  	s26 =	simm.s32 $0x9;
	_ =	strace $0x8000004E  }
0xaf: {  	_ =	swait.ge [sflag:s26], $0x1  }
0xb0: {  	[sflag:s26] =	ssyncadd.s32 $0xFFFFFFFF  }
0xb1: {  	_ =	strace $0x9000004E  }
0xb2: {  	_ =	sfence  }
0xb3: {  	s28 =	sld [smem:$0x0];
	_ =	sdelay $0x1  }
0xb4: {  	s29 =	srdreg.scid  }
0xb5: {  	s30 =	sshll.u32 s29, $0xD;
	s31 =	sshrl.u32 s29, $0x2  }
0xb6: {  	s1 =	sand.u32 $0x1, s29;
	s2 =	sand.u32 $0x4000, s30;
	s0 =	sadd.s32 s31, s28  }
0xb7: {  	s1 =	sor.u32 s2, s1;
	s0 =	sshll.u32 s0, $0x11  }
0xb8: {  	s0 =	sor.u32 s0, s1  }
0xb9: {  	s0 =	sadd.s32 $0x8F2B, s0  }
0xba: {  	[sflag:s0] =	ssyncadd.remote.s32 $0x1  }
0xbb: {  	_ =	sfence.sel $0xFFFF  }
0xbc: {  	[dreg:$0x0] =	wrdreg $0xFFFFFFFF;
	(pc) =	sbr.abs _section_cstart, $3  }
0xbd: {  	[dreg:$0x1] =	wrdreg $0xFFFFFFFF  }
0xbe: {  	_ =	task.clear_ibuf [dreg:s4], $0x2FFFF;
	_ =	strace $0x9FFFFFFF  }
0xbf: {  	(tm) =	ssettm $0x7FFFFFFF  }
tec
execute0_lowered:
.L_overlay_start_1:
0x0: {  	(tag) =	ssettag $0x1  }
0x1: {  	s0 =	rddreg [dreg:$0x0];
	_ =	strace $0x8000004D;
	s1 =	simm.s32 $0x1  }
0x2: {  	s8 =	simm.s32 $0x108;
	v0 =	vimm.s32 $0x0;
	[sflag:s1] =	ssyncpa.u1 $0x0  }
0x3: {  	[tilespmem:s8+$0x70] =	vst v0  }
0x4: {  	[tilespmem:s8+$0x60] =	vst v0  }
0x5: {  	[tilespmem:s8+$0x50] =	vst v0  }
0x6: {  	[tilespmem:s8+$0x40] =	vst v0  }
0x7: {  	[tilespmem:s8+$0x30] =	vst v0  }
0x8: {  	s2 =	simm.s32 $0x40;
	s1 =	sadd.s32 $0x2BD600, s0;
	[tilespmem:s8+$0x20] =	vst v0  }
0x9: {  	s3 =	sadd.s32 $0xF800, s0;
	s4 =	sadd.s32 $0x25400, s0;
	s5 =	sadd.s32 $0x20000, s0;
	[tilespmem:s8+$0x10] =	vst v0  }
.LBB2_1:
0xa: {  	s2 =	sadd.s32 $0x40, s2;
	[tilespmem:s8+$0x0] =	vst v0;
	s8 =	sadd.s32 $0x80, s8  }
0xb: {  	p0 =	slt.u32 s2, $0x3C40;
	[tilespmem:s8+$0x70] =	vst v0  }
0xc: {  	[tilespmem:s8+$0x60] =	vst v0  }
.Ltmp0:
0xd: {  	[tilespmem:s8+$0x50] =	vst v0;
	(pc) =	sbr.rel @p0 .LBB2_1-.Ltmp0, $4  }
0xe: {  	[tilespmem:s8+$0x40] =	vst v0  }
0xf: {  	[tilespmem:s8+$0x30] =	vst v0  }
0x10: {  	[tilespmem:s8+$0x20] =	vst v0  }
0x11: {  	[tilespmem:s8+$0x10] =	vst v0  }
0x12: {  	s13 =	stileid.u32  }
0x13: {  	s0 =	smul.u32 $0x2C, s13  }
0x14: {  	s2 =	smin.u32 s13, $0x5  }
0x15: {  	s0 =	sadd.s32 s2, s0  }
0x16: {  	p0 =	slt.u32 s13, $0x5;
	s6 =	smul.u32 $0xF0, s0;
	s0 =	simm.s32 $0x2A30  }
0x17: {  	s0 =	simm.s32 @!p0 $0x2940  }
0x18: {  	s0 =	sadd.s32 s0, s6  }
0x19: {  	s7 =	smin.u32 s0, $0x29810  }
0x1a: {  	s0 =	ssub.s32 s7, s6  }
0x1b: {  	p0 =	sgt.s32 s0, $0x0  }
0x1c: {  	s0 =	simm.s32 @!p0 $0x0  }
0x1d: {  	s31 =	smulhi.u32 $0x88888889, s0  }
0x1e: {  	s30 =	simm.s32 $0x2;
	s9 =	simm.s32 $0x7;
	s10 =	simm.s32 $0x8  }
0x1f: {  	s19 =	simm.s32 $0x0;
	s15 =	simm.s32 $0xA;
	s2 =	sshrl.u32 s31, $0x7  }
0x20: {  	s17 =	simm.s32 $0x0;
	s18 =	simm.s32 $0x0;
	s11 =	smul.u32 $0xF0, s2  }
.Ltmp1:
0x21: {  	[tilespmem:s8+$0x0] =	vst v0;
	v0 =	vimm.s32 $0xFFFFFFFF;
	[sflag:s30] =	ssyncpa.u1 $0x0;
	s13 =	sshll.u32 s13, $0x8;
	(pc) =	sbr.rel .LBB2_3-.Ltmp1, $4  }
0x22: {  	[tilespmem:$0xF208] =	vst v0;
	[sflag:s9] =	ssyncpa.u1 $0x0;
	p0 =	sne.s32 s0, s11;
	s0 =	simm.s32 $0x1  }
0x23: {  	[sflag:s10] =	ssyncpa.u1 $0x0;
	s10 =	simm.s32 $0x9;
	s0 =	simm.s32 @!p0 $0x0  }
0x24: {  	[sflag:s10] =	ssyncpa.u1 $0x0;
	s16 =	smov.u32 s6;
	s12 =	sadd.s32 s0, s2  }
0x25: {  	v0 =	vlaneseq.u32;
	s11 =	simm.s32 $0x1;
	p0 =	por $0x0, $0x0;
	s14 =	sadd.s32 $0x1, s12  }
.LBB2_18:
0x26: {  	s0 =	sshrl.u32 s28, $0x2  }
.LBB2_20:
0x27: {  	_ =	swait.ge [sflag:s15], s0  }
0x28: {  	s31 =	ssub.s32 $0x0, s0;
	v1 =	vmov s21;
	vm0 =	veq.s32 v0, $0x0;
	[sflag:s15] =	ssyncset.done $0x0  }
0x29: {  	vm15 =	veq.s32 v0, $0x2;
	v1 =	vsel vm0, s26, v1;
	[sflag:s15] =	ssyncadd.s32 s31  }
0x2a: {  	v1 =	vsel vm15, s19, v1;
	[sflag:s15] =	ssyncpa.u1 $0x1  }
0x2b: {  	[tilespmem:$0xF208] =	vst v1  }
.LBB2_21:
0x2c: {  	s0 =	sadd.s32 $0xF0, s16  }
0x2d: {  	s2 =	smov.u32 s6;
	p1 =	slt.s32 s0, s7  }
0x2e: {  	s2 =	smov.u32 @p1 s0;
	p1 =	sne.s32 s18, s14  }
.Ltmp2:
0x2f: {  	_ = 	snop;
	(pc) =	sbr.rel @!p1 .LBB2_22-.Ltmp2, $3  }
0x30: {  	_ =	sdelay $0x1  }
0x31: {  	s19 =	smov.u32 s17;
	s31 =	sadd.s32 $0x1, s18;
	s17 =	smov.u32 s16  }
0x32: {  	p0 =	por !p0, !p0;
	s18 =	smov.u32 s31;
	s16 =	smov.u32 s2  }
.LBB2_3:
0x33: {  	p1 =	sge.u32 s18, s12  }
0x34: {  	s0 =	smulhi.u32 @!p1 $0xAAAAAAAB, s18  }
0x35: {  	s2 =	smov.u32 s16;
	p2 =	sgt.s32 @!p1 s16, $0x29720  }
0x36: {  	s20 =	sshra.s32 @!p1 s16, $0x1F;
	p2 =	por !p2, p1;
	s0 =	sshrl.u32 @!p1 s0, $0x1  }
0x37: {  	s20 =	sand.u32 @!p1 s20, s16;
	s2 =	simm.s32 @p2 $0x29720;
	s0 =	smul.u32 @!p1 $0x3, s0  }
0x38: {  	s2 =	ssub.s32 @!p1 s2, s20  }
0x39: {  	s2 =	sadd.s32 @!p1 $0xFFFD68E0, s2;
	s0 =	ssub.s32 @!p1 s18, s0  }
0x3a: {  	s20 =	sshll.u32 @!p1 s2, $0x2;
	p2 =	sgt.s32 @!p1 s2, $0xEF;
	s0 =	smul.u32 @!p1 $0x3C0, s0  }
0x3b: {  	s21 =	sand.u32 @!p1 $0x7, s16;
	s2 =	ssub.s32 @!p1 $0x3C0, s20;
	p2 =	por !p2, p1  }
0x3c: {  	s20 =	sshrl.u32 @!p1 s16, $0x3;
	s2 =	sshrl.u32 @!p1 s2, $0x2;
	s0 =	sshrl.u32 @!p1 s0, $0x2  }
0x3d: {  	s20 =	sadd.s32 @!p1 s5, s20;
	s2 =	simm.s32 @!p2 $0x0;
	s0 =	sadd.s32 @!p1 $0x10238, s0  }
0x3e: {  	[tilespmem:s0], [sflag:$0x8] =	stream.linear.gather @!p1 [hbm4b:s20+s21], s2, $0x38;
	[tilespmem:$0x1F6E8] =	vst v63  }
0x3f: {  	s0 =	sadd.s32 $0xFFFFFFFF, s18  }
0x40: {  	p1 =	sge.u32 s0, s12  }
0x41: {  	p2 =	sgt.s32 @!p1 s17, $0x29720  }
0x42: {  	s2 =	smov.u32 s17;
	s20 =	sshra.s32 @!p1 s17, $0x1F;
	p2 =	por !p2, p1  }
0x43: {  	s20 =	sand.u32 @!p1 s20, s17;
	s2 =	simm.s32 @p2 $0x29720  }
0x44: {  	s2 =	ssub.s32 @!p1 s2, s20  }
0x45: {  	s2 =	sadd.s32 @!p1 $0xFFFD68E0, s2  }
0x46: {  	s21 =	sand.u32 @!p1 $0x1, s0;
	s20 =	sshll.u32 @!p1 s2, $0x2  }
0x47: {  	p2 =	sgt.s32 @!p1 s2, $0xEF;
	s2 =	ssub.s32 @!p1 $0x3C0, s20;
	s20 =	smulhi.u32 @!p1 $0xAAAAAAAB, s0  }
0x48: {  	s23 =	smul.u32 @!p1 $0x3C0, s21;
	p2 =	por !p2, p1;
	s2 =	sshrl.u32 @!p1 s2, $0x2  }
0x49: {  	s22 =	simm.s32 @!p1 $0x8;
	s2 =	simm.s32 @!p2 $0x0;
	s20 =	sshrl.u32 @!p1 s20, $0x1  }
0x4a: {  	s23 =	sshrl.u32 @!p1 s23, $0x2;
	_ =	swait.ge @!p1 [sflag:s22], s2;
	s20 =	smul.u32 @!p1 $0x3, s20  }
0x4b: {  	s23 =	sor.u32 @!p1 $0x10508, s23;
	s24 =	ssub.s32 @!p1 $0x0, s2;
	[sflag:s22] =	ssyncset.done @!p1 $0x0  }
0x4c: {  	[sflag:s22] =	ssyncadd.s32 @!p1 s24;
	s22 =	sshrl.u32 @!p1 s17, $0x3;
	s0 =	ssub.s32 @!p1 s0, s20  }
0x4d: {  	s24 =	sand.u32 @!p1 $0x7, s17;
	s22 =	sadd.s32 @!p1 s3, s22;
	s0 =	smul.u32 @!p1 $0x3C0, s0  }
0x4e: {  	[tilespmem:s23], [sflag:$0x9] =	stream.linear.gather @!p1 [hbm4b:s22+s24], s2, $0x38;
	[tilespmem:$0x1F6E8] =	vst v63  }
0x4f: {  	s20 =	ssub.s32 @!p1 $0x29810, s17;
	s2 =	smul.u32 @!p1 $0x1E000, s21  }
0x50: {  	p2 =	slt.s32 @!p1 s20, $0xF0  }
0x51: {  	p2 =	por !p2, p1;
	s0 =	sshrl.u32 @!p1 s0, $0x2;
	s2 =	sshrl.u32 @!p1 s2, $0x2  }
0x52: {  	s20 =	simm.s32 @p2 $0xF0;
	s0 =	sadd.s32 @!p1 $0x10238, s0;
	s2 =	sor.u32 @!p1 $0x106E8, s2  }
0x53: {  	[tilespmem:s2], [sflag:$0x7] =	stream.indirect.gather @!p1 [hbm4b:s4+s20], $0x80, s0, s20, $0xb8;
	[tilespmem:$0x1F6E8] =	vst v63  }
0x54: {  	p1 =	slt.u32 s18, $0x2  }
.Ltmp3:
0x55: {  	_ = 	snop;
	(pc) =	sbr.rel @p1 .LBB2_21-.Ltmp3, $1  }
0x56: {  	_ =	sdelay $0x3  }
0x57: {  	p1 =	sgt.s32 s19, $0x29720;
	s0 =	smov.u32 s19  }
0x58: {  	s2 =	sshra.s32 s19, $0x1F;
	s20 =	ssub.s32 $0x29810, s19;
	s0 =	simm.s32 @!p1 $0x29720  }
0x59: {  	s2 =	sand.u32 s2, s19;
	p1 =	slt.s32 s20, $0xF0;
	s21 =	smov.u32 s20  }
0x5a: {  	s0 =	ssub.s32 s0, s2;
	s21 =	simm.s32 @!p1 $0xF0  }
0x5b: {  	s0 =	sadd.s32 $0xFFFD68E0, s0;
	s28 =	sshll.u32 s21, $0x7  }
0x5c: {  	s29 =	sshll.u32 s0, $0x2;
	s2 =	sand.u32 $0x3FFFFF80, s28  }
0x5d: {  	p1 =	sgt.s32 s0, $0xEF;
	s30 =	ssub.s32 $0x3C0, s29;
	_ =	swait.ge [sflag:s9], s2  }
0x5e: {  	s2 =	ssub.s32 $0x0, s2;
	[sflag:s9] =	ssyncset.done $0x0;
	s0 =	sshrl.u32 s30, $0x2  }
0x5f: {  	[sflag:s9] =	ssyncadd.s32 s2;
	s0 =	simm.s32 @p1 $0x0  }
0x60: {  	_ =	swait.ge [sflag:s10], s0  }
0x61: {  	s0 =	ssub.s32 $0x0, s0;
	[sflag:s10] =	ssyncset.done $0x0  }
0x62: {  	[sflag:s10] =	ssyncadd.s32 s0  }
0x63: {  	v1 =	vld [tilespmem:$0xF208];
	_ =	sdelay $0x4  }
0x64: {  	(v2sf) =	vpush v1, $0x0  }
0x65: {  	(v2sf) =	vpush v1, $0x1  }
0x66: {  	(v2sf) =	vpush v1, $0x2;
	_ =	sdelay $0x3  }
0x67: {  	s0 =	sadd.s32 $0xF0, s19  }
0x68: {  	p1 =	slt.s32 s7, s0  }
0x69: {  	s0 =	smov.u32 @p1 s7;
	p1 =	sgt.s32 s20, $0x0  }
0x6a: {  	s23 =	ssub.s32 s0, s19;
	s20 =	simm.s32 @!p1 $0x0  }
0x6b: {  	p1 =	slt.s32 s20, s23  }
0x6c: {  	s23 =	smov.u32 @p1 s20  }
0x6d: {  	s22 =	simm.s32 $0x1;
	p1 =	slt.s32 s23, $0x1  }
.Ltmp4:
0x6e: {  	s22 =	simm.s32 @!p0 $0x0;
	(pc) =	sbr.rel @p1 .LBB2_8-.Ltmp4, $4  }
0x6f: {  	s31 =	smul.u32 $0x3C0, s22  }
0x70: {  	s24 =	spop (v2sf)  }
0x71: {  	s0 =	sshrl.u32 s31, $0x2;
	s26 =	spop (v2sf)  }
0x72: {  	s20 =	sor.u32 $0x10508, s0;
	s19 =	spop (v2sf)  }
0x73: {  	s0 =	smin.u32 s23, $0x10  }
0x74: {  	v1 =	vmov s0  }
0x75: {  	p2 =	sgt.s32 s23, $0x10;
	vm1 =	vgt.u32 v1, v0  }
.Ltmp5:
0x76: {  	_ = 	snop;
	(pc) =	sbr.rel @!p2 .LBB2_7-.Ltmp5, $2  }
0x77: {  	_ =	sdelay $0x2  }
0x78: {  	s25 =	simm.s32 $0x10;
	s28 =	sadd.s32 $0xFFFFFFF0, s23;
	s21 =	smov.u32 s20;
	vm0 =	vmmov vm1  }
.LBB2_6:
0x79: {  	s0 =	smin.u32 s28, $0x10;
	s25 =	sadd.s32 $0x10, s25;
	v1 =	vld.msk [tilespmem:s21+$0x0 ss:$0x1], vm1  }
0x7a: {  	v2 =	vmov s0;
	p2 =	slt.s32 s25, s23  }
0x7b: {  	vm1 =	vgt.u32 v2, v0  }
.Ltmp6:
0x7c: {  	(pc) =	sbr.rel @p2 .LBB2_6-.Ltmp6, $3  }
0x7d: {  	_ =	sdelay $0x1  }
0x7e: {  	v1 =	vshll.u32 v1, $0x4  }
0x7f: {  	s28 =	sadd.s32 $0xFFFFFFF0, s28;
	[tilespmem:s21+$0x0] =	vst.msk vm0, v1;
	s21 =	sadd.s32 $0x10, s21;
	vm0 =	vmmov vm1  }
.LBB2_7:
0x80: {  	_ =	sdelay $0x4  }
0x81: {  	v1 =	vld.msk [tilespmem:s21+$0x0 ss:$0x1], vm1;
	_ =	sdelay $0x4  }
0x82: {  	v1 =	vshll.u32 v1, $0x4  }
0x83: {  	[tilespmem:s21+$0x0] =	vst.msk vm0, v1  }
.LBB2_8:
0x84: {  	s0 =	sand.u32 $0x1, s18  }
0x85: {  	s0 =	smul.u32 $0xF0, s0  }
0x86: {  	p2 =	sne.s32 s26, $0xFFFFFFFF  }
0x87: {  	v1 =	vld.msk @!p2 [tilespmem:s0+$0x10508], $0x1;
	_ =	sdelay $0x4  }
0x88: {  	(v2sf) =	vpush @!p2 v1, $0x0;
	_ =	sdelay $0xc  }
.Ltmp7:
0x89: {  	_ = 	snop;
	(pc) =	sbr.rel @p1 .LBB2_19-.Ltmp7, $4  }
0x8a: {  	_ = 	snop  }
0x8b: {  	s25 =	spop @!p2 (v2sf)  }
0x8c: {  	s19 =	simm.s32 @!p2 $0x0;
	s21 =	smov.u32 s25  }
0x8d: {  	[sflag:s15] =	ssyncpa.u1 $0x0;
	s25 =	smov.u32 @p2 s24;
	s21 =	smov.u32 @p2 s26  }
0x8e: {  	v1 =	vld.msk [tilespmem:s20+$0x0], $0x1;
	_ =	sdelay $0x4  }
0x8f: {  	(v2sf) =	vpush v1, $0x0;
	_ =	sdelay $0xe  }
0x90: {  	s0 =	smul.u32 $0x1E000, s22;
	s29 =	spop (v2sf)  }
0x91: {  	s23 =	ssub.s32 $0x0, s23;
	p1 =	seq.s32 s25, s29  }
0x92: {  	s26 =	sadd.s32 $0x1, s23;
	s0 =	sshrl.u32 s0, $0x2;
	p2 =	sgt.s32 @!p1 s25, $0x0  }
0x93: {  	s22 =	sor.u32 $0x10728, s0;
	s0 =	smov.u32 s25;
	p2 =	por !p2, p1  }
0x94: {  	s0 =	simm.s32 @p2 $0x0;
	p2 =	seq.s32 s26, $0x0  }
.Ltmp8:
0x95: {  	_ = 	snop;
	(pc) =	sbr.rel @p2 .LBB2_11-.Ltmp8, $4  }
0x96: {  	_ = 	snop  }
0x97: {  	s24 =	simm.s32 $0x0;
	s28 =	sadd.s32 $0x1, s20;
	s0 =	smin.u32 @!p1 s0, $0x270F0  }
0x98: {  	s30 =	simm.s32 @!p1 $0x1;
	s31 =	simm.s32 @!p1 $0x7988;
	s2 =	sand.u32 @!p1 $0x3FFF8, s0  }
0x99: {  	s30 =	smov.u32 @p1 s24;
	s0 =	sand.u32 @!p1 $0x7, s0;
	s2 =	sadd.s32 @!p1 s1, s2  }
.LBB2_10:
0x9a: {  	s8 =	smov.u32 s30  }
0x9b: {  	[tilespmem:s31], [sflag:$0x2] =	stream.linear.gather @!p1 [hbm4b:s2+s0], $0x80, $0x38;
	[tilespmem:$0x1F6E8] =	vst v63  }
0x9c: {  	s26 =	sadd.s32 $0x1, s26;
	s0 =	smov.u32 s29;
	v1 =	vld.msk [tilespmem:s28+$0x0], $0x1  }
0x9d: {  	p2 =	seq.s32 s26, $0x0;
	_ =	sdelay $0x3  }
0x9e: {  	(v2sf) =	vpush v1, $0x0;
	_ =	sdelay $0xe  }
0x9f: {  	s29 =	spop (v2sf)  }
0xa0: {  	p1 =	seq.s32 s0, s29  }
0xa1: {  	p3 =	sgt.s32 @!p1 s0, $0x0;
	s2 =	sshll.u32 @!p1 s30, $0x9;
	s30 =	sadd.s32 @!p1 $0x1, s30  }
.Ltmp9:
0xa2: {  	p3 =	por !p3, p1;
	s2 =	sshra.s32 @!p1 s2, $0x2;
	(pc) =	sbr.rel @!p2 .LBB2_10-.Ltmp9, $4  }
0xa3: {  	s30 =	smov.u32 @p1 s8;
	s0 =	simm.s32 @p3 $0x0;
	s31 =	sadd.s32 @!p1 $0x7988, s2  }
0xa4: {  	s0 =	smin.u32 @!p1 s0, $0x270F0  }
0xa5: {  	s2 =	sand.u32 @!p1 $0x3FFF8, s0;
	s0 =	sand.u32 @!p1 $0x7, s0  }
0xa6: {  	s28 =	sadd.s32 $0x1, s28;
	s2 =	sadd.s32 @!p1 s1, s2  }
.LBB2_11:
0xa7: {  	[tilespmem:s31], [sflag:$0x2] =	stream.linear.gather @!p1 [hbm4b:s2+s0], $0x80, $0x38;
	[tilespmem:$0x1F6E8] =	vst v63  }
.Ltmp10:
0xa8: {  	s30 =	sshll.u32 s30, $0x7;
	(pc) =	sbr.rel .LBB2_12-.Ltmp10, $4  }
0xa9: {  	s31 =	simm.s32 $0x2;
	s0 =	sand.u32 $0x3FFFFF80, s30  }
0xaa: {  	_ =	swait.ge [sflag:s31], s0  }
0xab: {  	s0 =	ssub.s32 $0x0, s0;
	[sflag:s31] =	ssyncset.done $0x0  }
0xac: {  	s28 =	simm.s32 $0x0;
	[sflag:s31] =	ssyncadd.s32 s0  }
.LBB2_13:
0xad: {  	v1 =	vld [tilespmem:s22+$0xFFFFFFC0];
	_ =	sdelay $0x3  }
0xae: {  	s0 =	sshra.s32 s0, $0x2  }
0xaf: {  	[tilespmem:s0+$0x108] =	vst.add.f32.msk $0xffff, v1  }
0xb0: {  	v1 =	vld [tilespmem:s22+$0xFFFFFFD0];
	_ =	sdelay $0x4  }
0xb1: {  	[tilespmem:s0+$0x118] =	vst.add.f32.msk $0xffff, v1  }
0xb2: {  	v1 =	vld [tilespmem:s22+$0xFFFFFFE0];
	_ =	sdelay $0x4  }
0xb3: {  	[tilespmem:s0+$0x128] =	vst.add.f32.msk $0xffff, v1  }
0xb4: {  	v1 =	vld [tilespmem:s22+$0xFFFFFFF0];
	_ =	sdelay $0x4  }
0xb5: {  	[tilespmem:s0+$0x138] =	vst.add.f32.msk $0xffff, v1  }
0xb6: {  	v1 =	vld [tilespmem:s22+$0x0];
	_ =	sdelay $0x4  }
0xb7: {  	[tilespmem:s0+$0x148] =	vst.add.f32.msk $0xffff, v1  }
0xb8: {  	v1 =	vld [tilespmem:s22+$0x10];
	_ =	sdelay $0x4  }
0xb9: {  	[tilespmem:s0+$0x158] =	vst.add.f32.msk $0xffff, v1  }
0xba: {  	v1 =	vld [tilespmem:s22+$0x20];
	_ =	sdelay $0x4  }
0xbb: {  	[tilespmem:s0+$0x168] =	vst.add.f32.msk $0xffff, v1  }
0xbc: {  	v1 =	vld [tilespmem:s22+$0x30];
	_ =	sdelay $0x4  }
0xbd: {  	[tilespmem:s0+$0x178] =	vst.add.f32.msk $0xffff, v1  }
.LBB2_17:
0xbe: {  	s23 =	sadd.s32 $0x1, s23  }
0xbf: {  	p1 =	seq.s32 s23, $0x0  }
.Ltmp11:
0xc0: {  	_ = 	snop;
	(pc) =	sbr.rel @p1 .LBB2_18-.Ltmp11, $2  }
0xc1: {  	_ =	sdelay $0x2  }
0xc2: {  	s20 =	sadd.s32 $0x1, s20;
	s22 =	sadd.s32 $0x80, s22;
	s25 =	smov.u32 s26  }
.LBB2_12:
0xc3: {  	v1 =	vld.msk [tilespmem:s20+$0x0], $0x1;
	_ =	sdelay $0x4  }
0xc4: {  	(v2sf) =	vpush v1, $0x0;
	_ =	sdelay $0xe  }
0xc5: {  	s26 =	spop (v2sf)  }
0xc6: {  	p1 =	sne.s32 s25, s26  }
.Ltmp12:
0xc7: {  	_ = 	snop;
	(pc) =	sbr.rel @!p1 .LBB2_13-.Ltmp12, $2  }
0xc8: {  	_ =	sdelay $0x2  }
0xc9: {  	s0 =	sshll.u32 s19, $0x9  }
0xca: {  	p1 =	seq.s32 s25, s21  }
.Ltmp13:
0xcb: {  	_ = 	snop;
	(pc) =	sbr.rel @!p1 .LBB2_15-.Ltmp13, $1  }
0xcc: {  	_ =	sdelay $0x3  }
0xcd: {  	s0 =	sshra.s32 s0, $0x2  }
.Ltmp14:
0xce: {  	s0 =	sadd.s32 $0x108, s0;
	(pc) =	sbr.rel .LBB2_16-.Ltmp14, $4  }
0xcf: {  	[spmem:s13] =	stream.linear.scatter [tilespmem:s0], [sflag:$0x1], $0x80, $0x38;
	[tilespmem:$0x1F6E8] =	vst v63  }
0xd0: {  	_ =	swait.ge [sflag:s11], $0x80  }
0xd1: {  	[sflag:s11] =	ssyncset.done $0x0  }
0xd2: {  	[sflag:s11] =	ssyncadd.s32 $0xFFFFFF80  }
.LBB2_15:
0xd3: {  	s2 =	sshll.u32 s24, $0x9  }
0xd4: {  	s2 =	sshra.s32 s2, $0x2  }
0xd5: {  	v1 =	vld [tilespmem:s2+$0x7988];
	_ =	sdelay $0x3  }
0xd6: {  	s0 =	sshra.s32 s0, $0x2  }
0xd7: {  	[tilespmem:s0+$0x108] =	vst.add.f32.msk $0xffff, v1  }
0xd8: {  	v1 =	vld [tilespmem:s2+$0x7998];
	_ =	sdelay $0x4  }
0xd9: {  	[tilespmem:s0+$0x118] =	vst.add.f32.msk $0xffff, v1  }
0xda: {  	v1 =	vld [tilespmem:s2+$0x79A8];
	_ =	sdelay $0x4  }
0xdb: {  	[tilespmem:s0+$0x128] =	vst.add.f32.msk $0xffff, v1  }
0xdc: {  	v1 =	vld [tilespmem:s2+$0x79B8];
	_ =	sdelay $0x4  }
0xdd: {  	[tilespmem:s0+$0x138] =	vst.add.f32.msk $0xffff, v1  }
0xde: {  	v1 =	vld [tilespmem:s2+$0x79C8];
	_ =	sdelay $0x4  }
0xdf: {  	[tilespmem:s0+$0x148] =	vst.add.f32.msk $0xffff, v1  }
0xe0: {  	v1 =	vld [tilespmem:s2+$0x79D8];
	_ =	sdelay $0x4  }
0xe1: {  	[tilespmem:s0+$0x158] =	vst.add.f32.msk $0xffff, v1  }
0xe2: {  	v1 =	vld [tilespmem:s2+$0x79E8];
	_ =	sdelay $0x4  }
0xe3: {  	[tilespmem:s0+$0x168] =	vst.add.f32.msk $0xffff, v1  }
0xe4: {  	v1 =	vld [tilespmem:s2+$0x79F8];
	_ =	sdelay $0x2  }
0xe5: {  	p1 =	sgt.u32 s25, $0x270F0  }
0xe6: {  	s2 =	sand.u32 @!p1 $0x3FFF8, s25  }
0xe7: {  	s8 =	sadd.s32 $0x108, s0;
	[tilespmem:s0+$0x178] =	vst.add.f32.msk $0xffff, v1;
	s0 =	sadd.s32 @!p1 s1, s2;
	s2 =	sand.u32 @!p1 $0x7, s25  }
0xe8: {  	[hbm4b:s0+s2] =	stream.linear.scatter @!p1 [tilespmem:s8], [sflag:$0xA], $0x80, $0x38;
	[tilespmem:$0x1F6E8] =	vst v63  }
0xe9: {  	s0 =	simm.s32 $0x0  }
0xea: {  	s0 =	simm.s32 @!p1 $0x200  }
0xeb: {  	s28 =	sadd.s32 s0, s28  }
.LBB2_16:
0xec: {  	s0 =	sadd.s32 $0x1, s19  }
0xed: {  	s2 =	smulhi.u32 $0x88888889, s0;
	_ =	sdelay $0x1  }
0xee: {  	v1 =	vld [tilespmem:s22+$0xFFFFFFC0];
	s2 =	sshrl.u32 s2, $0x7  }
0xef: {  	s2 =	smul.u32 $0xF0, s2;
	_ =	sdelay $0x1  }
0xf0: {  	s19 =	ssub.s32 s0, s2  }
0xf1: {  	s0 =	sshll.u32 s19, $0x7  }
0xf2: {  	[tilespmem:s0+$0x108] =	vst v1  }
0xf3: {  	v1 =	vld [tilespmem:s22+$0xFFFFFFD0];
	_ =	sdelay $0x4  }
0xf4: {  	[tilespmem:s0+$0x118] =	vst v1  }
0xf5: {  	v1 =	vld [tilespmem:s22+$0xFFFFFFE0];
	_ =	sdelay $0x4  }
0xf6: {  	[tilespmem:s0+$0x128] =	vst v1  }
0xf7: {  	v1 =	vld [tilespmem:s22+$0xFFFFFFF0];
	_ =	sdelay $0x4  }
0xf8: {  	[tilespmem:s0+$0x138] =	vst v1  }
0xf9: {  	v1 =	vld [tilespmem:s22+$0x0];
	_ =	sdelay $0x4  }
0xfa: {  	[tilespmem:s0+$0x148] =	vst v1  }
0xfb: {  	v1 =	vld [tilespmem:s22+$0x10];
	_ =	sdelay $0x4  }
0xfc: {  	[tilespmem:s0+$0x158] =	vst v1  }
0xfd: {  	v1 =	vld [tilespmem:s22+$0x20];
	_ =	sdelay $0x4  }
0xfe: {  	[tilespmem:s0+$0x168] =	vst v1  }
0xff: {  	v1 =	vld [tilespmem:s22+$0x30]  }
.Ltmp15:
0x100: {  	_ = 	snop;
	(pc) =	sbr.rel .LBB2_17-.Ltmp15, $2  }
0x101: {  	_ =	sdelay $0x2  }
0x102: {  	s24 =	sadd.s32 $0x1, s24;
	[tilespmem:s0+$0x178] =	vst v1  }
.LBB2_19:
.Ltmp16:
0x103: {  	(pc) =	sbr.rel .LBB2_20-.Ltmp16, $4  }
0x104: {  	_ = 	snop  }
0x105: {  	s0 =	simm.s32 $0x2  }
0x106: {  	_ =	swait.ge [sflag:s0], $0x0  }
0x107: {  	s26 =	smov.u32 s25;
	[sflag:s0] =	ssyncset.done $0x0;
	s0 =	simm.s32 $0x0  }
.LBB2_22:
0x108: {  	_ =	sfence.sel $0x180000  }
0x109: {  	s0 =	simm.s32 $0x7;
	[bflag:$0x0] =	sbarrier.arrive $0xFFFF  }
0x10a: {  	s25 =	simm.s32 $0x8;
	[sflag:s0] =	ssyncpa.u1 $0x1  }
0x10b: {  	s26 =	simm.s32 $0x9;
	[sflag:s25] =	ssyncpa.u1 $0x1  }
0x10c: {  	s28 =	simm.s32 $0x2;
	[sflag:s26] =	ssyncpa.u1 $0x1  }
0x10d: {  	[sflag:s28] =	ssyncpa.u1 $0x1  }
0x10e: {  	v0 =	vld [tilespmem:$0xF208];
	_ =	sdelay $0x4  }
0x10f: {  	(v2sf) =	vpush v0, $0x0  }
0x110: {  	(v2sf) =	vpush v0, $0x1;
	_ =	sdelay $0x1  }
0x111: {  	(v2sf) =	vpush v0, $0x2;
	_ =	sdelay $0xb  }
0x112: {  	s0 =	spop (v2sf)  }
0x113: {  	s2 =	spop (v2sf)  }
0x114: {  	s3 =	smov.u32 s0;
	p0 =	sne.s32 s0, s2  }
0x115: {  	s4 =	spop (v2sf);
	s3 =	simm.s32 @!p0 $0xFFFFFFFF  }
0x116: {  	v2 =	vimm.s32 $0x1;
	v3 =	vlaneseq.u32;
	p0 =	seq.s32 s4, $0xFFFFFFFF;
	v1 =	vmov s3  }
0x117: {  	s7 =	stileid.u32;
	v0 =	vperm.xlane v0, v2;
	p1 =	sne.s32 @!p0 s0, s2;
	v1 =	vperm.xlane v1, v3  }
0x118: {  	vm0 =	vcmask $0x3F04;
	s6 =	simm.s32 $0xF208;
	s0 =	simm.s32 @!p0 $0x1;
	p1 =	por !p1, p0  }
0x119: {  	s3 =	sshll.u32 s7, $0x1;
	s2 =	sshll.u32 @!p0 s4, $0x9;
	s0 =	simm.s32 @p1 $0x0;
	v0 =	vsel vm0, v1, v0  }
0x11a: {  	s5 =	sor.u32 $0x1000, s3;
	s2 =	sshra.s32 @!p0 s2, $0x2;
	s0 =	sor.u32 @!p0 s0, s3;
	[tilespmem:$0xF208] =	vst v0  }
0x11b: {  	[spmem:s5] =	stream.linear.scatter [tilespmem:s6], [sflag:$0x1], $0x2, $0x38;
	[tilespmem:$0x1F6E8] =	vst v63  }
0x11c: {  	s2 =	sadd.s32 @!p0 $0x108, s2;
	s0 =	sshll.u32 @!p0 s0, $0x7  }
0x11d: {  	[spmem:s0] =	stream.linear.scatter @!p0 [tilespmem:s2], [sflag:$0x1], $0x80, $0x38;
	[tilespmem:$0x1F6E8] =	vst v63  }
0x11e: {  	s0 =	simm.s32 @!p0 $0x82  }
0x11f: {  	s3 =	simm.s32 $0x1;
	s0 =	simm.s32 @p0 $0x2  }
0x120: {  	_ =	swait.ge [sflag:s3], s0  }
0x121: {  	s0 =	ssub.s32 $0x0, s0;
	[sflag:s3] =	ssyncset.done $0x0  }
0x122: {  	[sflag:s3] =	ssyncadd.s32 s0  }
0x123: {  	_ =	sfence.stream.spmem  }
0x124: {  	s29 =	simm.s32 $0x3;
	[bflag:$0x0] =	sbarrier.arrive $0xFFFF  }
0x125: {  	s30 =	simm.s32 $0x4;
	[sflag:s29] =	ssyncpa.u1 $0x1  }
0x126: {  	s31 =	simm.s32 $0x3C;
	[sflag:s30] =	ssyncpa.u1 $0x1  }
0x127: {  	p0 =	sne.s32 s7, $0x0;
	[sflag:s31] =	ssyncpa.u1 $0x1  }
0x128: {  	_ =	sfence @p0  }
0x129: {  	[sflag:s3] =	ssyncpa.u1 @p0 $0x1  }
0x12a: {  	_ =	strace @p0 $0x9000004D  }
0x12b: {  	[bflag:$0x2] =	sbarrier.arrive @p0 $0xFFFF  }
0x12c: {  	_ =	shalt @p0  }
.LBB2_23:
0x12d: {  	_ =	sfence.stream.spmem;
	s0 =	simm.s32 $0x5  }
0x12e: {  	s2 =	simm.s32 $0x1000;
	s3 =	simm.s32 $0xF218;
	[sflag:s0] =	ssyncpa.u1 $0x0  }
0x12f: {  	[tilespmem:s3], [sflag:$0x5] =	stream.linear.gather [spmem:s2], $0x20, $0x38;
	[tilespmem:$0x1F6E8] =	vst v63  }
0x130: {  	s30 =	simm.s32 $0xF238;
	s2 =	simm.s32 $0x0  }
0x131: {  	[tilespmem:s30], [sflag:$0x5] =	stream.linear.gather [spmem:s2], $0x1000, $0x38;
	[tilespmem:$0x1F6E8] =	vst v63  }
.Ltmp17:
0x132: {  	_ = 	snop;
	(pc) =	sbr.rel .LBB2_24-.Ltmp17, $4  }
0x133: {  	_ =	swait.ge [sflag:s0], $0x1020  }
0x134: {  	[sflag:s0] =	ssyncset.done $0x0  }
0x135: {  	s31 =	simm.s32 $0x6;
	[sflag:s0] =	ssyncadd.s32 $0xFFFFEFE0  }
0x136: {  	s3 =	simm.s32 $0x0;
	[sflag:s31] =	ssyncpa.u1 $0x0  }
.LBB2_30:
0x137: {  	p0 =	slt.u32 s4, $0x270F1  }
0x138: {  	s0 =	sand.u32 @p0 $0x3FFF8, s4  }
0x139: {  	s4 =	sand.u32 @p0 $0x7, s4;
	s5 =	simm.s32 @p0 $0xF188;
	s0 =	sadd.s32 @p0 s1, s0  }
0x13a: {  	[tilespmem:s5], [sflag:$0x6] =	stream.linear.gather @p0 [hbm4b:s0+s4], $0x80, $0x38;
	[tilespmem:$0x1F6E8] =	vst v63  }
0x13b: {  	s0 =	simm.s32 @p0 $0x6  }
0x13c: {  	_ =	swait.ge @p0 [sflag:s0], $0x80  }
0x13d: {  	[sflag:s0] =	ssyncset.done @p0 $0x0  }
0x13e: {  	[sflag:s0] =	ssyncadd.s32 @p0 $0xFFFFFF80  }
0x13f: {  	v1 =	vld @p0 [tilespmem:$0xF188];
	_ =	sdelay $0x2  }
0x140: {  	s0 =	sshll.u32 @p0 s3, $0x9  }
0x141: {  	s4 =	sshrl.u32 @p0 s0, $0x2  }
0x142: {  	[tilespmem:s4+$0xF238] =	vst.add.f32.msk @p0 $0xffff, v1  }
0x143: {  	v1 =	vld @p0 [tilespmem:$0xF198];
	_ =	sdelay $0x4  }
0x144: {  	[tilespmem:s4+$0xF248] =	vst.add.f32.msk @p0 $0xffff, v1  }
0x145: {  	v1 =	vld @p0 [tilespmem:$0xF1A8];
	_ =	sdelay $0x4  }
0x146: {  	[tilespmem:s4+$0xF258] =	vst.add.f32.msk @p0 $0xffff, v1  }
0x147: {  	v1 =	vld @p0 [tilespmem:$0xF1B8];
	_ =	sdelay $0x4  }
0x148: {  	[tilespmem:s4+$0xF268] =	vst.add.f32.msk @p0 $0xffff, v1  }
0x149: {  	v1 =	vld @p0 [tilespmem:$0xF1C8];
	_ =	sdelay $0x4  }
0x14a: {  	[tilespmem:s4+$0xF278] =	vst.add.f32.msk @p0 $0xffff, v1  }
0x14b: {  	v1 =	vld @p0 [tilespmem:$0xF1D8];
	_ =	sdelay $0x4  }
0x14c: {  	[tilespmem:s4+$0xF288] =	vst.add.f32.msk @p0 $0xffff, v1  }
0x14d: {  	v1 =	vld @p0 [tilespmem:$0xF1E8];
	_ =	sdelay $0x4  }
0x14e: {  	[tilespmem:s4+$0xF298] =	vst.add.f32.msk @p0 $0xffff, v1  }
0x14f: {  	v1 =	vld @p0 [tilespmem:$0xF1F8];
	_ =	sdelay $0x3  }
0x150: {  	s5 =	sshll.u32 @!p0 s3, $0x9  }
0x151: {  	s5 =	smov.u32 @p0 s0;
	[tilespmem:s4+$0xF2A8] =	vst.add.f32.msk @p0 $0xffff, v1  }
0x152: {  	s0 =	sshrl.u32 s5, $0x2;
	[tilespmem:s2+$0xF218] =	vst.msk $0x1, v0  }
0x153: {  	v0 =	vld [tilespmem:s0+$0xF238];
	_ =	sdelay $0x2  }
0x154: {  	s31 =	sshll.u32 s2, $0x9  }
0x155: {  	s4 =	sshra.s32 s31, $0x2  }
0x156: {  	[tilespmem:s4+$0xF238] =	vst v0  }
0x157: {  	v0 =	vld [tilespmem:s0+$0xF248];
	_ =	sdelay $0x4  }
0x158: {  	[tilespmem:s4+$0xF248] =	vst v0  }
0x159: {  	v0 =	vld [tilespmem:s0+$0xF258];
	_ =	sdelay $0x4  }
0x15a: {  	[tilespmem:s4+$0xF258] =	vst v0  }
0x15b: {  	v0 =	vld [tilespmem:s0+$0xF268];
	_ =	sdelay $0x4  }
0x15c: {  	[tilespmem:s4+$0xF268] =	vst v0  }
0x15d: {  	v0 =	vld [tilespmem:s0+$0xF278];
	_ =	sdelay $0x4  }
0x15e: {  	[tilespmem:s4+$0xF278] =	vst v0  }
0x15f: {  	v0 =	vld [tilespmem:s0+$0xF288];
	_ =	sdelay $0x4  }
0x160: {  	[tilespmem:s4+$0xF288] =	vst v0  }
0x161: {  	v0 =	vld [tilespmem:s0+$0xF298];
	_ =	sdelay $0x4  }
0x162: {  	[tilespmem:s4+$0xF298] =	vst v0  }
0x163: {  	v0 =	vld [tilespmem:s0+$0xF2A8];
	_ =	sdelay $0x4  }
0x164: {  	s2 =	sadd.s32 $0x1, s2;
	[tilespmem:s4+$0xF2A8] =	vst v0  }
.LBB2_31:
0x165: {  	s3 =	sadd.s32 $0x1, s3  }
0x166: {  	p0 =	sne.s32 s3, $0x20  }
.Ltmp18:
0x167: {  	_ = 	snop;
	(pc) =	sbr.rel @!p0 .LBB2_32-.Ltmp18, $1  }
0x168: {  	_ =	sdelay $0x3  }
.LBB2_24:
0x169: {  	v0 =	vld.msk [tilespmem:s3+$0xF218], $0x1;
	_ =	sdelay $0x4  }
0x16a: {  	(v2sf) =	vpush v0, $0x0;
	_ =	sdelay $0xe  }
0x16b: {  	s4 =	spop (v2sf)  }
0x16c: {  	p0 =	seq.s32 s4, $0xFFFFFFFF  }
.Ltmp19:
0x16d: {  	_ = 	snop;
	(pc) =	sbr.rel @p0 .LBB2_31-.Ltmp19, $1  }
0x16e: {  	_ =	sdelay $0x3  }
0x16f: {  	p0 =	slt.s32 s2, $0x1  }
.Ltmp20:
0x170: {  	_ = 	snop;
	(pc) =	sbr.rel @p0 .LBB2_30-.Ltmp20, $1  }
0x171: {  	_ =	sdelay $0x3  }
0x172: {  	s5 =	simm.s32 $0xF218;
	p0 =	por $0x0, $0x0  }
0x173: {  	v1 =	vld.msk @!p0 [tilespmem:s5+$0x0], $0x1;
	_ =	sdelay $0x4  }
0x174: {  	(v2sf) =	vpush @!p0 v1, $0x0;
	_ =	sdelay $0xd  }
0x175: {  	p2 =	sne.s32 s2, $0x1  }
.Ltmp21:
0x176: {  	s0 =	spop @!p0 (v2sf);
	(pc) =	sbr.rel @!p2 .LBB2_28-.Ltmp21, $4  }
0x177: {  	p1 =	seq.s32 @!p0 s4, s0  }
0x178: {  	s6 =	simm.s32 $0x0;
	p1 =	por !p1, p0  }
0x179: {  	s0 =	simm.s32 $0xFFFFFFFF;
	s6 =	simm.s32 @p1 $0xFFFFFFFF  }
0x17a: {  	s7 =	simm.s32 $0x1;
	s6 =	smov.u32 @p0 s0  }
.LBB2_27:
0x17b: {  	s0 =	smov.u32 s6;
	p0 =	sne.s32 s6, $0xFFFFFFFF  }
0x17c: {  	s5 =	sadd.s32 $0x1, s5;
	s6 =	smov.u32 s7;
	s7 =	sadd.s32 $0x1, s7  }
0x17d: {  	p1 =	sne.s32 s2, s7;
	v1 =	vld.msk @!p0 [tilespmem:s5+$0x0], $0x1;
	_ =	sdelay $0x4  }
0x17e: {  	(v2sf) =	vpush @!p0 v1, $0x0;
	_ =	sdelay $0xe  }
.Ltmp22:
0x17f: {  	s8 =	spop @!p0 (v2sf);
	(pc) =	sbr.rel @p1 .LBB2_27-.Ltmp22, $4  }
0x180: {  	p2 =	seq.s32 @!p0 s4, s8  }
0x181: {  	p2 =	por !p2, p0  }
0x182: {  	s6 =	simm.s32 @p2 $0xFFFFFFFF  }
0x183: {  	s6 =	smov.u32 @p0 s0  }
.LBB2_28:
0x184: {  	p0 =	seq.s32 s6, $0xFFFFFFFF  }
.Ltmp23:
0x185: {  	_ = 	snop;
	(pc) =	sbr.rel @p0 .LBB2_30-.Ltmp23, $1  }
0x186: {  	_ =	sdelay $0x3  }
0x187: {  	s0 =	sshll.u32 s3, $0x7  }
0x188: {  	s0 =	sand.u32 $0x3FFFFF80, s0  }
0x189: {  	v0 =	vld [tilespmem:s0+$0xF238];
	_ =	sdelay $0x2  }
0x18a: {  	s4 =	sshll.u32 s6, $0x9  }
0x18b: {  	s4 =	sshra.s32 s4, $0x2  }
0x18c: {  	[tilespmem:s4+$0xF238] =	vst.add.f32.msk $0xffff, v0  }
0x18d: {  	v0 =	vld [tilespmem:s0+$0xF248];
	_ =	sdelay $0x4  }
0x18e: {  	[tilespmem:s4+$0xF248] =	vst.add.f32.msk $0xffff, v0  }
0x18f: {  	v0 =	vld [tilespmem:s0+$0xF258];
	_ =	sdelay $0x4  }
0x190: {  	[tilespmem:s4+$0xF258] =	vst.add.f32.msk $0xffff, v0  }
0x191: {  	v0 =	vld [tilespmem:s0+$0xF268];
	_ =	sdelay $0x4  }
0x192: {  	[tilespmem:s4+$0xF268] =	vst.add.f32.msk $0xffff, v0  }
0x193: {  	v0 =	vld [tilespmem:s0+$0xF278];
	_ =	sdelay $0x4  }
0x194: {  	[tilespmem:s4+$0xF278] =	vst.add.f32.msk $0xffff, v0  }
0x195: {  	v0 =	vld [tilespmem:s0+$0xF288];
	_ =	sdelay $0x4  }
0x196: {  	[tilespmem:s4+$0xF288] =	vst.add.f32.msk $0xffff, v0  }
0x197: {  	v0 =	vld [tilespmem:s0+$0xF298];
	_ =	sdelay $0x4  }
0x198: {  	[tilespmem:s4+$0xF298] =	vst.add.f32.msk $0xffff, v0  }
0x199: {  	v0 =	vld [tilespmem:s0+$0xF2A8]  }
.Ltmp24:
0x19a: {  	_ = 	snop;
	(pc) =	sbr.rel .LBB2_31-.Ltmp24, $2  }
0x19b: {  	_ =	sdelay $0x2  }
0x19c: {  	[tilespmem:s4+$0xF2A8] =	vst.add.f32.msk $0xffff, v0  }
.LBB2_32:
0x19d: {  	p0 =	slt.s32 s2, $0x1  }
.Ltmp25:
0x19e: {  	_ = 	snop;
	(pc) =	sbr.rel @p0 .LBB2_36-.Ltmp25, $3  }
0x19f: {  	_ =	sdelay $0x1  }
0x1a0: {  	s0 =	simm.s32 $0x6  }
0x1a1: {  	s3 =	simm.s32 $0x0;
	[sflag:s0] =	ssyncpa.u1 $0x1  }
0x1a2: {  	s0 =	simm.s32 $0xF218  }
0x1a3: {  	v0 =	vld.msk [tilespmem:s0+$0x0], $0x1;
	_ =	sdelay $0x4  }
0x1a4: {  	(v2sf) =	vpush v0, $0x0;
	_ =	sdelay $0xd  }
0x1a5: {  	s2 =	sadd.s32 $0xFFFFFFFF, s2  }
0x1a6: {  	p1 =	sne.s32 s2, $0x0;
	s0 =	spop (v2sf)  }
.Ltmp26:
0x1a7: {  	p0 =	sgt.u32 s0, $0x270F0;
	(pc) =	sbr.rel @!p1 .LBB2_35-.Ltmp26, $4  }
0x1a8: {  	s4 =	simm.s32 $0xF238;
	s5 =	sand.u32 @!p0 $0x3FFF8, s0  }
0x1a9: {  	s6 =	simm.s32 $0x0;
	s0 =	sand.u32 @!p0 $0x7, s0;
	s5 =	sadd.s32 @!p0 s1, s5  }
0x1aa: {  	[hbm4b:s5+s0] =	stream.linear.scatter @!p0 [tilespmem:s4], [sflag:$0x5], $0x80, $0x38;
	[tilespmem:$0x1F6E8] =	vst v63  }
0x1ab: {  	s6 =	simm.s32 @!p0 $0x200;
	s5 =	simm.s32 $0xF219  }
.LBB2_34:
0x1ac: {  	v0 =	vld.msk [tilespmem:s5+$0x0], $0x1;
	s2 =	sadd.s32 $0xFFFFFFFF, s2;
	s3 =	sadd.s32 s3, s6  }
0x1ad: {  	p0 =	sne.s32 s2, $0x0;
	_ =	sdelay $0x3  }
0x1ae: {  	(v2sf) =	vpush v0, $0x0;
	_ =	sdelay $0xe  }
.Ltmp27:
0x1af: {  	s0 =	spop (v2sf);
	(pc) =	sbr.rel @p0 .LBB2_34-.Ltmp27, $4  }
0x1b0: {  	s6 =	simm.s32 $0x0;
	p1 =	sgt.u32 s0, $0x270F0  }
0x1b1: {  	s4 =	sadd.s32 $0x80, s4;
	s6 =	simm.s32 @!p1 $0x200;
	s7 =	sand.u32 @!p1 $0x3FFF8, s0  }
0x1b2: {  	s5 =	sadd.s32 $0x1, s5;
	s0 =	sand.u32 @!p1 $0x7, s0;
	s7 =	sadd.s32 @!p1 s1, s7  }
0x1b3: {  	[hbm4b:s7+s0] =	stream.linear.scatter @!p1 [tilespmem:s4], [sflag:$0x5], $0x80, $0x38;
	[tilespmem:$0x1F6E8] =	vst v63  }
.LBB2_35:
0x1b4: {  	s0 =	sadd.s32 s3, s6  }
0x1b5: {  	s3 =	sshrl.u32 s0, $0x2  }
.LBB2_36:
0x1b6: {  	s0 =	simm.s32 $0x5  }
0x1b7: {  	_ =	swait.ge [sflag:s0], s3  }
0x1b8: {  	s1 =	ssub.s32 $0x0, s3;
	[sflag:s0] =	ssyncset.done $0x0  }
0x1b9: {  	[sflag:s0] =	ssyncadd.s32 s1  }
0x1ba: {  	[sflag:s0] =	ssyncpa.u1 $0x1  }
0x1bb: {  	s30 =	simm.s32 $0x1;
	_ =	sfence  }
0x1bc: {  	[sflag:s30] =	ssyncpa.u1 $0x1  }
0x1bd: {  	_ =	strace $0x9000004D  }
0x1be: {  	[bflag:$0x2] =	sbarrier.arrive $0xFFFF  }
0x1bf: {  	s31 =	rddreg [dreg:$0x1]  }
0x1c0: {  	s0 =	sadd.s32 $0x100000, s31  }
0x1c1: {  	[sflag:s0] =	ssyncadd.tile.s32 $0x1;
	_ =	shalt  }
.Lfunc_end2:
_tile_overlayer_lowered:
.L_overlay_start_2:
0x1c2: {  	(tag) =	ssettag $0x2  }
0x1c3: {  	s0 =	rddreg [dreg:$0x0];
	s2 =	stileid.u32  }
0x1c4: {  	s1 =	rddreg [dreg:$0x1];
	p0 =	sne.s32 s2, $0x0  }
0x1c5: {  	s3 =	rddreg [dreg:$0x2];
	[bflag:$0x3] =	sbarrier.arrive $0xFFFF;
	s2 =	simm.s32 @!p0 $0x1C01  }
0x1c6: {  	[timem:s3], [sflag:s2] =	dma.local @!p0 [hbm:s0], s1  }
0x1c7: {  	s0 =	simm.s32 @!p0 $0x1  }
0x1c8: {  	_ =	swait.ge @!p0 [sflag:s0], s1  }
0x1c9: {  	s1 =	ssub.s32 @!p0 $0x0, s1;
	[sflag:s0] =	ssyncset.done @!p0 $0x0  }
0x1ca: {  	[sflag:s0] =	ssyncadd.s32 @!p0 s1  }
0x1cb: {  	[bflag:$0x3] =	sbarrier.arrive $0xFFFF  }
0x1cc: {  	_ =	shalt  }

// kernel: scatter_offload_async_start.2
scs
__scs_entry_jumppad:
0x0: {  	(pc) =	sbr.rel $0x88, $3  }
0x1: {  	(tag) =	ssettag $0x0;
	lr =	simm.s32 $0x1  }
0x2: {  	[smem:$0x3F8A] =	sst lr;
	_ =	strace $0xD0000000  }
0x3: {  	_ = 	snop  }
0x4: {  	_ = 	snop  }
0x5: {  	_ = 	snop  }
0x6: {  	_ = 	snop  }
0x7: {  	_ = 	snop  }
__scs_overlays_trampoline_lowered:
0x8: {  	[smem:$0x3F99] =	sst s0  }
0x9: {  	[smem:$0x3F9A] =	sst s1  }
0xa: {  	[smem:$0x3F9B] =	sst s2  }
0xb: {  	[smem:$0x3F9C] =	sst s3  }
0xc: {  	[smem:$0x3F9D] =	sst s4  }
0xd: {  	[smem:$0x3F9E] =	sst s5  }
0xe: {  	[smem:$0x3F9F] =	sst s6  }
0xf: {  	[smem:$0x3FA0] =	sst s7  }
0x10: {  	[smem:$0x3FA1] =	sst s8  }
0x11: {  	[smem:$0x3FA2] =	sst s9;
	s0 =	simm.s32 @!p0 $0x0  }
0x12: {  	s1 =	sld [smem:$0x3F88];
	s0 =	simm.s32 @p0 $0x1  }
0x13: {  	[smem:$0x3FA3] =	sst s0;
	s0 =	simm.s32 @!p1 $0x0  }
0x14: {  	s2 =	sld [smem:$0x3F87];
	s0 =	simm.s32 @p1 $0x1  }
0x15: {  	[smem:$0x3FA4] =	sst s0;
	s0 =	simm.s32 @!p2 $0x0  }
0x16: {  	s3 =	sld [smem:$0x3FDB];
	s0 =	simm.s32 @p2 $0x1  }
0x17: {  	s4 =	simm.s32 $0x1BF5;
	[smem:$0x3FA6] =	sst s0  }
0x18: {  	s0 =	sld [smem:$0x3F89];
	_ =	swait.ge [sflag:s4], $0x0  }
0x19: {  	s7 =	sld [smem:$0x3F8A]  }
0x1a: {  	s8 =	sadd.s32 $0xFFFFE003, lr  }
0x1b: {  	s9 =	sadd.s32 $0xFFFFFEF7, lr;
	s5 =	simm.s32 $0xFFFFFFFF;
	p2 =	slt.u32 s8, $0xFFFFF086  }
0x1c: {  	p1 =	slt.u32 s9, $0xF7A;
	s5 =	simm.s32 @!p2 $0x0  }
0x1d: {  	s5 =	simm.s32 @p1 $0x1;
	p0 =	seq.s32 s7, s2  }
0x1e: {  	s7 =	smul.u32 @!p0 $0xF7A, s2;
	p2 =	seq.s32 @!p0 s5, $0x0  }
0x1f: {  	s9 =	smul.u32 $0xF7A, s1;
	s8 =	simm.s32 @!p0 $0x1BF5;
	p2 =	por !p2, p0  }
0x20: {  	[sflag:s8] =	ssyncset.s32 @!p0 $0xFFFFF086;
	s6 =	sadd.s32 @!p0 s3, s7;
	s7 =	simm.s32 @!p0 $0x108  }
0x21: {  	s3 =	sadd.s32 s3, s9;
	s6 =	sadd.s32 @!p0 $0x88, s6;
	s7 =	simm.s32 @p2 $0x1082  }
0x22: {  	[simem:s7], [sflag:s8] =	dma.local @!p0 [hbm:s6], $0xF7A  }
0x23: {  	s9 =	sor.u32 $0xD0000000, s2;
	s6 =	simm.s32 $0x108;
	_ =	swait.ge @!p0 [sflag:s8], $0x0  }
0x24: {  	s3 =	sadd.s32 $0x88, s3;
	s6 =	simm.s32 @!p1 $0x1082;
	[sflag:s4] =	ssyncset.s32 $0xFFFFF086  }
0x25: {  	[simem:s6], [sflag:s4] =	dma.local [hbm:s3], $0xF7A  }
0x26: {  	[smem:$0x3F8A] =	sst s1;
	(tag) =	ssettag s2;
	_ =	strace s9  }
0x27: {  	s1 =	sld [smem:$0x3F9A]  }
0x28: {  	s2 =	sld [smem:$0x3F9B]  }
0x29: {  	s4 =	sld [smem:$0x3F9D]  }
0x2a: {  	p0 =	seq.s32 s5, $0x0;
	s5 =	sld [smem:$0x3F9E]  }
0x2b: {  	s6 =	sld [smem:$0x3F9F]  }
0x2c: {  	s7 =	sld [smem:$0x3FA0]  }
0x2d: {  	s3 =	simm.s32 $0x108;
	s8 =	sld [smem:$0x3FA1]  }
0x2e: {  	s3 =	simm.s32 @!p0 $0x1082;
	s9 =	sld [smem:$0x3FA2]  }
0x2f: {  	lr =	sadd.s32 s0, s3;
	s0 =	sld [smem:$0x3F99]  }
0x30: {  	s3 =	sld [smem:$0x3F9C]  }
0x31: {  	[smem:$0x3FA5] =	sst s10  }
0x32: {  	s10 =	sld [smem:$0x3FA3];
	_ =	sdelay $0x3  }
0x33: {  	p0 =	seq.s32 s10, $0x1;
	s10 =	sld [smem:$0x3FA5];
	_ =	sdelay $0x3  }
0x34: {  	[smem:$0x3FA5] =	sst s10  }
0x35: {  	s10 =	sld [smem:$0x3FA4];
	_ =	sdelay $0x3  }
0x36: {  	p1 =	seq.s32 s10, $0x1;
	s10 =	sld [smem:$0x3FA5];
	_ =	sdelay $0x3  }
0x37: {  	[smem:$0x3FA5] =	sst s10  }
0x38: {  	s10 =	sld [smem:$0x3FA6]  }
0x39: {  	_ = 	snop;
	(pc) =	sbr.ind lr, $3  }
0x3a: {  	_ = 	snop  }
0x3b: {  	_ = 	snop  }
0x3c: {  	p2 =	seq.s32 s10, $0x1;
	s10 =	sld [smem:$0x3FA5]  }
0x3d: {  	_ =	shalt  }
0x3e: {  	_ =	shalt  }
0x3f: {  	_ =	shalt  }
0x40: {  	_ =	shalt  }
0x41: {  	_ =	shalt  }
0x42: {  	_ =	shalt  }
0x43: {  	_ =	shalt  }
0x44: {  	_ =	shalt  }
0x45: {  	_ =	shalt  }
0x46: {  	_ =	shalt  }
0x47: {  	_ =	shalt  }
0x48: {  	_ =	shalt  }
0x49: {  	_ =	shalt  }
0x4a: {  	_ =	shalt  }
0x4b: {  	_ =	shalt  }
0x4c: {  	_ =	shalt  }
0x4d: {  	_ =	shalt  }
0x4e: {  	_ =	shalt  }
0x4f: {  	_ =	shalt  }
0x50: {  	_ =	shalt  }
0x51: {  	_ =	shalt  }
0x52: {  	_ =	shalt  }
0x53: {  	_ =	shalt  }
0x54: {  	_ =	shalt  }
0x55: {  	_ =	shalt  }
0x56: {  	_ =	shalt  }
0x57: {  	_ =	shalt  }
0x58: {  	_ =	shalt  }
0x59: {  	_ =	shalt  }
0x5a: {  	_ =	shalt  }
0x5b: {  	_ =	shalt  }
0x5c: {  	_ =	shalt  }
0x5d: {  	_ =	shalt  }
0x5e: {  	_ =	shalt  }
0x5f: {  	_ =	shalt  }
0x60: {  	_ =	shalt  }
0x61: {  	_ =	shalt  }
0x62: {  	_ =	shalt  }
0x63: {  	_ =	shalt  }
0x64: {  	_ =	shalt  }
0x65: {  	_ =	shalt  }
0x66: {  	_ =	shalt  }
0x67: {  	_ =	shalt  }
0x68: {  	_ =	shalt  }
0x69: {  	_ =	shalt  }
0x6a: {  	_ =	shalt  }
0x6b: {  	_ =	shalt  }
0x6c: {  	_ =	shalt  }
0x6d: {  	_ =	shalt  }
0x6e: {  	_ =	shalt  }
0x6f: {  	_ =	shalt  }
0x70: {  	_ =	shalt  }
0x71: {  	_ =	shalt  }
0x72: {  	_ =	shalt  }
0x73: {  	_ =	shalt  }
0x74: {  	_ =	shalt  }
0x75: {  	_ =	shalt  }
0x76: {  	_ =	shalt  }
0x77: {  	_ =	shalt  }
0x78: {  	_ =	shalt  }
0x79: {  	_ =	shalt  }
0x7a: {  	_ =	shalt  }
0x7b: {  	_ =	shalt  }
0x7c: {  	_ =	shalt  }
0x7d: {  	_ =	shalt  }
0x7e: {  	_ =	shalt  }
0x7f: {  	_ =	shalt  }
0x80: {  	_ =	shalt  }
0x81: {  	_ =	shalt  }
0x82: {  	_ =	shalt  }
0x83: {  	_ =	shalt  }
0x84: {  	_ =	shalt  }
0x85: {  	_ =	shalt  }
0x86: {  	_ =	shalt  }
0x87: {  	_ =	shalt  }
.Lfunc_end0:
.L_simem_size_0:
called_computation.2_lowered:
.L_overlay_start_0:
0x88: {  	s0 =	sld [smem:$0x3FD9]  }
0x89: {  	s1 =	sld [smem:$0x3FFE];
	_ =	sdelay $0x3  }
0x8a: {  	s0 =	sadd.s32 s1, s0  }
0x8b: {  	[smem:$0x3FB1] =	sst s0  }
0x8c: {  	_ = 	snop  }
0x8d: {  	(tm) =	ssettm $0x1  }
0x8e: {  	s15 =	sld [smem:$0x3FFB];
	_ =	sdelay $0x3  }
0x8f: {  	_ =	strace s15  }
0x90: {  	s0 =	sld [smem:$0x3FFC];
	_ =	sdelay $0x3  }
0x91: {  	_ =	strace s0  }
0x92: {  	s0 =	sld [smem:$0x3FFD];
	_ =	sdelay $0x3  }
0x93: {  	_ =	strace s0  }
0x94: {  	_ =	strace $0x8FFFFFFF  }
0x95: {  	s16 =	sld [smem:$0x3FDB];
	_ =	sdelay $0x1  }
0x96: {  	s17 =	simm.s32 $_scs_section_size  }
0x97: {  	s2 =	simm.s32 $_size__tile_overlayer_lowered;
	s3 =	simm.s32 $_tile_overlayer_lowered  }
0x98: {  	s20 =	simm.s32 $0x1BFF;
	s19 =	sshll.u32 s3, $0x1;
	s0 =	sadd.s32 s17, s16  }
0x99: {  	s4 =	simm.s32 $0x0;
	s18 =	sshll.u32 s2, $0x1;
	s2 =	sadd.s32 s19, s0  }
0x9a: {  	[timem:s4], [sflag:s20] =	dma.local [hbm:s2], s18  }
0x9b: {  	_ =	swait.ge [sflag:s20], s18  }
0x9c: {  	s1 =	ssub.s32 $0x0, s18;
	[sflag:s20] =	ssyncset.done $0x0  }
0x9d: {  	[sflag:s20] =	ssyncadd.s32 s1;
	_ =	sdelay $0x1  }
0x9e: {  	s21 =	simm.s32 $0x1B8B  }
0x9f: {  	_ =	swait.ge [sflag:s21], $0x1  }
0xa0: {  	[sflag:s21] =	ssyncset.done $0x0  }
0xa1: {  	s23 =	simm.s32 $0x1B8E;
	s22 =	sld [smem:$0x3FFE];
	[sflag:s21] =	ssyncadd.s32 $0xFFFFFFFF  }
0xa2: {  	s24 =	simm.s32 $execute0_lowered;
	[smem:$0x3FD2] =	sst s23  }
0xa3: {  	s2 =	sshll.u32 s24, $0x1;
	_ =	strace $0x8000004F;
	[dreg:$0x1] =	wrdreg $0xFFFFFFFF  }
0xa4: {  	s25 =	simm.s32 $_size_execute0_lowered;
	s0 =	sadd.s32 s0, s2;
	[dreg:$0x0] =	wrdreg $0x0  }
0xa5: {  	s2 =	sshll.u32 s25, $0x1;
	[dreg:$0x2] =	wrdreg s0  }
0xa6: {  	[dreg:$0x3] =	wrdreg s2  }
0xa7: {  	[dreg:$0x4] =	wrdreg $0xC0  }
0xa8: {  	_ =	task [dreg:s4], $0x5FFFF  }
0xa9: {  	[dreg:$0x1] =	wrdreg $0xFFFFFFFF  }
0xaa: {  	[dreg:$0x0] =	wrdreg $0x60  }
0xab: {  	[dreg:$0x2] =	wrdreg s22  }
0xac: {  	[dreg:$0x3] =	wrdreg $0x9  }
0xad: {  	_ =	task.clear_ibuf [dreg:s4], $0x4FFFF;
	_ =	strace $0x9000004F  }
0xae: {  	s26 =	simm.s32 $0x9;
	_ =	strace $0x80000051  }
0xaf: {  	_ =	swait.ge [sflag:s26], $0x1  }
0xb0: {  	[sflag:s26] =	ssyncadd.s32 $0xFFFFFFFF  }
0xb1: {  	_ =	strace $0x90000051  }
0xb2: {  	_ =	sfence  }
0xb3: {  	s28 =	sld [smem:$0x0];
	_ =	sdelay $0x1  }
0xb4: {  	s29 =	srdreg.scid  }
0xb5: {  	s30 =	sshll.u32 s29, $0xD;
	s31 =	sshrl.u32 s29, $0x2  }
0xb6: {  	s1 =	sand.u32 $0x1, s29;
	s2 =	sand.u32 $0x4000, s30;
	s0 =	sadd.s32 s31, s28  }
0xb7: {  	s1 =	sor.u32 s2, s1;
	s0 =	sshll.u32 s0, $0x11  }
0xb8: {  	s0 =	sor.u32 s0, s1  }
0xb9: {  	s0 =	sadd.s32 $0x8F2B, s0  }
0xba: {  	[sflag:s0] =	ssyncadd.remote.s32 $0x1  }
0xbb: {  	_ =	sfence.sel $0xFFFF  }
0xbc: {  	[dreg:$0x0] =	wrdreg $0xFFFFFFFF;
	(pc) =	sbr.abs _section_cstart, $3  }
0xbd: {  	[dreg:$0x1] =	wrdreg $0xFFFFFFFF  }
0xbe: {  	_ =	task.clear_ibuf [dreg:s4], $0x2FFFF;
	_ =	strace $0x9FFFFFFF  }
0xbf: {  	(tm) =	ssettm $0x7FFFFFFF  }
tec
execute0_lowered:
.L_overlay_start_1:
0x0: {  	(tag) =	ssettag $0x1  }
0x1: {  	s0 =	rddreg [dreg:$0x0];
	_ =	strace $0x80000050;
	s1 =	simm.s32 $0x1  }
0x2: {  	s8 =	simm.s32 $0x108;
	v0 =	vimm.s32 $0x0;
	[sflag:s1] =	ssyncpa.u1 $0x0  }
0x3: {  	[tilespmem:s8+$0x70] =	vst v0  }
0x4: {  	[tilespmem:s8+$0x60] =	vst v0  }
0x5: {  	[tilespmem:s8+$0x50] =	vst v0  }
0x6: {  	[tilespmem:s8+$0x40] =	vst v0  }
0x7: {  	[tilespmem:s8+$0x30] =	vst v0  }
0x8: {  	s2 =	simm.s32 $0x40;
	s1 =	sadd.s32 $0x2BD600, s0;
	[tilespmem:s8+$0x20] =	vst v0  }
0x9: {  	s3 =	sadd.s32 $0xF800, s0;
	s4 =	sadd.s32 $0x25400, s0;
	s5 =	sadd.s32 $0x20000, s0;
	[tilespmem:s8+$0x10] =	vst v0  }
.LBB2_1:
0xa: {  	s2 =	sadd.s32 $0x40, s2;
	[tilespmem:s8+$0x0] =	vst v0;
	s8 =	sadd.s32 $0x80, s8  }
0xb: {  	p0 =	slt.u32 s2, $0x3C40;
	[tilespmem:s8+$0x70] =	vst v0  }
0xc: {  	[tilespmem:s8+$0x60] =	vst v0  }
.Ltmp0:
0xd: {  	[tilespmem:s8+$0x50] =	vst v0;
	(pc) =	sbr.rel @p0 .LBB2_1-.Ltmp0, $4  }
0xe: {  	[tilespmem:s8+$0x40] =	vst v0  }
0xf: {  	[tilespmem:s8+$0x30] =	vst v0  }
0x10: {  	[tilespmem:s8+$0x20] =	vst v0  }
0x11: {  	[tilespmem:s8+$0x10] =	vst v0  }
0x12: {  	s13 =	stileid.u32  }
0x13: {  	s0 =	smul.u32 $0x2C, s13  }
0x14: {  	s2 =	smin.u32 s13, $0x5  }
0x15: {  	s0 =	sadd.s32 s2, s0  }
0x16: {  	p0 =	slt.u32 s13, $0x5;
	s6 =	smul.u32 $0xF0, s0;
	s0 =	simm.s32 $0x2A30  }
0x17: {  	s0 =	simm.s32 @!p0 $0x2940  }
0x18: {  	s0 =	sadd.s32 s0, s6  }
0x19: {  	s7 =	smin.u32 s0, $0x29810  }
0x1a: {  	s0 =	ssub.s32 s7, s6  }
0x1b: {  	p0 =	sgt.s32 s0, $0x0  }
0x1c: {  	s0 =	simm.s32 @!p0 $0x0  }
0x1d: {  	s31 =	smulhi.u32 $0x88888889, s0  }
0x1e: {  	s30 =	simm.s32 $0x2;
	s9 =	simm.s32 $0x7;
	s10 =	simm.s32 $0x8  }
0x1f: {  	s19 =	simm.s32 $0x0;
	s15 =	simm.s32 $0xA;
	s2 =	sshrl.u32 s31, $0x7  }
0x20: {  	s17 =	simm.s32 $0x0;
	s18 =	simm.s32 $0x0;
	s11 =	smul.u32 $0xF0, s2  }
.Ltmp1:
0x21: {  	[tilespmem:s8+$0x0] =	vst v0;
	v0 =	vimm.s32 $0xFFFFFFFF;
	[sflag:s30] =	ssyncpa.u1 $0x0;
	s13 =	sshll.u32 s13, $0x8;
	(pc) =	sbr.rel .LBB2_3-.Ltmp1, $4  }
0x22: {  	[tilespmem:$0xF208] =	vst v0;
	[sflag:s9] =	ssyncpa.u1 $0x0;
	p0 =	sne.s32 s0, s11;
	s0 =	simm.s32 $0x1  }
0x23: {  	[sflag:s10] =	ssyncpa.u1 $0x0;
	s10 =	simm.s32 $0x9;
	s0 =	simm.s32 @!p0 $0x0  }
0x24: {  	[sflag:s10] =	ssyncpa.u1 $0x0;
	s16 =	smov.u32 s6;
	s12 =	sadd.s32 s0, s2  }
0x25: {  	v0 =	vlaneseq.u32;
	s11 =	simm.s32 $0x1;
	p0 =	por $0x0, $0x0;
	s14 =	sadd.s32 $0x1, s12  }
.LBB2_18:
0x26: {  	s0 =	sshrl.u32 s28, $0x2  }
.LBB2_20:
0x27: {  	_ =	swait.ge [sflag:s15], s0  }
0x28: {  	s31 =	ssub.s32 $0x0, s0;
	v1 =	vmov s21;
	vm0 =	veq.s32 v0, $0x0;
	[sflag:s15] =	ssyncset.done $0x0  }
0x29: {  	vm15 =	veq.s32 v0, $0x2;
	v1 =	vsel vm0, s26, v1;
	[sflag:s15] =	ssyncadd.s32 s31  }
0x2a: {  	v1 =	vsel vm15, s19, v1;
	[sflag:s15] =	ssyncpa.u1 $0x1  }
0x2b: {  	[tilespmem:$0xF208] =	vst v1  }
.LBB2_21:
0x2c: {  	s0 =	sadd.s32 $0xF0, s16  }
0x2d: {  	s2 =	smov.u32 s6;
	p1 =	slt.s32 s0, s7  }
0x2e: {  	s2 =	smov.u32 @p1 s0;
	p1 =	sne.s32 s18, s14  }
.Ltmp2:
0x2f: {  	_ = 	snop;
	(pc) =	sbr.rel @!p1 .LBB2_22-.Ltmp2, $3  }
0x30: {  	_ =	sdelay $0x1  }
0x31: {  	s19 =	smov.u32 s17;
	s31 =	sadd.s32 $0x1, s18;
	s17 =	smov.u32 s16  }
0x32: {  	p0 =	por !p0, !p0;
	s18 =	smov.u32 s31;
	s16 =	smov.u32 s2  }
.LBB2_3:
0x33: {  	p1 =	sge.u32 s18, s12  }
0x34: {  	s0 =	smulhi.u32 @!p1 $0xAAAAAAAB, s18  }
0x35: {  	s2 =	smov.u32 s16;
	p2 =	sgt.s32 @!p1 s16, $0x29720  }
0x36: {  	s20 =	sshra.s32 @!p1 s16, $0x1F;
	p2 =	por !p2, p1;
	s0 =	sshrl.u32 @!p1 s0, $0x1  }
0x37: {  	s20 =	sand.u32 @!p1 s20, s16;
	s2 =	simm.s32 @p2 $0x29720;
	s0 =	smul.u32 @!p1 $0x3, s0  }
0x38: {  	s2 =	ssub.s32 @!p1 s2, s20  }
0x39: {  	s2 =	sadd.s32 @!p1 $0xFFFD68E0, s2;
	s0 =	ssub.s32 @!p1 s18, s0  }
0x3a: {  	s20 =	sshll.u32 @!p1 s2, $0x2;
	p2 =	sgt.s32 @!p1 s2, $0xEF;
	s0 =	smul.u32 @!p1 $0x3C0, s0  }
0x3b: {  	s21 =	sand.u32 @!p1 $0x7, s16;
	s2 =	ssub.s32 @!p1 $0x3C0, s20;
	p2 =	por !p2, p1  }
0x3c: {  	s20 =	sshrl.u32 @!p1 s16, $0x3;
	s2 =	sshrl.u32 @!p1 s2, $0x2;
	s0 =	sshrl.u32 @!p1 s0, $0x2  }
0x3d: {  	s20 =	sadd.s32 @!p1 s5, s20;
	s2 =	simm.s32 @!p2 $0x0;
	s0 =	sadd.s32 @!p1 $0x10238, s0  }
0x3e: {  	[tilespmem:s0], [sflag:$0x8] =	stream.linear.gather @!p1 [hbm4b:s20+s21], s2, $0x38;
	[tilespmem:$0x1F6E8] =	vst v63  }
0x3f: {  	s0 =	sadd.s32 $0xFFFFFFFF, s18  }
0x40: {  	p1 =	sge.u32 s0, s12  }
0x41: {  	p2 =	sgt.s32 @!p1 s17, $0x29720  }
0x42: {  	s2 =	smov.u32 s17;
	s20 =	sshra.s32 @!p1 s17, $0x1F;
	p2 =	por !p2, p1  }
0x43: {  	s20 =	sand.u32 @!p1 s20, s17;
	s2 =	simm.s32 @p2 $0x29720  }
0x44: {  	s2 =	ssub.s32 @!p1 s2, s20  }
0x45: {  	s2 =	sadd.s32 @!p1 $0xFFFD68E0, s2  }
0x46: {  	s21 =	sand.u32 @!p1 $0x1, s0;
	s20 =	sshll.u32 @!p1 s2, $0x2  }
0x47: {  	p2 =	sgt.s32 @!p1 s2, $0xEF;
	s2 =	ssub.s32 @!p1 $0x3C0, s20;
	s20 =	smulhi.u32 @!p1 $0xAAAAAAAB, s0  }
0x48: {  	s23 =	smul.u32 @!p1 $0x3C0, s21;
	p2 =	por !p2, p1;
	s2 =	sshrl.u32 @!p1 s2, $0x2  }
0x49: {  	s22 =	simm.s32 @!p1 $0x8;
	s2 =	simm.s32 @!p2 $0x0;
	s20 =	sshrl.u32 @!p1 s20, $0x1  }
0x4a: {  	s23 =	sshrl.u32 @!p1 s23, $0x2;
	_ =	swait.ge @!p1 [sflag:s22], s2;
	s20 =	smul.u32 @!p1 $0x3, s20  }
0x4b: {  	s23 =	sor.u32 @!p1 $0x10508, s23;
	s24 =	ssub.s32 @!p1 $0x0, s2;
	[sflag:s22] =	ssyncset.done @!p1 $0x0  }
0x4c: {  	[sflag:s22] =	ssyncadd.s32 @!p1 s24;
	s22 =	sshrl.u32 @!p1 s17, $0x3;
	s0 =	ssub.s32 @!p1 s0, s20  }
0x4d: {  	s24 =	sand.u32 @!p1 $0x7, s17;
	s22 =	sadd.s32 @!p1 s3, s22;
	s0 =	smul.u32 @!p1 $0x3C0, s0  }
0x4e: {  	[tilespmem:s23], [sflag:$0x9] =	stream.linear.gather @!p1 [hbm4b:s22+s24], s2, $0x38;
	[tilespmem:$0x1F6E8] =	vst v63  }
0x4f: {  	s20 =	ssub.s32 @!p1 $0x29810, s17;
	s2 =	smul.u32 @!p1 $0x1E000, s21  }
0x50: {  	p2 =	slt.s32 @!p1 s20, $0xF0  }
0x51: {  	p2 =	por !p2, p1;
	s0 =	sshrl.u32 @!p1 s0, $0x2;
	s2 =	sshrl.u32 @!p1 s2, $0x2  }
0x52: {  	s20 =	simm.s32 @p2 $0xF0;
	s0 =	sadd.s32 @!p1 $0x10238, s0;
	s2 =	sor.u32 @!p1 $0x106E8, s2  }
0x53: {  	[tilespmem:s2], [sflag:$0x7] =	stream.indirect.gather @!p1 [hbm4b:s4+s20], $0x80, s0, s20, $0xb8;
	[tilespmem:$0x1F6E8] =	vst v63  }
0x54: {  	p1 =	slt.u32 s18, $0x2  }
.Ltmp3:
0x55: {  	_ = 	snop;
	(pc) =	sbr.rel @p1 .LBB2_21-.Ltmp3, $1  }
0x56: {  	_ =	sdelay $0x3  }
0x57: {  	p1 =	sgt.s32 s19, $0x29720;
	s0 =	smov.u32 s19  }
0x58: {  	s2 =	sshra.s32 s19, $0x1F;
	s20 =	ssub.s32 $0x29810, s19;
	s0 =	simm.s32 @!p1 $0x29720  }
0x59: {  	s2 =	sand.u32 s2, s19;
	p1 =	slt.s32 s20, $0xF0;
	s21 =	smov.u32 s20  }
0x5a: {  	s0 =	ssub.s32 s0, s2;
	s21 =	simm.s32 @!p1 $0xF0  }
0x5b: {  	s0 =	sadd.s32 $0xFFFD68E0, s0;
	s28 =	sshll.u32 s21, $0x7  }
0x5c: {  	s29 =	sshll.u32 s0, $0x2;
	s2 =	sand.u32 $0x3FFFFF80, s28  }
0x5d: {  	p1 =	sgt.s32 s0, $0xEF;
	s30 =	ssub.s32 $0x3C0, s29;
	_ =	swait.ge [sflag:s9], s2  }
0x5e: {  	s2 =	ssub.s32 $0x0, s2;
	[sflag:s9] =	ssyncset.done $0x0;
	s0 =	sshrl.u32 s30, $0x2  }
0x5f: {  	[sflag:s9] =	ssyncadd.s32 s2;
	s0 =	simm.s32 @p1 $0x0  }
0x60: {  	_ =	swait.ge [sflag:s10], s0  }
0x61: {  	s0 =	ssub.s32 $0x0, s0;
	[sflag:s10] =	ssyncset.done $0x0  }
0x62: {  	[sflag:s10] =	ssyncadd.s32 s0  }
0x63: {  	v1 =	vld [tilespmem:$0xF208];
	_ =	sdelay $0x4  }
0x64: {  	(v2sf) =	vpush v1, $0x0  }
0x65: {  	(v2sf) =	vpush v1, $0x1  }
0x66: {  	(v2sf) =	vpush v1, $0x2;
	_ =	sdelay $0x3  }
0x67: {  	s0 =	sadd.s32 $0xF0, s19  }
0x68: {  	p1 =	slt.s32 s7, s0  }
0x69: {  	s0 =	smov.u32 @p1 s7;
	p1 =	sgt.s32 s20, $0x0  }
0x6a: {  	s23 =	ssub.s32 s0, s19;
	s20 =	simm.s32 @!p1 $0x0  }
0x6b: {  	p1 =	slt.s32 s20, s23  }
0x6c: {  	s23 =	smov.u32 @p1 s20  }
0x6d: {  	s22 =	simm.s32 $0x1;
	p1 =	slt.s32 s23, $0x1  }
.Ltmp4:
0x6e: {  	s22 =	simm.s32 @!p0 $0x0;
	(pc) =	sbr.rel @p1 .LBB2_8-.Ltmp4, $4  }
0x6f: {  	s31 =	smul.u32 $0x3C0, s22  }
0x70: {  	s24 =	spop (v2sf)  }
0x71: {  	s0 =	sshrl.u32 s31, $0x2;
	s26 =	spop (v2sf)  }
0x72: {  	s20 =	sor.u32 $0x10508, s0;
	s19 =	spop (v2sf)  }
0x73: {  	s0 =	smin.u32 s23, $0x10  }
0x74: {  	v1 =	vmov s0  }
0x75: {  	p2 =	sgt.s32 s23, $0x10;
	vm1 =	vgt.u32 v1, v0  }
.Ltmp5:
0x76: {  	_ = 	snop;
	(pc) =	sbr.rel @!p2 .LBB2_7-.Ltmp5, $2  }
0x77: {  	_ =	sdelay $0x2  }
0x78: {  	s25 =	simm.s32 $0x10;
	s28 =	sadd.s32 $0xFFFFFFF0, s23;
	s21 =	smov.u32 s20;
	vm0 =	vmmov vm1  }
.LBB2_6:
0x79: {  	s0 =	smin.u32 s28, $0x10;
	s25 =	sadd.s32 $0x10, s25;
	v1 =	vld.msk [tilespmem:s21+$0x0 ss:$0x1], vm1  }
0x7a: {  	v2 =	vmov s0;
	p2 =	slt.s32 s25, s23  }
0x7b: {  	vm1 =	vgt.u32 v2, v0  }
.Ltmp6:
0x7c: {  	(pc) =	sbr.rel @p2 .LBB2_6-.Ltmp6, $3  }
0x7d: {  	_ =	sdelay $0x1  }
0x7e: {  	v1 =	vshll.u32 v1, $0x4  }
0x7f: {  	s28 =	sadd.s32 $0xFFFFFFF0, s28;
	[tilespmem:s21+$0x0] =	vst.msk vm0, v1;
	s21 =	sadd.s32 $0x10, s21;
	vm0 =	vmmov vm1  }
.LBB2_7:
0x80: {  	_ =	sdelay $0x4  }
0x81: {  	v1 =	vld.msk [tilespmem:s21+$0x0 ss:$0x1], vm1;
	_ =	sdelay $0x4  }
0x82: {  	v1 =	vshll.u32 v1, $0x4  }
0x83: {  	[tilespmem:s21+$0x0] =	vst.msk vm0, v1  }
.LBB2_8:
0x84: {  	s0 =	sand.u32 $0x1, s18  }
0x85: {  	s0 =	smul.u32 $0xF0, s0  }
0x86: {  	p2 =	sne.s32 s26, $0xFFFFFFFF  }
0x87: {  	v1 =	vld.msk @!p2 [tilespmem:s0+$0x10508], $0x1;
	_ =	sdelay $0x4  }
0x88: {  	(v2sf) =	vpush @!p2 v1, $0x0;
	_ =	sdelay $0xc  }
.Ltmp7:
0x89: {  	_ = 	snop;
	(pc) =	sbr.rel @p1 .LBB2_19-.Ltmp7, $4  }
0x8a: {  	_ = 	snop  }
0x8b: {  	s25 =	spop @!p2 (v2sf)  }
0x8c: {  	s19 =	simm.s32 @!p2 $0x0;
	s21 =	smov.u32 s25  }
0x8d: {  	[sflag:s15] =	ssyncpa.u1 $0x0;
	s25 =	smov.u32 @p2 s24;
	s21 =	smov.u32 @p2 s26  }
0x8e: {  	v1 =	vld.msk [tilespmem:s20+$0x0], $0x1;
	_ =	sdelay $0x4  }
0x8f: {  	(v2sf) =	vpush v1, $0x0;
	_ =	sdelay $0xe  }
0x90: {  	s0 =	smul.u32 $0x1E000, s22;
	s29 =	spop (v2sf)  }
0x91: {  	s23 =	ssub.s32 $0x0, s23;
	p1 =	seq.s32 s25, s29  }
0x92: {  	s26 =	sadd.s32 $0x1, s23;
	s0 =	sshrl.u32 s0, $0x2;
	p2 =	sgt.s32 @!p1 s25, $0x0  }
0x93: {  	s22 =	sor.u32 $0x10728, s0;
	s0 =	smov.u32 s25;
	p2 =	por !p2, p1  }
0x94: {  	s0 =	simm.s32 @p2 $0x0;
	p2 =	seq.s32 s26, $0x0  }
.Ltmp8:
0x95: {  	_ = 	snop;
	(pc) =	sbr.rel @p2 .LBB2_11-.Ltmp8, $4  }
0x96: {  	_ = 	snop  }
0x97: {  	s24 =	simm.s32 $0x0;
	s28 =	sadd.s32 $0x1, s20;
	s0 =	smin.u32 @!p1 s0, $0x270F0  }
0x98: {  	s30 =	simm.s32 @!p1 $0x1;
	s31 =	simm.s32 @!p1 $0x7988;
	s2 =	sand.u32 @!p1 $0x3FFF8, s0  }
0x99: {  	s30 =	smov.u32 @p1 s24;
	s0 =	sand.u32 @!p1 $0x7, s0;
	s2 =	sadd.s32 @!p1 s1, s2  }
.LBB2_10:
0x9a: {  	s8 =	smov.u32 s30  }
0x9b: {  	[tilespmem:s31], [sflag:$0x2] =	stream.linear.gather @!p1 [hbm4b:s2+s0], $0x80, $0x38;
	[tilespmem:$0x1F6E8] =	vst v63  }
0x9c: {  	s26 =	sadd.s32 $0x1, s26;
	s0 =	smov.u32 s29;
	v1 =	vld.msk [tilespmem:s28+$0x0], $0x1  }
0x9d: {  	p2 =	seq.s32 s26, $0x0;
	_ =	sdelay $0x3  }
0x9e: {  	(v2sf) =	vpush v1, $0x0;
	_ =	sdelay $0xe  }
0x9f: {  	s29 =	spop (v2sf)  }
0xa0: {  	p1 =	seq.s32 s0, s29  }
0xa1: {  	p3 =	sgt.s32 @!p1 s0, $0x0;
	s2 =	sshll.u32 @!p1 s30, $0x9;
	s30 =	sadd.s32 @!p1 $0x1, s30  }
.Ltmp9:
0xa2: {  	p3 =	por !p3, p1;
	s2 =	sshra.s32 @!p1 s2, $0x2;
	(pc) =	sbr.rel @!p2 .LBB2_10-.Ltmp9, $4  }
0xa3: {  	s30 =	smov.u32 @p1 s8;
	s0 =	simm.s32 @p3 $0x0;
	s31 =	sadd.s32 @!p1 $0x7988, s2  }
0xa4: {  	s0 =	smin.u32 @!p1 s0, $0x270F0  }
0xa5: {  	s2 =	sand.u32 @!p1 $0x3FFF8, s0;
	s0 =	sand.u32 @!p1 $0x7, s0  }
0xa6: {  	s28 =	sadd.s32 $0x1, s28;
	s2 =	sadd.s32 @!p1 s1, s2  }
.LBB2_11:
0xa7: {  	[tilespmem:s31], [sflag:$0x2] =	stream.linear.gather @!p1 [hbm4b:s2+s0], $0x80, $0x38;
	[tilespmem:$0x1F6E8] =	vst v63  }
.Ltmp10:
0xa8: {  	s30 =	sshll.u32 s30, $0x7;
	(pc) =	sbr.rel .LBB2_12-.Ltmp10, $4  }
0xa9: {  	s31 =	simm.s32 $0x2;
	s0 =	sand.u32 $0x3FFFFF80, s30  }
0xaa: {  	_ =	swait.ge [sflag:s31], s0  }
0xab: {  	s0 =	ssub.s32 $0x0, s0;
	[sflag:s31] =	ssyncset.done $0x0  }
0xac: {  	s28 =	simm.s32 $0x0;
	[sflag:s31] =	ssyncadd.s32 s0  }
.LBB2_13:
0xad: {  	v1 =	vld [tilespmem:s22+$0xFFFFFFC0];
	_ =	sdelay $0x3  }
0xae: {  	s0 =	sshra.s32 s0, $0x2  }
0xaf: {  	[tilespmem:s0+$0x108] =	vst.add.f32.msk $0xffff, v1  }
0xb0: {  	v1 =	vld [tilespmem:s22+$0xFFFFFFD0];
	_ =	sdelay $0x4  }
0xb1: {  	[tilespmem:s0+$0x118] =	vst.add.f32.msk $0xffff, v1  }
0xb2: {  	v1 =	vld [tilespmem:s22+$0xFFFFFFE0];
	_ =	sdelay $0x4  }
0xb3: {  	[tilespmem:s0+$0x128] =	vst.add.f32.msk $0xffff, v1  }
0xb4: {  	v1 =	vld [tilespmem:s22+$0xFFFFFFF0];
	_ =	sdelay $0x4  }
0xb5: {  	[tilespmem:s0+$0x138] =	vst.add.f32.msk $0xffff, v1  }
0xb6: {  	v1 =	vld [tilespmem:s22+$0x0];
	_ =	sdelay $0x4  }
0xb7: {  	[tilespmem:s0+$0x148] =	vst.add.f32.msk $0xffff, v1  }
0xb8: {  	v1 =	vld [tilespmem:s22+$0x10];
	_ =	sdelay $0x4  }
0xb9: {  	[tilespmem:s0+$0x158] =	vst.add.f32.msk $0xffff, v1  }
0xba: {  	v1 =	vld [tilespmem:s22+$0x20];
	_ =	sdelay $0x4  }
0xbb: {  	[tilespmem:s0+$0x168] =	vst.add.f32.msk $0xffff, v1  }
0xbc: {  	v1 =	vld [tilespmem:s22+$0x30];
	_ =	sdelay $0x4  }
0xbd: {  	[tilespmem:s0+$0x178] =	vst.add.f32.msk $0xffff, v1  }
.LBB2_17:
0xbe: {  	s23 =	sadd.s32 $0x1, s23  }
0xbf: {  	p1 =	seq.s32 s23, $0x0  }
.Ltmp11:
0xc0: {  	_ = 	snop;
	(pc) =	sbr.rel @p1 .LBB2_18-.Ltmp11, $2  }
0xc1: {  	_ =	sdelay $0x2  }
0xc2: {  	s20 =	sadd.s32 $0x1, s20;
	s22 =	sadd.s32 $0x80, s22;
	s25 =	smov.u32 s26  }
.LBB2_12:
0xc3: {  	v1 =	vld.msk [tilespmem:s20+$0x0], $0x1;
	_ =	sdelay $0x4  }
0xc4: {  	(v2sf) =	vpush v1, $0x0;
	_ =	sdelay $0xe  }
0xc5: {  	s26 =	spop (v2sf)  }
0xc6: {  	p1 =	sne.s32 s25, s26  }
.Ltmp12:
0xc7: {  	_ = 	snop;
	(pc) =	sbr.rel @!p1 .LBB2_13-.Ltmp12, $2  }
0xc8: {  	_ =	sdelay $0x2  }
0xc9: {  	s0 =	sshll.u32 s19, $0x9  }
0xca: {  	p1 =	seq.s32 s25, s21  }
.Ltmp13:
0xcb: {  	_ = 	snop;
	(pc) =	sbr.rel @!p1 .LBB2_15-.Ltmp13, $1  }
0xcc: {  	_ =	sdelay $0x3  }
0xcd: {  	s0 =	sshra.s32 s0, $0x2  }
.Ltmp14:
0xce: {  	s0 =	sadd.s32 $0x108, s0;
	(pc) =	sbr.rel .LBB2_16-.Ltmp14, $4  }
0xcf: {  	[spmem:s13] =	stream.linear.scatter [tilespmem:s0], [sflag:$0x1], $0x80, $0x38;
	[tilespmem:$0x1F6E8] =	vst v63  }
0xd0: {  	_ =	swait.ge [sflag:s11], $0x80  }
0xd1: {  	[sflag:s11] =	ssyncset.done $0x0  }
0xd2: {  	[sflag:s11] =	ssyncadd.s32 $0xFFFFFF80  }
.LBB2_15:
0xd3: {  	s2 =	sshll.u32 s24, $0x9  }
0xd4: {  	s2 =	sshra.s32 s2, $0x2  }
0xd5: {  	v1 =	vld [tilespmem:s2+$0x7988];
	_ =	sdelay $0x3  }
0xd6: {  	s0 =	sshra.s32 s0, $0x2  }
0xd7: {  	[tilespmem:s0+$0x108] =	vst.add.f32.msk $0xffff, v1  }
0xd8: {  	v1 =	vld [tilespmem:s2+$0x7998];
	_ =	sdelay $0x4  }
0xd9: {  	[tilespmem:s0+$0x118] =	vst.add.f32.msk $0xffff, v1  }
0xda: {  	v1 =	vld [tilespmem:s2+$0x79A8];
	_ =	sdelay $0x4  }
0xdb: {  	[tilespmem:s0+$0x128] =	vst.add.f32.msk $0xffff, v1  }
0xdc: {  	v1 =	vld [tilespmem:s2+$0x79B8];
	_ =	sdelay $0x4  }
0xdd: {  	[tilespmem:s0+$0x138] =	vst.add.f32.msk $0xffff, v1  }
0xde: {  	v1 =	vld [tilespmem:s2+$0x79C8];
	_ =	sdelay $0x4  }
0xdf: {  	[tilespmem:s0+$0x148] =	vst.add.f32.msk $0xffff, v1  }
0xe0: {  	v1 =	vld [tilespmem:s2+$0x79D8];
	_ =	sdelay $0x4  }
0xe1: {  	[tilespmem:s0+$0x158] =	vst.add.f32.msk $0xffff, v1  }
0xe2: {  	v1 =	vld [tilespmem:s2+$0x79E8];
	_ =	sdelay $0x4  }
0xe3: {  	[tilespmem:s0+$0x168] =	vst.add.f32.msk $0xffff, v1  }
0xe4: {  	v1 =	vld [tilespmem:s2+$0x79F8];
	_ =	sdelay $0x2  }
0xe5: {  	p1 =	sgt.u32 s25, $0x270F0  }
0xe6: {  	s2 =	sand.u32 @!p1 $0x3FFF8, s25  }
0xe7: {  	s8 =	sadd.s32 $0x108, s0;
	[tilespmem:s0+$0x178] =	vst.add.f32.msk $0xffff, v1;
	s0 =	sadd.s32 @!p1 s1, s2;
	s2 =	sand.u32 @!p1 $0x7, s25  }
0xe8: {  	[hbm4b:s0+s2] =	stream.linear.scatter @!p1 [tilespmem:s8], [sflag:$0xA], $0x80, $0x38;
	[tilespmem:$0x1F6E8] =	vst v63  }
0xe9: {  	s0 =	simm.s32 $0x0  }
0xea: {  	s0 =	simm.s32 @!p1 $0x200  }
0xeb: {  	s28 =	sadd.s32 s0, s28  }
.LBB2_16:
0xec: {  	s0 =	sadd.s32 $0x1, s19  }
0xed: {  	s2 =	smulhi.u32 $0x88888889, s0;
	_ =	sdelay $0x1  }
0xee: {  	v1 =	vld [tilespmem:s22+$0xFFFFFFC0];
	s2 =	sshrl.u32 s2, $0x7  }
0xef: {  	s2 =	smul.u32 $0xF0, s2;
	_ =	sdelay $0x1  }
0xf0: {  	s19 =	ssub.s32 s0, s2  }
0xf1: {  	s0 =	sshll.u32 s19, $0x7  }
0xf2: {  	[tilespmem:s0+$0x108] =	vst v1  }
0xf3: {  	v1 =	vld [tilespmem:s22+$0xFFFFFFD0];
	_ =	sdelay $0x4  }
0xf4: {  	[tilespmem:s0+$0x118] =	vst v1  }
0xf5: {  	v1 =	vld [tilespmem:s22+$0xFFFFFFE0];
	_ =	sdelay $0x4  }
0xf6: {  	[tilespmem:s0+$0x128] =	vst v1  }
0xf7: {  	v1 =	vld [tilespmem:s22+$0xFFFFFFF0];
	_ =	sdelay $0x4  }
0xf8: {  	[tilespmem:s0+$0x138] =	vst v1  }
0xf9: {  	v1 =	vld [tilespmem:s22+$0x0];
	_ =	sdelay $0x4  }
0xfa: {  	[tilespmem:s0+$0x148] =	vst v1  }
0xfb: {  	v1 =	vld [tilespmem:s22+$0x10];
	_ =	sdelay $0x4  }
0xfc: {  	[tilespmem:s0+$0x158] =	vst v1  }
0xfd: {  	v1 =	vld [tilespmem:s22+$0x20];
	_ =	sdelay $0x4  }
0xfe: {  	[tilespmem:s0+$0x168] =	vst v1  }
0xff: {  	v1 =	vld [tilespmem:s22+$0x30]  }
.Ltmp15:
0x100: {  	_ = 	snop;
	(pc) =	sbr.rel .LBB2_17-.Ltmp15, $2  }
0x101: {  	_ =	sdelay $0x2  }
0x102: {  	s24 =	sadd.s32 $0x1, s24;
	[tilespmem:s0+$0x178] =	vst v1  }
.LBB2_19:
.Ltmp16:
0x103: {  	(pc) =	sbr.rel .LBB2_20-.Ltmp16, $4  }
0x104: {  	_ = 	snop  }
0x105: {  	s0 =	simm.s32 $0x2  }
0x106: {  	_ =	swait.ge [sflag:s0], $0x0  }
0x107: {  	s26 =	smov.u32 s25;
	[sflag:s0] =	ssyncset.done $0x0;
	s0 =	simm.s32 $0x0  }
.LBB2_22:
0x108: {  	_ =	sfence.sel $0x180000  }
0x109: {  	s0 =	simm.s32 $0x7;
	[bflag:$0x0] =	sbarrier.arrive $0xFFFF  }
0x10a: {  	s25 =	simm.s32 $0x8;
	[sflag:s0] =	ssyncpa.u1 $0x1  }
0x10b: {  	s26 =	simm.s32 $0x9;
	[sflag:s25] =	ssyncpa.u1 $0x1  }
0x10c: {  	s28 =	simm.s32 $0x2;
	[sflag:s26] =	ssyncpa.u1 $0x1  }
0x10d: {  	[sflag:s28] =	ssyncpa.u1 $0x1  }
0x10e: {  	v0 =	vld [tilespmem:$0xF208];
	_ =	sdelay $0x4  }
0x10f: {  	(v2sf) =	vpush v0, $0x0  }
0x110: {  	(v2sf) =	vpush v0, $0x1;
	_ =	sdelay $0x1  }
0x111: {  	(v2sf) =	vpush v0, $0x2;
	_ =	sdelay $0xb  }
0x112: {  	s0 =	spop (v2sf)  }
0x113: {  	s2 =	spop (v2sf)  }
0x114: {  	s3 =	smov.u32 s0;
	p0 =	sne.s32 s0, s2  }
0x115: {  	s4 =	spop (v2sf);
	s3 =	simm.s32 @!p0 $0xFFFFFFFF  }
0x116: {  	v2 =	vimm.s32 $0x1;
	v3 =	vlaneseq.u32;
	p0 =	seq.s32 s4, $0xFFFFFFFF;
	v1 =	vmov s3  }
0x117: {  	s7 =	stileid.u32;
	v0 =	vperm.xlane v0, v2;
	p1 =	sne.s32 @!p0 s0, s2;
	v1 =	vperm.xlane v1, v3  }
0x118: {  	vm0 =	vcmask $0x3F04;
	s6 =	simm.s32 $0xF208;
	s0 =	simm.s32 @!p0 $0x1;
	p1 =	por !p1, p0  }
0x119: {  	s3 =	sshll.u32 s7, $0x1;
	s2 =	sshll.u32 @!p0 s4, $0x9;
	s0 =	simm.s32 @p1 $0x0;
	v0 =	vsel vm0, v1, v0  }
0x11a: {  	s5 =	sor.u32 $0x1000, s3;
	s2 =	sshra.s32 @!p0 s2, $0x2;
	s0 =	sor.u32 @!p0 s0, s3;
	[tilespmem:$0xF208] =	vst v0  }
0x11b: {  	[spmem:s5] =	stream.linear.scatter [tilespmem:s6], [sflag:$0x1], $0x2, $0x38;
	[tilespmem:$0x1F6E8] =	vst v63  }
0x11c: {  	s2 =	sadd.s32 @!p0 $0x108, s2;
	s0 =	sshll.u32 @!p0 s0, $0x7  }
0x11d: {  	[spmem:s0] =	stream.linear.scatter @!p0 [tilespmem:s2], [sflag:$0x1], $0x80, $0x38;
	[tilespmem:$0x1F6E8] =	vst v63  }
0x11e: {  	s0 =	simm.s32 @!p0 $0x82  }
0x11f: {  	s3 =	simm.s32 $0x1;
	s0 =	simm.s32 @p0 $0x2  }
0x120: {  	_ =	swait.ge [sflag:s3], s0  }
0x121: {  	s0 =	ssub.s32 $0x0, s0;
	[sflag:s3] =	ssyncset.done $0x0  }
0x122: {  	[sflag:s3] =	ssyncadd.s32 s0  }
0x123: {  	_ =	sfence.stream.spmem  }
0x124: {  	s29 =	simm.s32 $0x3;
	[bflag:$0x0] =	sbarrier.arrive $0xFFFF  }
0x125: {  	s30 =	simm.s32 $0x4;
	[sflag:s29] =	ssyncpa.u1 $0x1  }
0x126: {  	s31 =	simm.s32 $0x3C;
	[sflag:s30] =	ssyncpa.u1 $0x1  }
0x127: {  	p0 =	sne.s32 s7, $0x0;
	[sflag:s31] =	ssyncpa.u1 $0x1  }
0x128: {  	_ =	sfence @p0  }
0x129: {  	[sflag:s3] =	ssyncpa.u1 @p0 $0x1  }
0x12a: {  	_ =	strace @p0 $0x90000050  }
0x12b: {  	[bflag:$0x2] =	sbarrier.arrive @p0 $0xFFFF  }
0x12c: {  	_ =	shalt @p0  }
.LBB2_23:
0x12d: {  	_ =	sfence.stream.spmem;
	s0 =	simm.s32 $0x5  }
0x12e: {  	s2 =	simm.s32 $0x1000;
	s3 =	simm.s32 $0xF218;
	[sflag:s0] =	ssyncpa.u1 $0x0  }
0x12f: {  	[tilespmem:s3], [sflag:$0x5] =	stream.linear.gather [spmem:s2], $0x20, $0x38;
	[tilespmem:$0x1F6E8] =	vst v63  }
0x130: {  	s30 =	simm.s32 $0xF238;
	s2 =	simm.s32 $0x0  }
0x131: {  	[tilespmem:s30], [sflag:$0x5] =	stream.linear.gather [spmem:s2], $0x1000, $0x38;
	[tilespmem:$0x1F6E8] =	vst v63  }
.Ltmp17:
0x132: {  	_ = 	snop;
	(pc) =	sbr.rel .LBB2_24-.Ltmp17, $4  }
0x133: {  	_ =	swait.ge [sflag:s0], $0x1020  }
0x134: {  	[sflag:s0] =	ssyncset.done $0x0  }
0x135: {  	s31 =	simm.s32 $0x6;
	[sflag:s0] =	ssyncadd.s32 $0xFFFFEFE0  }
0x136: {  	s3 =	simm.s32 $0x0;
	[sflag:s31] =	ssyncpa.u1 $0x0  }
.LBB2_30:
0x137: {  	p0 =	slt.u32 s4, $0x270F1  }
0x138: {  	s0 =	sand.u32 @p0 $0x3FFF8, s4  }
0x139: {  	s4 =	sand.u32 @p0 $0x7, s4;
	s5 =	simm.s32 @p0 $0xF188;
	s0 =	sadd.s32 @p0 s1, s0  }
0x13a: {  	[tilespmem:s5], [sflag:$0x6] =	stream.linear.gather @p0 [hbm4b:s0+s4], $0x80, $0x38;
	[tilespmem:$0x1F6E8] =	vst v63  }
0x13b: {  	s0 =	simm.s32 @p0 $0x6  }
0x13c: {  	_ =	swait.ge @p0 [sflag:s0], $0x80  }
0x13d: {  	[sflag:s0] =	ssyncset.done @p0 $0x0  }
0x13e: {  	[sflag:s0] =	ssyncadd.s32 @p0 $0xFFFFFF80  }
0x13f: {  	v1 =	vld @p0 [tilespmem:$0xF188];
	_ =	sdelay $0x2  }
0x140: {  	s0 =	sshll.u32 @p0 s3, $0x9  }
0x141: {  	s4 =	sshrl.u32 @p0 s0, $0x2  }
0x142: {  	[tilespmem:s4+$0xF238] =	vst.add.f32.msk @p0 $0xffff, v1  }
0x143: {  	v1 =	vld @p0 [tilespmem:$0xF198];
	_ =	sdelay $0x4  }
0x144: {  	[tilespmem:s4+$0xF248] =	vst.add.f32.msk @p0 $0xffff, v1  }
0x145: {  	v1 =	vld @p0 [tilespmem:$0xF1A8];
	_ =	sdelay $0x4  }
0x146: {  	[tilespmem:s4+$0xF258] =	vst.add.f32.msk @p0 $0xffff, v1  }
0x147: {  	v1 =	vld @p0 [tilespmem:$0xF1B8];
	_ =	sdelay $0x4  }
0x148: {  	[tilespmem:s4+$0xF268] =	vst.add.f32.msk @p0 $0xffff, v1  }
0x149: {  	v1 =	vld @p0 [tilespmem:$0xF1C8];
	_ =	sdelay $0x4  }
0x14a: {  	[tilespmem:s4+$0xF278] =	vst.add.f32.msk @p0 $0xffff, v1  }
0x14b: {  	v1 =	vld @p0 [tilespmem:$0xF1D8];
	_ =	sdelay $0x4  }
0x14c: {  	[tilespmem:s4+$0xF288] =	vst.add.f32.msk @p0 $0xffff, v1  }
0x14d: {  	v1 =	vld @p0 [tilespmem:$0xF1E8];
	_ =	sdelay $0x4  }
0x14e: {  	[tilespmem:s4+$0xF298] =	vst.add.f32.msk @p0 $0xffff, v1  }
0x14f: {  	v1 =	vld @p0 [tilespmem:$0xF1F8];
	_ =	sdelay $0x3  }
0x150: {  	s5 =	sshll.u32 @!p0 s3, $0x9  }
0x151: {  	s5 =	smov.u32 @p0 s0;
	[tilespmem:s4+$0xF2A8] =	vst.add.f32.msk @p0 $0xffff, v1  }
0x152: {  	s0 =	sshrl.u32 s5, $0x2;
	[tilespmem:s2+$0xF218] =	vst.msk $0x1, v0  }
0x153: {  	v0 =	vld [tilespmem:s0+$0xF238];
	_ =	sdelay $0x2  }
0x154: {  	s31 =	sshll.u32 s2, $0x9  }
0x155: {  	s4 =	sshra.s32 s31, $0x2  }
0x156: {  	[tilespmem:s4+$0xF238] =	vst v0  }
0x157: {  	v0 =	vld [tilespmem:s0+$0xF248];
	_ =	sdelay $0x4  }
0x158: {  	[tilespmem:s4+$0xF248] =	vst v0  }
0x159: {  	v0 =	vld [tilespmem:s0+$0xF258];
	_ =	sdelay $0x4  }
0x15a: {  	[tilespmem:s4+$0xF258] =	vst v0  }
0x15b: {  	v0 =	vld [tilespmem:s0+$0xF268];
	_ =	sdelay $0x4  }
0x15c: {  	[tilespmem:s4+$0xF268] =	vst v0  }
0x15d: {  	v0 =	vld [tilespmem:s0+$0xF278];
	_ =	sdelay $0x4  }
0x15e: {  	[tilespmem:s4+$0xF278] =	vst v0  }
0x15f: {  	v0 =	vld [tilespmem:s0+$0xF288];
	_ =	sdelay $0x4  }
0x160: {  	[tilespmem:s4+$0xF288] =	vst v0  }
0x161: {  	v0 =	vld [tilespmem:s0+$0xF298];
	_ =	sdelay $0x4  }
0x162: {  	[tilespmem:s4+$0xF298] =	vst v0  }
0x163: {  	v0 =	vld [tilespmem:s0+$0xF2A8];
	_ =	sdelay $0x4  }
0x164: {  	s2 =	sadd.s32 $0x1, s2;
	[tilespmem:s4+$0xF2A8] =	vst v0  }
.LBB2_31:
0x165: {  	s3 =	sadd.s32 $0x1, s3  }
0x166: {  	p0 =	sne.s32 s3, $0x20  }
.Ltmp18:
0x167: {  	_ = 	snop;
	(pc) =	sbr.rel @!p0 .LBB2_32-.Ltmp18, $1  }
0x168: {  	_ =	sdelay $0x3  }
.LBB2_24:
0x169: {  	v0 =	vld.msk [tilespmem:s3+$0xF218], $0x1;
	_ =	sdelay $0x4  }
0x16a: {  	(v2sf) =	vpush v0, $0x0;
	_ =	sdelay $0xe  }
0x16b: {  	s4 =	spop (v2sf)  }
0x16c: {  	p0 =	seq.s32 s4, $0xFFFFFFFF  }
.Ltmp19:
0x16d: {  	_ = 	snop;
	(pc) =	sbr.rel @p0 .LBB2_31-.Ltmp19, $1  }
0x16e: {  	_ =	sdelay $0x3  }
0x16f: {  	p0 =	slt.s32 s2, $0x1  }
.Ltmp20:
0x170: {  	_ = 	snop;
	(pc) =	sbr.rel @p0 .LBB2_30-.Ltmp20, $1  }
0x171: {  	_ =	sdelay $0x3  }
0x172: {  	s5 =	simm.s32 $0xF218;
	p0 =	por $0x0, $0x0  }
0x173: {  	v1 =	vld.msk @!p0 [tilespmem:s5+$0x0], $0x1;
	_ =	sdelay $0x4  }
0x174: {  	(v2sf) =	vpush @!p0 v1, $0x0;
	_ =	sdelay $0xd  }
0x175: {  	p2 =	sne.s32 s2, $0x1  }
.Ltmp21:
0x176: {  	s0 =	spop @!p0 (v2sf);
	(pc) =	sbr.rel @!p2 .LBB2_28-.Ltmp21, $4  }
0x177: {  	p1 =	seq.s32 @!p0 s4, s0  }
0x178: {  	s6 =	simm.s32 $0x0;
	p1 =	por !p1, p0  }
0x179: {  	s0 =	simm.s32 $0xFFFFFFFF;
	s6 =	simm.s32 @p1 $0xFFFFFFFF  }
0x17a: {  	s7 =	simm.s32 $0x1;
	s6 =	smov.u32 @p0 s0  }
.LBB2_27:
0x17b: {  	s0 =	smov.u32 s6;
	p0 =	sne.s32 s6, $0xFFFFFFFF  }
0x17c: {  	s5 =	sadd.s32 $0x1, s5;
	s6 =	smov.u32 s7;
	s7 =	sadd.s32 $0x1, s7  }
0x17d: {  	p1 =	sne.s32 s2, s7;
	v1 =	vld.msk @!p0 [tilespmem:s5+$0x0], $0x1;
	_ =	sdelay $0x4  }
0x17e: {  	(v2sf) =	vpush @!p0 v1, $0x0;
	_ =	sdelay $0xe  }
.Ltmp22:
0x17f: {  	s8 =	spop @!p0 (v2sf);
	(pc) =	sbr.rel @p1 .LBB2_27-.Ltmp22, $4  }
0x180: {  	p2 =	seq.s32 @!p0 s4, s8  }
0x181: {  	p2 =	por !p2, p0  }
0x182: {  	s6 =	simm.s32 @p2 $0xFFFFFFFF  }
0x183: {  	s6 =	smov.u32 @p0 s0  }
.LBB2_28:
0x184: {  	p0 =	seq.s32 s6, $0xFFFFFFFF  }
.Ltmp23:
0x185: {  	_ = 	snop;
	(pc) =	sbr.rel @p0 .LBB2_30-.Ltmp23, $1  }
0x186: {  	_ =	sdelay $0x3  }
0x187: {  	s0 =	sshll.u32 s3, $0x7  }
0x188: {  	s0 =	sand.u32 $0x3FFFFF80, s0  }
0x189: {  	v0 =	vld [tilespmem:s0+$0xF238];
	_ =	sdelay $0x2  }
0x18a: {  	s4 =	sshll.u32 s6, $0x9  }
0x18b: {  	s4 =	sshra.s32 s4, $0x2  }
0x18c: {  	[tilespmem:s4+$0xF238] =	vst.add.f32.msk $0xffff, v0  }
0x18d: {  	v0 =	vld [tilespmem:s0+$0xF248];
	_ =	sdelay $0x4  }
0x18e: {  	[tilespmem:s4+$0xF248] =	vst.add.f32.msk $0xffff, v0  }
0x18f: {  	v0 =	vld [tilespmem:s0+$0xF258];
	_ =	sdelay $0x4  }
0x190: {  	[tilespmem:s4+$0xF258] =	vst.add.f32.msk $0xffff, v0  }
0x191: {  	v0 =	vld [tilespmem:s0+$0xF268];
	_ =	sdelay $0x4  }
0x192: {  	[tilespmem:s4+$0xF268] =	vst.add.f32.msk $0xffff, v0  }
0x193: {  	v0 =	vld [tilespmem:s0+$0xF278];
	_ =	sdelay $0x4  }
0x194: {  	[tilespmem:s4+$0xF278] =	vst.add.f32.msk $0xffff, v0  }
0x195: {  	v0 =	vld [tilespmem:s0+$0xF288];
	_ =	sdelay $0x4  }
0x196: {  	[tilespmem:s4+$0xF288] =	vst.add.f32.msk $0xffff, v0  }
0x197: {  	v0 =	vld [tilespmem:s0+$0xF298];
	_ =	sdelay $0x4  }
0x198: {  	[tilespmem:s4+$0xF298] =	vst.add.f32.msk $0xffff, v0  }
0x199: {  	v0 =	vld [tilespmem:s0+$0xF2A8]  }
.Ltmp24:
0x19a: {  	_ = 	snop;
	(pc) =	sbr.rel .LBB2_31-.Ltmp24, $2  }
0x19b: {  	_ =	sdelay $0x2  }
0x19c: {  	[tilespmem:s4+$0xF2A8] =	vst.add.f32.msk $0xffff, v0  }
.LBB2_32:
0x19d: {  	p0 =	slt.s32 s2, $0x1  }
.Ltmp25:
0x19e: {  	_ = 	snop;
	(pc) =	sbr.rel @p0 .LBB2_36-.Ltmp25, $3  }
0x19f: {  	_ =	sdelay $0x1  }
0x1a0: {  	s0 =	simm.s32 $0x6  }
0x1a1: {  	s3 =	simm.s32 $0x0;
	[sflag:s0] =	ssyncpa.u1 $0x1  }
0x1a2: {  	s0 =	simm.s32 $0xF218  }
0x1a3: {  	v0 =	vld.msk [tilespmem:s0+$0x0], $0x1;
	_ =	sdelay $0x4  }
0x1a4: {  	(v2sf) =	vpush v0, $0x0;
	_ =	sdelay $0xd  }
0x1a5: {  	s2 =	sadd.s32 $0xFFFFFFFF, s2  }
0x1a6: {  	p1 =	sne.s32 s2, $0x0;
	s0 =	spop (v2sf)  }
.Ltmp26:
0x1a7: {  	p0 =	sgt.u32 s0, $0x270F0;
	(pc) =	sbr.rel @!p1 .LBB2_35-.Ltmp26, $4  }
0x1a8: {  	s4 =	simm.s32 $0xF238;
	s5 =	sand.u32 @!p0 $0x3FFF8, s0  }
0x1a9: {  	s6 =	simm.s32 $0x0;
	s0 =	sand.u32 @!p0 $0x7, s0;
	s5 =	sadd.s32 @!p0 s1, s5  }
0x1aa: {  	[hbm4b:s5+s0] =	stream.linear.scatter @!p0 [tilespmem:s4], [sflag:$0x5], $0x80, $0x38;
	[tilespmem:$0x1F6E8] =	vst v63  }
0x1ab: {  	s6 =	simm.s32 @!p0 $0x200;
	s5 =	simm.s32 $0xF219  }
.LBB2_34:
0x1ac: {  	v0 =	vld.msk [tilespmem:s5+$0x0], $0x1;
	s2 =	sadd.s32 $0xFFFFFFFF, s2;
	s3 =	sadd.s32 s3, s6  }
0x1ad: {  	p0 =	sne.s32 s2, $0x0;
	_ =	sdelay $0x3  }
0x1ae: {  	(v2sf) =	vpush v0, $0x0;
	_ =	sdelay $0xe  }
.Ltmp27:
0x1af: {  	s0 =	spop (v2sf);
	(pc) =	sbr.rel @p0 .LBB2_34-.Ltmp27, $4  }
0x1b0: {  	s6 =	simm.s32 $0x0;
	p1 =	sgt.u32 s0, $0x270F0  }
0x1b1: {  	s4 =	sadd.s32 $0x80, s4;
	s6 =	simm.s32 @!p1 $0x200;
	s7 =	sand.u32 @!p1 $0x3FFF8, s0  }
0x1b2: {  	s5 =	sadd.s32 $0x1, s5;
	s0 =	sand.u32 @!p1 $0x7, s0;
	s7 =	sadd.s32 @!p1 s1, s7  }
0x1b3: {  	[hbm4b:s7+s0] =	stream.linear.scatter @!p1 [tilespmem:s4], [sflag:$0x5], $0x80, $0x38;
	[tilespmem:$0x1F6E8] =	vst v63  }
.LBB2_35:
0x1b4: {  	s0 =	sadd.s32 s3, s6  }
0x1b5: {  	s3 =	sshrl.u32 s0, $0x2  }
.LBB2_36:
0x1b6: {  	s0 =	simm.s32 $0x5  }
0x1b7: {  	_ =	swait.ge [sflag:s0], s3  }
0x1b8: {  	s1 =	ssub.s32 $0x0, s3;
	[sflag:s0] =	ssyncset.done $0x0  }
0x1b9: {  	[sflag:s0] =	ssyncadd.s32 s1  }
0x1ba: {  	[sflag:s0] =	ssyncpa.u1 $0x1  }
0x1bb: {  	s30 =	simm.s32 $0x1;
	_ =	sfence  }
0x1bc: {  	[sflag:s30] =	ssyncpa.u1 $0x1  }
0x1bd: {  	_ =	strace $0x90000050  }
0x1be: {  	[bflag:$0x2] =	sbarrier.arrive $0xFFFF  }
0x1bf: {  	s31 =	rddreg [dreg:$0x1]  }
0x1c0: {  	s0 =	sadd.s32 $0x100000, s31  }
0x1c1: {  	[sflag:s0] =	ssyncadd.tile.s32 $0x1;
	_ =	shalt  }
.Lfunc_end2:
_tile_overlayer_lowered:
.L_overlay_start_2:
0x1c2: {  	(tag) =	ssettag $0x2  }
0x1c3: {  	s0 =	rddreg [dreg:$0x0];
	s2 =	stileid.u32  }
0x1c4: {  	s1 =	rddreg [dreg:$0x1];
	p0 =	sne.s32 s2, $0x0  }
0x1c5: {  	s3 =	rddreg [dreg:$0x2];
	[bflag:$0x3] =	sbarrier.arrive $0xFFFF;
	s2 =	simm.s32 @!p0 $0x1C01  }
0x1c6: {  	[timem:s3], [sflag:s2] =	dma.local @!p0 [hbm:s0], s1  }
0x1c7: {  	s0 =	simm.s32 @!p0 $0x1  }
0x1c8: {  	_ =	swait.ge @!p0 [sflag:s0], s1  }
0x1c9: {  	s1 =	ssub.s32 @!p0 $0x0, s1;
	[sflag:s0] =	ssyncset.done @!p0 $0x0  }
0x1ca: {  	[sflag:s0] =	ssyncadd.s32 @!p0 s1  }
0x1cb: {  	[bflag:$0x3] =	sbarrier.arrive $0xFFFF  }
0x1cc: {  	_ =	shalt  }

// kernel: scatter_offload_async_start.3
scs
__scs_entry_jumppad:
0x0: {  	(pc) =	sbr.rel $0x88, $3  }
0x1: {  	(tag) =	ssettag $0x0;
	lr =	simm.s32 $0x1  }
0x2: {  	[smem:$0x3F8A] =	sst lr;
	_ =	strace $0xD0000000  }
0x3: {  	_ = 	snop  }
0x4: {  	_ = 	snop  }
0x5: {  	_ = 	snop  }
0x6: {  	_ = 	snop  }
0x7: {  	_ = 	snop  }
__scs_overlays_trampoline_lowered:
0x8: {  	[smem:$0x3F99] =	sst s0  }
0x9: {  	[smem:$0x3F9A] =	sst s1  }
0xa: {  	[smem:$0x3F9B] =	sst s2  }
0xb: {  	[smem:$0x3F9C] =	sst s3  }
0xc: {  	[smem:$0x3F9D] =	sst s4  }
0xd: {  	[smem:$0x3F9E] =	sst s5  }
0xe: {  	[smem:$0x3F9F] =	sst s6  }
0xf: {  	[smem:$0x3FA0] =	sst s7  }
0x10: {  	[smem:$0x3FA1] =	sst s8  }
0x11: {  	[smem:$0x3FA2] =	sst s9;
	s0 =	simm.s32 @!p0 $0x0  }
0x12: {  	s1 =	sld [smem:$0x3F88];
	s0 =	simm.s32 @p0 $0x1  }
0x13: {  	[smem:$0x3FA3] =	sst s0;
	s0 =	simm.s32 @!p1 $0x0  }
0x14: {  	s2 =	sld [smem:$0x3F87];
	s0 =	simm.s32 @p1 $0x1  }
0x15: {  	[smem:$0x3FA4] =	sst s0;
	s0 =	simm.s32 @!p2 $0x0  }
0x16: {  	s3 =	sld [smem:$0x3FDB];
	s0 =	simm.s32 @p2 $0x1  }
0x17: {  	s4 =	simm.s32 $0x1BF5;
	[smem:$0x3FA6] =	sst s0  }
0x18: {  	s0 =	sld [smem:$0x3F89];
	_ =	swait.ge [sflag:s4], $0x0  }
0x19: {  	s7 =	sld [smem:$0x3F8A]  }
0x1a: {  	s8 =	sadd.s32 $0xFFFFE003, lr  }
0x1b: {  	s9 =	sadd.s32 $0xFFFFFEF7, lr;
	s5 =	simm.s32 $0xFFFFFFFF;
	p2 =	slt.u32 s8, $0xFFFFF086  }
0x1c: {  	p1 =	slt.u32 s9, $0xF7A;
	s5 =	simm.s32 @!p2 $0x0  }
0x1d: {  	s5 =	simm.s32 @p1 $0x1;
	p0 =	seq.s32 s7, s2  }
0x1e: {  	s7 =	smul.u32 @!p0 $0xF7A, s2;
	p2 =	seq.s32 @!p0 s5, $0x0  }
0x1f: {  	s9 =	smul.u32 $0xF7A, s1;
	s8 =	simm.s32 @!p0 $0x1BF5;
	p2 =	por !p2, p0  }
0x20: {  	[sflag:s8] =	ssyncset.s32 @!p0 $0xFFFFF086;
	s6 =	sadd.s32 @!p0 s3, s7;
	s7 =	simm.s32 @!p0 $0x108  }
0x21: {  	s3 =	sadd.s32 s3, s9;
	s6 =	sadd.s32 @!p0 $0x88, s6;
	s7 =	simm.s32 @p2 $0x1082  }
0x22: {  	[simem:s7], [sflag:s8] =	dma.local @!p0 [hbm:s6], $0xF7A  }
0x23: {  	s9 =	sor.u32 $0xD0000000, s2;
	s6 =	simm.s32 $0x108;
	_ =	swait.ge @!p0 [sflag:s8], $0x0  }
0x24: {  	s3 =	sadd.s32 $0x88, s3;
	s6 =	simm.s32 @!p1 $0x1082;
	[sflag:s4] =	ssyncset.s32 $0xFFFFF086  }
0x25: {  	[simem:s6], [sflag:s4] =	dma.local [hbm:s3], $0xF7A  }
0x26: {  	[smem:$0x3F8A] =	sst s1;
	(tag) =	ssettag s2;
	_ =	strace s9  }
0x27: {  	s1 =	sld [smem:$0x3F9A]  }
0x28: {  	s2 =	sld [smem:$0x3F9B]  }
0x29: {  	s4 =	sld [smem:$0x3F9D]  }
0x2a: {  	p0 =	seq.s32 s5, $0x0;
	s5 =	sld [smem:$0x3F9E]  }
0x2b: {  	s6 =	sld [smem:$0x3F9F]  }
0x2c: {  	s7 =	sld [smem:$0x3FA0]  }
0x2d: {  	s3 =	simm.s32 $0x108;
	s8 =	sld [smem:$0x3FA1]  }
0x2e: {  	s3 =	simm.s32 @!p0 $0x1082;
	s9 =	sld [smem:$0x3FA2]  }
0x2f: {  	lr =	sadd.s32 s0, s3;
	s0 =	sld [smem:$0x3F99]  }
0x30: {  	s3 =	sld [smem:$0x3F9C]  }
0x31: {  	[smem:$0x3FA5] =	sst s10  }
0x32: {  	s10 =	sld [smem:$0x3FA3];
	_ =	sdelay $0x3  }
0x33: {  	p0 =	seq.s32 s10, $0x1;
	s10 =	sld [smem:$0x3FA5];
	_ =	sdelay $0x3  }
0x34: {  	[smem:$0x3FA5] =	sst s10  }
0x35: {  	s10 =	sld [smem:$0x3FA4];
	_ =	sdelay $0x3  }
0x36: {  	p1 =	seq.s32 s10, $0x1;
	s10 =	sld [smem:$0x3FA5];
	_ =	sdelay $0x3  }
0x37: {  	[smem:$0x3FA5] =	sst s10  }
0x38: {  	s10 =	sld [smem:$0x3FA6]  }
0x39: {  	_ = 	snop;
	(pc) =	sbr.ind lr, $3  }
0x3a: {  	_ = 	snop  }
0x3b: {  	_ = 	snop  }
0x3c: {  	p2 =	seq.s32 s10, $0x1;
	s10 =	sld [smem:$0x3FA5]  }
0x3d: {  	_ =	shalt  }
0x3e: {  	_ =	shalt  }
0x3f: {  	_ =	shalt  }
0x40: {  	_ =	shalt  }
0x41: {  	_ =	shalt  }
0x42: {  	_ =	shalt  }
0x43: {  	_ =	shalt  }
0x44: {  	_ =	shalt  }
0x45: {  	_ =	shalt  }
0x46: {  	_ =	shalt  }
0x47: {  	_ =	shalt  }
0x48: {  	_ =	shalt  }
0x49: {  	_ =	shalt  }
0x4a: {  	_ =	shalt  }
0x4b: {  	_ =	shalt  }
0x4c: {  	_ =	shalt  }
0x4d: {  	_ =	shalt  }
0x4e: {  	_ =	shalt  }
0x4f: {  	_ =	shalt  }
0x50: {  	_ =	shalt  }
0x51: {  	_ =	shalt  }
0x52: {  	_ =	shalt  }
0x53: {  	_ =	shalt  }
0x54: {  	_ =	shalt  }
0x55: {  	_ =	shalt  }
0x56: {  	_ =	shalt  }
0x57: {  	_ =	shalt  }
0x58: {  	_ =	shalt  }
0x59: {  	_ =	shalt  }
0x5a: {  	_ =	shalt  }
0x5b: {  	_ =	shalt  }
0x5c: {  	_ =	shalt  }
0x5d: {  	_ =	shalt  }
0x5e: {  	_ =	shalt  }
0x5f: {  	_ =	shalt  }
0x60: {  	_ =	shalt  }
0x61: {  	_ =	shalt  }
0x62: {  	_ =	shalt  }
0x63: {  	_ =	shalt  }
0x64: {  	_ =	shalt  }
0x65: {  	_ =	shalt  }
0x66: {  	_ =	shalt  }
0x67: {  	_ =	shalt  }
0x68: {  	_ =	shalt  }
0x69: {  	_ =	shalt  }
0x6a: {  	_ =	shalt  }
0x6b: {  	_ =	shalt  }
0x6c: {  	_ =	shalt  }
0x6d: {  	_ =	shalt  }
0x6e: {  	_ =	shalt  }
0x6f: {  	_ =	shalt  }
0x70: {  	_ =	shalt  }
0x71: {  	_ =	shalt  }
0x72: {  	_ =	shalt  }
0x73: {  	_ =	shalt  }
0x74: {  	_ =	shalt  }
0x75: {  	_ =	shalt  }
0x76: {  	_ =	shalt  }
0x77: {  	_ =	shalt  }
0x78: {  	_ =	shalt  }
0x79: {  	_ =	shalt  }
0x7a: {  	_ =	shalt  }
0x7b: {  	_ =	shalt  }
0x7c: {  	_ =	shalt  }
0x7d: {  	_ =	shalt  }
0x7e: {  	_ =	shalt  }
0x7f: {  	_ =	shalt  }
0x80: {  	_ =	shalt  }
0x81: {  	_ =	shalt  }
0x82: {  	_ =	shalt  }
0x83: {  	_ =	shalt  }
0x84: {  	_ =	shalt  }
0x85: {  	_ =	shalt  }
0x86: {  	_ =	shalt  }
0x87: {  	_ =	shalt  }
.Lfunc_end0:
.L_simem_size_0:
called_computation.3_lowered:
.L_overlay_start_0:
0x88: {  	s0 =	sld [smem:$0x3FD9]  }
0x89: {  	s1 =	sld [smem:$0x3FFE];
	_ =	sdelay $0x3  }
0x8a: {  	s0 =	sadd.s32 s1, s0  }
0x8b: {  	[smem:$0x3FB1] =	sst s0  }
0x8c: {  	_ = 	snop  }
0x8d: {  	(tm) =	ssettm $0x1  }
0x8e: {  	s15 =	sld [smem:$0x3FFB];
	_ =	sdelay $0x3  }
0x8f: {  	_ =	strace s15  }
0x90: {  	s0 =	sld [smem:$0x3FFC];
	_ =	sdelay $0x3  }
0x91: {  	_ =	strace s0  }
0x92: {  	s0 =	sld [smem:$0x3FFD];
	_ =	sdelay $0x3  }
0x93: {  	_ =	strace s0  }
0x94: {  	_ =	strace $0x8FFFFFFF  }
0x95: {  	s16 =	sld [smem:$0x3FDB];
	_ =	sdelay $0x1  }
0x96: {  	s17 =	simm.s32 $_scs_section_size  }
0x97: {  	s2 =	simm.s32 $_size__tile_overlayer_lowered;
	s3 =	simm.s32 $_tile_overlayer_lowered  }
0x98: {  	s20 =	simm.s32 $0x1BFF;
	s19 =	sshll.u32 s3, $0x1;
	s0 =	sadd.s32 s17, s16  }
0x99: {  	s4 =	simm.s32 $0x0;
	s18 =	sshll.u32 s2, $0x1;
	s2 =	sadd.s32 s19, s0  }
0x9a: {  	[timem:s4], [sflag:s20] =	dma.local [hbm:s2], s18  }
0x9b: {  	_ =	swait.ge [sflag:s20], s18  }
0x9c: {  	s1 =	ssub.s32 $0x0, s18;
	[sflag:s20] =	ssyncset.done $0x0  }
0x9d: {  	[sflag:s20] =	ssyncadd.s32 s1;
	_ =	sdelay $0x1  }
0x9e: {  	s21 =	simm.s32 $0x1B8B  }
0x9f: {  	_ =	swait.ge [sflag:s21], $0x1  }
0xa0: {  	[sflag:s21] =	ssyncset.done $0x0  }
0xa1: {  	s23 =	simm.s32 $0x1B8E;
	s22 =	sld [smem:$0x3FFE];
	[sflag:s21] =	ssyncadd.s32 $0xFFFFFFFF  }
0xa2: {  	s24 =	simm.s32 $execute0_lowered;
	[smem:$0x3FD2] =	sst s23  }
0xa3: {  	s2 =	sshll.u32 s24, $0x1;
	_ =	strace $0x80000058;
	[dreg:$0x1] =	wrdreg $0xFFFFFFFF  }
0xa4: {  	s25 =	simm.s32 $_size_execute0_lowered;
	s0 =	sadd.s32 s0, s2;
	[dreg:$0x0] =	wrdreg $0x0  }
0xa5: {  	s2 =	sshll.u32 s25, $0x1;
	[dreg:$0x2] =	wrdreg s0  }
0xa6: {  	[dreg:$0x3] =	wrdreg s2  }
0xa7: {  	[dreg:$0x4] =	wrdreg $0xC0  }
0xa8: {  	_ =	task [dreg:s4], $0x5FFFF  }
0xa9: {  	[dreg:$0x1] =	wrdreg $0xFFFFFFFF  }
0xaa: {  	[dreg:$0x0] =	wrdreg $0x60  }
0xab: {  	[dreg:$0x2] =	wrdreg s22  }
0xac: {  	[dreg:$0x3] =	wrdreg $0x9  }
0xad: {  	_ =	task.clear_ibuf [dreg:s4], $0x4FFFF;
	_ =	strace $0x90000058  }
0xae: {  	s26 =	simm.s32 $0x9;
	_ =	strace $0x8000005A  }
0xaf: {  	_ =	swait.ge [sflag:s26], $0x1  }
0xb0: {  	[sflag:s26] =	ssyncadd.s32 $0xFFFFFFFF  }
0xb1: {  	_ =	strace $0x9000005A  }
0xb2: {  	_ =	sfence  }
0xb3: {  	s28 =	sld [smem:$0x0];
	_ =	sdelay $0x1  }
0xb4: {  	s29 =	srdreg.scid  }
0xb5: {  	s30 =	sshll.u32 s29, $0xD;
	s31 =	sshrl.u32 s29, $0x2  }
0xb6: {  	s1 =	sand.u32 $0x1, s29;
	s2 =	sand.u32 $0x4000, s30;
	s0 =	sadd.s32 s31, s28  }
0xb7: {  	s1 =	sor.u32 s2, s1;
	s0 =	sshll.u32 s0, $0x11  }
0xb8: {  	s0 =	sor.u32 s0, s1  }
0xb9: {  	s0 =	sadd.s32 $0x8F2B, s0  }
0xba: {  	[sflag:s0] =	ssyncadd.remote.s32 $0x1  }
0xbb: {  	_ =	sfence.sel $0xFFFF  }
0xbc: {  	[dreg:$0x0] =	wrdreg $0xFFFFFFFF;
	(pc) =	sbr.abs _section_cstart, $3  }
0xbd: {  	[dreg:$0x1] =	wrdreg $0xFFFFFFFF  }
0xbe: {  	_ =	task.clear_ibuf [dreg:s4], $0x2FFFF;
	_ =	strace $0x9FFFFFFF  }
0xbf: {  	(tm) =	ssettm $0x7FFFFFFF  }
tec
execute0_lowered:
.L_overlay_start_1:
0x0: {  	(tag) =	ssettag $0x1  }
0x1: {  	s0 =	rddreg [dreg:$0x0];
	_ =	strace $0x80000059;
	s1 =	simm.s32 $0x1  }
0x2: {  	s8 =	simm.s32 $0x88;
	v0 =	vimm.s32 $0x0;
	[sflag:s1] =	ssyncpa.u1 $0x0  }
0x3: {  	[tilespmem:s8+$0x30] =	vst v0  }
0x4: {  	s1 =	sadd.s32 $0x2BD600, s0;
	s3 =	sadd.s32 $0xF800, s0;
	[tilespmem:s8+$0x20] =	vst v0  }
0x5: {  	s4 =	sadd.s32 $0x25400, s0;
	s5 =	sadd.s32 $0x20000, s0;
	s0 =	simm.s32 $0x40;
	[tilespmem:s8+$0x10] =	vst v0  }
.LBB2_1:
0x6: {  	s0 =	sadd.s32 $0x40, s0  }
0x7: {  	[tilespmem:s8+$0x0] =	vst v0;
	s8 =	sadd.s32 $0x40, s8;
	p0 =	slt.u32 s0, $0x5040  }
.Ltmp0:
0x8: {  	(pc) =	sbr.rel @p0 .LBB2_1-.Ltmp0, $4  }
0x9: {  	_ = 	snop  }
0xa: {  	[tilespmem:s8+$0x30] =	vst v0  }
0xb: {  	[tilespmem:s8+$0x20] =	vst v0  }
0xc: {  	[tilespmem:s8+$0x10] =	vst v0  }
0xd: {  	s9 =	stileid.u32  }
0xe: {  	s0 =	smul.u32 $0x21, s9  }
0xf: {  	s2 =	smin.u32 s9, $0x4  }
0x10: {  	s0 =	sadd.s32 s2, s0  }
0x11: {  	p0 =	slt.u32 s9, $0x4;
	s6 =	smul.u32 $0x140, s0;
	s0 =	simm.s32 $0x2A80  }
0x12: {  	s0 =	simm.s32 @!p0 $0x2940  }
0x13: {  	s0 =	sadd.s32 s0, s6  }
0x14: {  	s7 =	smin.u32 s0, $0x29810  }
0x15: {  	s0 =	ssub.s32 s7, s6  }
0x16: {  	p0 =	sgt.s32 s0, $0x0  }
0x17: {  	s0 =	simm.s32 @!p0 $0x0  }
0x18: {  	s29 =	simm.s32 $0x2;
	s10 =	simm.s32 $0x7;
	s28 =	smulhi.u32 $0x66666667, s0  }
0x19: {  	s31 =	simm.s32 $0x8;
	s11 =	simm.s32 $0x1;
	s15 =	simm.s32 $0x0  }
0x1a: {  	p1 =	por $0x0, $0x0;
	s16 =	simm.s32 $0xA;
	s2 =	sshrl.u32 s28, $0x7  }
0x1b: {  	s20 =	simm.s32 $0x0;
	s17 =	simm.s32 $0x0;
	s30 =	smul.u32 $0x140, s2  }
.Ltmp1:
0x1c: {  	[tilespmem:s8+$0x0] =	vst v0;
	v0 =	vimm.s32 $0xFFFFFFFF;
	s19 =	simm.s32 $0x0;
	[sflag:s29] =	ssyncpa.u1 $0x0;
	(pc) =	sbr.rel .LBB2_3-.Ltmp1, $4  }
0x1d: {  	[tilespmem:$0xA108] =	vst v0;
	[sflag:s10] =	ssyncpa.u1 $0x0;
	p0 =	sne.s32 s0, s30;
	s0 =	simm.s32 $0x1  }
0x1e: {  	s10 =	simm.s32 $0x9;
	[sflag:s31] =	ssyncpa.u1 $0x0;
	s0 =	simm.s32 @!p0 $0x0  }
0x1f: {  	s13 =	sshll.u32 s9, $0x7;
	[sflag:s10] =	ssyncpa.u1 $0x0;
	s12 =	sadd.s32 s0, s2  }
0x20: {  	v0 =	vlaneseq.u32;
	s18 =	smov.u32 s6;
	p0 =	por $0x1, $0x1;
	s14 =	sadd.s32 $0x1, s12  }
.LBB2_24:
0x21: {  	s0 =	sshrl.u32 s29, $0x2  }
.LBB2_26:
0x22: {  	_ =	swait.ge [sflag:s16], s0  }
0x23: {  	s31 =	ssub.s32 $0x0, s0;
	v1 =	vmov s22;
	vm0 =	veq.s32 v0, $0x0;
	[sflag:s16] =	ssyncset.done $0x0  }
0x24: {  	vm15 =	veq.s32 v0, $0x2;
	v1 =	vsel vm0, s28, v1;
	[sflag:s16] =	ssyncadd.s32 s31  }
0x25: {  	v1 =	vsel vm15, s20, v1;
	[sflag:s16] =	ssyncpa.u1 $0x1  }
0x26: {  	[tilespmem:$0xA108] =	vst v1  }
.LBB2_27:
0x27: {  	s0 =	sadd.s32 $0x140, s18  }
0x28: {  	s2 =	smov.u32 s6;
	p2 =	slt.s32 s0, s7  }
0x29: {  	s2 =	smov.u32 @p2 s0;
	p2 =	sne.s32 s19, s14  }
.Ltmp2:
0x2a: {  	_ = 	snop;
	(pc) =	sbr.rel @!p2 .LBB2_28-.Ltmp2, $4  }
0x2b: {  	_ = 	snop  }
0x2c: {  	s20 =	smov.u32 s17  }
0x2d: {  	s31 =	sadd.s32 $0x1, s19;
	s17 =	smov.u32 s18;
	p0 =	por !p0, !p0  }
0x2e: {  	p1 =	por !p1, !p1;
	s19 =	smov.u32 s31;
	s18 =	smov.u32 s2  }
.LBB2_3:
0x2f: {  	p2 =	sge.u32 s19, s12  }
0x30: {  	s0 =	smulhi.u32 @!p2 $0xAAAAAAAB, s19  }
0x31: {  	s2 =	smov.u32 s18;
	p3 =	sgt.s32 @!p2 s18, $0x296D0  }
0x32: {  	s8 =	sshra.s32 @!p2 s18, $0x1F;
	p3 =	por !p3, p2;
	s0 =	sshrl.u32 @!p2 s0, $0x1  }
0x33: {  	s8 =	sand.u32 @!p2 s8, s18;
	s2 =	simm.s32 @p3 $0x296D0;
	s0 =	smul.u32 @!p2 $0x3, s0  }
0x34: {  	s2 =	ssub.s32 @!p2 s2, s8  }
0x35: {  	s22 =	sadd.s32 $0xFFFFFFFF, s19;
	s2 =	sadd.s32 @!p2 $0xFFFD6930, s2;
	s0 =	ssub.s32 @!p2 s19, s0  }
0x36: {  	s8 =	sshll.u32 @!p2 s2, $0x2;
	p3 =	sgt.s32 @!p2 s2, $0x13F;
	s0 =	smul.u32 @!p2 $0x500, s0  }
0x37: {  	s21 =	sand.u32 @!p2 $0x7, s18;
	s2 =	ssub.s32 @!p2 $0x500, s8;
	p3 =	por !p3, p2  }
0x38: {  	s8 =	sshrl.u32 @!p2 s18, $0x3;
	s2 =	sshrl.u32 @!p2 s2, $0x2;
	s0 =	sshrl.u32 @!p2 s0, $0x2  }
0x39: {  	s8 =	sadd.s32 @!p2 s5, s8;
	s2 =	simm.s32 @!p3 $0x0;
	s0 =	sadd.s32 @!p2 $0xA938, s0  }
0x3a: {  	[tilespmem:s0], [sflag:$0x8] =	stream.linear.gather @!p2 [hbm4b:s8+s21], s2, $0x38;
	[tilespmem:$0x1EF78] =	vst v63  }
0x3b: {  	p2 =	sge.u32 s22, s12  }
0x3c: {  	p3 =	sgt.s32 @!p2 s17, $0x296D0  }
0x3d: {  	s0 =	smov.u32 s17;
	s2 =	sshra.s32 @!p2 s17, $0x1F;
	p3 =	por !p3, p2  }
0x3e: {  	s2 =	sand.u32 @!p2 s2, s17;
	s0 =	simm.s32 @p3 $0x296D0  }
0x3f: {  	s0 =	ssub.s32 @!p2 s0, s2  }
0x40: {  	s0 =	sadd.s32 @!p2 $0xFFFD6930, s0  }
0x41: {  	s2 =	sshll.u32 @!p2 s0, $0x2  }
0x42: {  	p3 =	sgt.s32 @!p2 s0, $0x13F;
	s0 =	ssub.s32 @!p2 $0x500, s2  }
0x43: {  	p3 =	por !p3, p2;
	s0 =	sshrl.u32 @!p2 s0, $0x2  }
0x44: {  	s8 =	simm.s32 @!p2 $0x8;
	s2 =	sand.u32 @!p2 $0x1, s22;
	s0 =	simm.s32 @!p3 $0x0  }
0x45: {  	s2 =	smul.u32 @!p2 $0x500, s2;
	_ =	swait.ge @!p2 [sflag:s8], s0  }
0x46: {  	s21 =	ssub.s32 @!p2 $0x0, s0;
	[sflag:s8] =	ssyncset.done @!p2 $0x0  }
0x47: {  	s2 =	sshrl.u32 @!p2 s2, $0x2;
	[sflag:s8] =	ssyncadd.s32 @!p2 s21;
	s8 =	sshrl.u32 @!p2 s17, $0x3  }
0x48: {  	s2 =	sadd.s32 @!p2 $0xACF8, s2;
	s21 =	sand.u32 @!p2 $0x7, s17;
	s8 =	sadd.s32 @!p2 s3, s8  }
0x49: {  	[tilespmem:s2], [sflag:$0x9] =	stream.linear.gather @!p2 [hbm4b:s8+s21], s0, $0x38;
	[tilespmem:$0x1EF78] =	vst v63  }
0x4a: {  	s21 =	ssub.s32 @!p2 $0x29810, s17  }
0x4b: {  	p3 =	slt.s32 @!p2 s21, $0x1  }
0x4c: {  	p3 =	por p2, p3  }
.Ltmp3:
0x4d: {  	_ = 	snop;
	(pc) =	sbr.rel @p3 .LBB2_9-.Ltmp3, $1  }
0x4e: {  	_ =	sdelay $0x3  }
0x4f: {  	s0 =	smulhi.u32 $0xAAAAAAAB, s22;
	_ =	sdelay $0x1  }
0x50: {  	s0 =	sshrl.u32 s0, $0x1  }
0x51: {  	s0 =	smul.u32 $0x3, s0;
	_ =	sdelay $0x1  }
0x52: {  	s0 =	ssub.s32 s22, s0  }
0x53: {  	s2 =	simm.s32 $0x1;
	s0 =	smul.u32 $0x500, s0  }
.Ltmp4:
0x54: {  	s2 =	simm.s32 @!p0 $0x0;
	(pc) =	sbr.rel .LBB2_6-.Ltmp4, $4  }
0x55: {  	s2 =	smul.u32 $0x28000, s2  }
0x56: {  	p3 =	slt.s32 @!p2 s21, $0x140;
	s0 =	sshrl.u32 s0, $0x2  }
0x57: {  	p2 =	por !p3, p2;
	s2 =	sshrl.u32 s2, $0x2;
	s0 =	sadd.s32 $0xA938, s0  }
0x58: {  	s23 =	simm.s32 $0x0;
	s21 =	simm.s32 @p2 $0x140;
	s22 =	sadd.s32 $0xAF78, s2;
	v1 =	vmov s0  }
.LBB2_5:
0x59: {  	p2 =	sge.s32 s23, s21  }
.Ltmp5:
0x5a: {  	_ = 	snop;
	(pc) =	sbr.rel @p2 .LBB2_9-.Ltmp5, $2  }
0x5b: {  	_ =	sdelay $0x2  }
0x5c: {  	s22 =	sadd.s32 $0x800, s22  }
.LBB2_6:
0x5d: {  	p2 =	sle.s32 s21, s23  }
.Ltmp6:
0x5e: {  	_ = 	snop;
	(pc) =	sbr.rel @p2 .LBB2_5-.Ltmp6, $2  }
0x5f: {  	_ =	sdelay $0x2  }
0x60: {  	s24 =	smov.u32 s23;
	s23 =	sadd.s32 $0x10, s23  }
0x61: {  	s0 =	ssub.s32 s21, s24  }
0x62: {  	p2 =	slt.s32 s0, $0x10  }
0x63: {  	s0 =	simm.s32 @!p2 $0x10  }
0x64: {  	v2 =	vmov s0  }
0x65: {  	vm0 =	vgt.s32 v2, v0;
	_ =	sdelay $0x5  }
0x66: {  	v2 =	vld.idx.msk [tilespmem:v1+s24+$0x0 ss:$0x1], vm0;
	_ =	sdelay $0x2  }
0x67: {  	p2 =	slt.s32 s23, s21;
	s0 =	smov.u32 s21  }
0x68: {  	s2 =	smov.u32 s22;
	s25 =	simm.s32 $0x0;
	s0 =	smov.u32 @p2 s23  }
.LBB2_8:
0x69: {  	(v2sf) =	vpush v2, s25;
	_ =	sdelay $0xc  }
0x6a: {  	s25 =	sadd.s32 $0x1, s25  }
0x6b: {  	s31 =	sadd.s32 s25, s24  }
0x6c: {  	p2 =	slt.s32 s31, s0;
	s8 =	spop (v2sf)  }
.Ltmp7:
0x6d: {  	s8 =	sshll.u32 s8, $0x4;
	(pc) =	sbr.rel @p2 .LBB2_8-.Ltmp7, $4  }
0x6e: {  	s8 =	sand.u32 $0x1FFFFFF0, s8  }
0x6f: {  	s8 =	sadd.s32 s4, s8  }
0x70: {  	[tilespmem:s2], [sflag:$0x7] =	stream.linear.gather [hbm4b:s8+s15], $0x40, $0x38;
	[tilespmem:$0x1EF78] =	vst v63  }
0x71: {  	s2 =	sadd.s32 $0x80, s2  }
.Ltmp8:
0x72: {  	_ = 	snop;
	(pc) =	sbr.rel .LBB2_5-.Ltmp8, $1  }
0x73: {  	_ =	sdelay $0x3  }
.LBB2_9:
0x74: {  	p2 =	slt.u32 s19, $0x2  }
.Ltmp9:
0x75: {  	_ = 	snop;
	(pc) =	sbr.rel @p2 .LBB2_27-.Ltmp9, $1  }
0x76: {  	_ =	sdelay $0x3  }
0x77: {  	p2 =	sgt.s32 s20, $0x296D0;
	s0 =	smov.u32 s20  }
0x78: {  	s2 =	sshra.s32 s20, $0x1F;
	s8 =	ssub.s32 $0x29810, s20;
	s0 =	simm.s32 @!p2 $0x296D0  }
0x79: {  	s2 =	sand.u32 s2, s20;
	p2 =	slt.s32 s8, $0x140;
	s21 =	smov.u32 s8  }
0x7a: {  	s0 =	ssub.s32 s0, s2;
	s21 =	simm.s32 @!p2 $0x140  }
0x7b: {  	s0 =	sadd.s32 $0xFFFD6930, s0;
	s26 =	sshll.u32 s21, $0x6  }
0x7c: {  	s9 =	simm.s32 $0x7;
	s29 =	sshll.u32 s0, $0x2;
	s2 =	sand.u32 $0x3FFFFFC0, s26  }
0x7d: {  	p2 =	sgt.s32 s0, $0x13F;
	s30 =	ssub.s32 $0x500, s29;
	_ =	swait.ge [sflag:s9], s2  }
0x7e: {  	s2 =	ssub.s32 $0x0, s2;
	[sflag:s9] =	ssyncset.done $0x0;
	s0 =	sshrl.u32 s30, $0x2  }
0x7f: {  	[sflag:s9] =	ssyncadd.s32 s2;
	s0 =	simm.s32 @p2 $0x0  }
0x80: {  	_ =	swait.ge [sflag:s10], s0  }
0x81: {  	s0 =	ssub.s32 $0x0, s0;
	[sflag:s10] =	ssyncset.done $0x0  }
0x82: {  	[sflag:s10] =	ssyncadd.s32 s0  }
0x83: {  	v1 =	vld [tilespmem:$0xA108];
	_ =	sdelay $0x4  }
0x84: {  	(v2sf) =	vpush v1, $0x0  }
0x85: {  	(v2sf) =	vpush v1, $0x1  }
0x86: {  	(v2sf) =	vpush v1, $0x2;
	_ =	sdelay $0x3  }
0x87: {  	s0 =	sadd.s32 $0x140, s20  }
0x88: {  	p2 =	slt.s32 s7, s0  }
0x89: {  	s0 =	smov.u32 @p2 s7;
	p2 =	sgt.s32 s8, $0x0  }
0x8a: {  	s24 =	ssub.s32 s0, s20;
	s8 =	simm.s32 @!p2 $0x0  }
0x8b: {  	p2 =	slt.s32 s8, s24  }
0x8c: {  	s24 =	smov.u32 @p2 s8  }
0x8d: {  	s23 =	simm.s32 $0x1;
	p2 =	slt.s32 s24, $0x1  }
.Ltmp10:
0x8e: {  	s23 =	simm.s32 @!p1 $0x0;
	(pc) =	sbr.rel @p2 .LBB2_14-.Ltmp10, $4  }
0x8f: {  	s31 =	smul.u32 $0x500, s23  }
0x90: {  	s25 =	spop (v2sf)  }
0x91: {  	s0 =	sshrl.u32 s31, $0x2;
	s28 =	spop (v2sf)  }
0x92: {  	s21 =	sadd.s32 $0xACF8, s0;
	s20 =	spop (v2sf)  }
0x93: {  	s0 =	smin.u32 s24, $0x10  }
0x94: {  	v1 =	vmov s0  }
0x95: {  	p3 =	sgt.s32 s24, $0x10;
	vm1 =	vgt.u32 v1, v0  }
.Ltmp11:
0x96: {  	_ = 	snop;
	(pc) =	sbr.rel @!p3 .LBB2_13-.Ltmp11, $2  }
0x97: {  	_ =	sdelay $0x2  }
0x98: {  	s26 =	simm.s32 $0x10;
	s29 =	sadd.s32 $0xFFFFFFF0, s24;
	s22 =	smov.u32 s21;
	vm0 =	vmmov vm1  }
.LBB2_12:
0x99: {  	s0 =	smin.u32 s29, $0x10;
	s26 =	sadd.s32 $0x10, s26;
	v1 =	vld.msk [tilespmem:s22+$0x0 ss:$0x1], vm1  }
0x9a: {  	v2 =	vmov s0;
	p3 =	slt.s32 s26, s24  }
0x9b: {  	vm1 =	vgt.u32 v2, v0  }
.Ltmp12:
0x9c: {  	(pc) =	sbr.rel @p3 .LBB2_12-.Ltmp12, $3  }
0x9d: {  	_ =	sdelay $0x1  }
0x9e: {  	v1 =	vshll.u32 v1, $0x4  }
0x9f: {  	s29 =	sadd.s32 $0xFFFFFFF0, s29;
	[tilespmem:s22+$0x0] =	vst.msk vm0, v1;
	s22 =	sadd.s32 $0x10, s22;
	vm0 =	vmmov vm1  }
.LBB2_13:
0xa0: {  	_ =	sdelay $0x4  }
0xa1: {  	v1 =	vld.msk [tilespmem:s22+$0x0 ss:$0x1], vm1;
	_ =	sdelay $0x4  }
0xa2: {  	v1 =	vshll.u32 v1, $0x4  }
0xa3: {  	[tilespmem:s22+$0x0] =	vst.msk vm0, v1  }
.LBB2_14:
0xa4: {  	s0 =	sand.u32 $0x1, s19  }
0xa5: {  	s0 =	smul.u32 $0x140, s0  }
0xa6: {  	p3 =	sne.s32 s28, $0xFFFFFFFF  }
0xa7: {  	v1 =	vld.msk @!p3 [tilespmem:s0+$0xACF8], $0x1;
	_ =	sdelay $0x4  }
0xa8: {  	(v2sf) =	vpush @!p3 v1, $0x0;
	_ =	sdelay $0xc  }
.Ltmp13:
0xa9: {  	_ = 	snop;
	(pc) =	sbr.rel @p2 .LBB2_25-.Ltmp13, $4  }
0xaa: {  	_ = 	snop  }
0xab: {  	s26 =	spop @!p3 (v2sf)  }
0xac: {  	s20 =	simm.s32 @!p3 $0x0;
	s22 =	smov.u32 s26  }
0xad: {  	[sflag:s16] =	ssyncpa.u1 $0x0;
	s26 =	smov.u32 @p3 s25;
	s22 =	smov.u32 @p3 s28  }
0xae: {  	v1 =	vld.msk [tilespmem:s21+$0x0], $0x1;
	_ =	sdelay $0x4  }
0xaf: {  	(v2sf) =	vpush v1, $0x0;
	_ =	sdelay $0xe  }
0xb0: {  	s0 =	smul.u32 $0x28000, s23;
	s30 =	spop (v2sf)  }
0xb1: {  	s24 =	ssub.s32 $0x0, s24;
	p2 =	seq.s32 s26, s30  }
0xb2: {  	s28 =	sadd.s32 $0x1, s24;
	s0 =	sshrl.u32 s0, $0x2;
	p3 =	sgt.s32 @!p2 s26, $0x0  }
0xb3: {  	s23 =	sadd.s32 $0xAF98, s0;
	s0 =	smov.u32 s26;
	p3 =	por !p3, p2  }
0xb4: {  	s0 =	simm.s32 @p3 $0x0;
	p3 =	seq.s32 s28, $0x0  }
.Ltmp14:
0xb5: {  	_ = 	snop;
	(pc) =	sbr.rel @p3 .LBB2_17-.Ltmp14, $4  }
0xb6: {  	_ = 	snop  }
0xb7: {  	s25 =	simm.s32 $0x0;
	s31 =	simm.s32 @!p2 $0x1;
	s2 =	smin.u32 @!p2 s0, $0x270F8  }
0xb8: {  	s29 =	sadd.s32 $0x1, s21;
	s31 =	smov.u32 @p2 s25;
	s8 =	sand.u32 @!p2 $0x3FFF8, s2  }
0xb9: {  	s0 =	simm.s32 @!p2 $0x50C8;
	s2 =	sand.u32 @!p2 $0x7, s2;
	s8 =	sadd.s32 @!p2 s1, s8  }
.LBB2_16:
0xba: {  	s9 =	smov.u32 s31  }
0xbb: {  	[tilespmem:s0], [sflag:$0x2] =	stream.linear.gather @!p2 [hbm4b:s8+s2], $0x40, $0x38;
	[tilespmem:$0x1EF78] =	vst v63  }
0xbc: {  	s28 =	sadd.s32 $0x1, s28;
	s2 =	smov.u32 s30;
	v1 =	vld.msk [tilespmem:s29+$0x0], $0x1  }
0xbd: {  	p3 =	seq.s32 s28, $0x0;
	_ =	sdelay $0x3  }
0xbe: {  	(v2sf) =	vpush v1, $0x0;
	_ =	sdelay $0xe  }
0xbf: {  	s30 =	spop (v2sf)  }
0xc0: {  	p2 =	seq.s32 s2, s30  }
0xc1: {  	p4 =	sgt.s32 @!p2 s2, $0x0;
	s0 =	sshll.u32 @!p2 s31, $0x8;
	s31 =	sadd.s32 @!p2 $0x1, s31  }
.Ltmp15:
0xc2: {  	p4 =	por !p4, p2;
	s0 =	sshra.s32 @!p2 s0, $0x2;
	(pc) =	sbr.rel @!p3 .LBB2_16-.Ltmp15, $4  }
0xc3: {  	s31 =	smov.u32 @p2 s9;
	s2 =	simm.s32 @p4 $0x0;
	s0 =	sadd.s32 @!p2 $0x50C8, s0  }
0xc4: {  	s2 =	smin.u32 @!p2 s2, $0x270F8  }
0xc5: {  	s8 =	sand.u32 @!p2 $0x3FFF8, s2;
	s2 =	sand.u32 @!p2 $0x7, s2  }
0xc6: {  	s29 =	sadd.s32 $0x1, s29;
	s8 =	sadd.s32 @!p2 s1, s8  }
.LBB2_17:
0xc7: {  	[tilespmem:s0], [sflag:$0x2] =	stream.linear.gather @!p2 [hbm4b:s8+s2], $0x40, $0x38;
	[tilespmem:$0x1EF78] =	vst v63  }
.Ltmp16:
0xc8: {  	s30 =	sshll.u32 s31, $0x6;
	(pc) =	sbr.rel .LBB2_18-.Ltmp16, $4  }
0xc9: {  	s31 =	simm.s32 $0x2;
	s0 =	sand.u32 $0x3FFFFFC0, s30  }
0xca: {  	_ =	swait.ge [sflag:s31], s0  }
0xcb: {  	s0 =	ssub.s32 $0x0, s0;
	[sflag:s31] =	ssyncset.done $0x0  }
0xcc: {  	s29 =	simm.s32 $0x0;
	[sflag:s31] =	ssyncadd.s32 s0  }
.LBB2_19:
0xcd: {  	v1 =	vld [tilespmem:s23+$0xFFFFFFE0];
	_ =	sdelay $0x4  }
0xce: {  	[tilespmem:s30+$0x88] =	vst.add.f32.msk $0xffff, v1  }
0xcf: {  	v1 =	vld [tilespmem:s23+$0xFFFFFFF0];
	_ =	sdelay $0x4  }
0xd0: {  	[tilespmem:s30+$0x98] =	vst.add.f32.msk $0xffff, v1  }
0xd1: {  	v1 =	vld [tilespmem:s23+$0x0];
	_ =	sdelay $0x4  }
0xd2: {  	[tilespmem:s30+$0xA8] =	vst.add.f32.msk $0xffff, v1  }
0xd3: {  	v1 =	vld [tilespmem:s23+$0x10];
	_ =	sdelay $0x4  }
0xd4: {  	[tilespmem:s30+$0xB8] =	vst.add.f32.msk $0xffff, v1  }
.LBB2_23:
0xd5: {  	s24 =	sadd.s32 $0x1, s24  }
0xd6: {  	p2 =	seq.s32 s24, $0x0  }
.Ltmp17:
0xd7: {  	_ = 	snop;
	(pc) =	sbr.rel @p2 .LBB2_24-.Ltmp17, $2  }
0xd8: {  	_ =	sdelay $0x2  }
0xd9: {  	s23 =	sadd.s32 $0x80, s23;
	s21 =	sadd.s32 $0x1, s21;
	s26 =	smov.u32 s28  }
.LBB2_18:
0xda: {  	v1 =	vld.msk [tilespmem:s21+$0x0], $0x1;
	_ =	sdelay $0x4  }
0xdb: {  	(v2sf) =	vpush v1, $0x0;
	_ =	sdelay $0xe  }
0xdc: {  	s28 =	spop (v2sf)  }
0xdd: {  	p2 =	sne.s32 s26, s28  }
.Ltmp18:
0xde: {  	_ = 	snop;
	(pc) =	sbr.rel @!p2 .LBB2_19-.Ltmp18, $3  }
0xdf: {  	_ =	sdelay $0x1  }
0xe0: {  	s0 =	sshll.u32 s20, $0x8  }
0xe1: {  	s30 =	sshra.s32 s0, $0x2  }
0xe2: {  	p2 =	seq.s32 s26, s22  }
.Ltmp19:
0xe3: {  	_ = 	snop;
	(pc) =	sbr.rel @!p2 .LBB2_21-.Ltmp19, $1  }
0xe4: {  	_ =	sdelay $0x3  }
.Ltmp20:
0xe5: {  	s0 =	sadd.s32 $0x88, s30;
	(pc) =	sbr.rel .LBB2_22-.Ltmp20, $4  }
0xe6: {  	[spmem:s13] =	stream.linear.scatter [tilespmem:s0], [sflag:$0x1], $0x40, $0x38;
	[tilespmem:$0x1EF78] =	vst v63  }
0xe7: {  	_ =	swait.ge [sflag:s11], $0x40  }
0xe8: {  	[sflag:s11] =	ssyncset.done $0x0  }
0xe9: {  	[sflag:s11] =	ssyncadd.s32 $0xFFFFFFC0  }
.LBB2_21:
0xea: {  	s0 =	sshll.u32 s25, $0x8  }
0xeb: {  	s0 =	sshra.s32 s0, $0x2  }
0xec: {  	v1 =	vld [tilespmem:s0+$0x50C8];
	_ =	sdelay $0x4  }
0xed: {  	[tilespmem:s30+$0x88] =	vst.add.f32.msk $0xffff, v1  }
0xee: {  	v1 =	vld [tilespmem:s0+$0x50D8];
	_ =	sdelay $0x4  }
0xef: {  	[tilespmem:s30+$0x98] =	vst.add.f32.msk $0xffff, v1  }
0xf0: {  	v1 =	vld [tilespmem:s0+$0x50E8];
	_ =	sdelay $0x4  }
0xf1: {  	[tilespmem:s30+$0xA8] =	vst.add.f32.msk $0xffff, v1  }
0xf2: {  	v1 =	vld [tilespmem:s0+$0x50F8];
	_ =	sdelay $0x2  }
0xf3: {  	p2 =	sgt.u32 s26, $0x270F8  }
0xf4: {  	s0 =	sand.u32 @!p2 $0x3FFF8, s26  }
0xf5: {  	s2 =	sadd.s32 $0x88, s30;
	s8 =	sand.u32 @!p2 $0x7, s26;
	s0 =	sadd.s32 @!p2 s1, s0;
	[tilespmem:s30+$0xB8] =	vst.add.f32.msk $0xffff, v1  }
0xf6: {  	[hbm4b:s0+s8] =	stream.linear.scatter @!p2 [tilespmem:s2], [sflag:$0xA], $0x40, $0x38;
	[tilespmem:$0x1EF78] =	vst v63  }
0xf7: {  	s0 =	simm.s32 $0x0  }
0xf8: {  	s0 =	simm.s32 @!p2 $0x100  }
0xf9: {  	s29 =	sadd.s32 s0, s29  }
.LBB2_22:
0xfa: {  	s0 =	sadd.s32 $0x1, s20  }
0xfb: {  	s2 =	smulhi.u32 $0xCCCCCCCD, s0;
	_ =	sdelay $0x1  }
0xfc: {  	v1 =	vld [tilespmem:s23+$0xFFFFFFE0];
	s2 =	sshrl.u32 s2, $0x8  }
0xfd: {  	s2 =	smul.u32 $0x140, s2;
	_ =	sdelay $0x1  }
0xfe: {  	s20 =	ssub.s32 s0, s2  }
0xff: {  	s0 =	sshll.u32 s20, $0x6  }
0x100: {  	[tilespmem:s0+$0x88] =	vst v1  }
0x101: {  	v1 =	vld [tilespmem:s23+$0xFFFFFFF0];
	_ =	sdelay $0x4  }
0x102: {  	[tilespmem:s0+$0x98] =	vst v1  }
0x103: {  	v1 =	vld [tilespmem:s23+$0x0];
	_ =	sdelay $0x4  }
0x104: {  	[tilespmem:s0+$0xA8] =	vst v1  }
0x105: {  	v1 =	vld [tilespmem:s23+$0x10]  }
.Ltmp21:
0x106: {  	_ = 	snop;
	(pc) =	sbr.rel .LBB2_23-.Ltmp21, $2  }
0x107: {  	_ =	sdelay $0x2  }
0x108: {  	s25 =	sadd.s32 $0x1, s25;
	[tilespmem:s0+$0xB8] =	vst v1  }
.LBB2_25:
.Ltmp22:
0x109: {  	(pc) =	sbr.rel .LBB2_26-.Ltmp22, $4  }
0x10a: {  	_ = 	snop  }
0x10b: {  	s0 =	simm.s32 $0x2  }
0x10c: {  	_ =	swait.ge [sflag:s0], $0x0  }
0x10d: {  	s28 =	smov.u32 s26;
	[sflag:s0] =	ssyncset.done $0x0;
	s0 =	simm.s32 $0x0  }
.LBB2_28:
0x10e: {  	_ =	sfence.sel $0x180000  }
0x10f: {  	s0 =	simm.s32 $0x7;
	[bflag:$0x0] =	sbarrier.arrive $0xFFFF  }
0x110: {  	s25 =	simm.s32 $0x8;
	[sflag:s0] =	ssyncpa.u1 $0x1  }
0x111: {  	s26 =	simm.s32 $0x9;
	[sflag:s25] =	ssyncpa.u1 $0x1  }
0x112: {  	s28 =	simm.s32 $0x2;
	[sflag:s26] =	ssyncpa.u1 $0x1  }
0x113: {  	[sflag:s28] =	ssyncpa.u1 $0x1  }
0x114: {  	v0 =	vld [tilespmem:$0xA108];
	_ =	sdelay $0x4  }
0x115: {  	(v2sf) =	vpush v0, $0x0  }
0x116: {  	(v2sf) =	vpush v0, $0x1;
	_ =	sdelay $0x1  }
0x117: {  	(v2sf) =	vpush v0, $0x2;
	_ =	sdelay $0xb  }
0x118: {  	s0 =	spop (v2sf)  }
0x119: {  	s2 =	spop (v2sf)  }
0x11a: {  	s3 =	smov.u32 s0;
	p0 =	sne.s32 s0, s2  }
0x11b: {  	s4 =	spop (v2sf);
	s3 =	simm.s32 @!p0 $0xFFFFFFFF  }
0x11c: {  	v2 =	vimm.s32 $0x1;
	v3 =	vlaneseq.u32;
	p0 =	seq.s32 s4, $0xFFFFFFFF;
	v1 =	vmov s3  }
0x11d: {  	s7 =	stileid.u32;
	v0 =	vperm.xlane v0, v2;
	p1 =	sne.s32 @!p0 s0, s2;
	v1 =	vperm.xlane v1, v3  }
0x11e: {  	vm0 =	vcmask $0x3F04;
	s6 =	simm.s32 $0xA108;
	s0 =	simm.s32 @!p0 $0x1;
	p1 =	por !p1, p0  }
0x11f: {  	s3 =	sshll.u32 s7, $0x1;
	s2 =	sshll.u32 @!p0 s4, $0x8;
	s0 =	simm.s32 @p1 $0x0;
	v0 =	vsel vm0, v1, v0  }
0x120: {  	s5 =	sor.u32 $0x800, s3;
	s2 =	sshra.s32 @!p0 s2, $0x2;
	s0 =	sor.u32 @!p0 s0, s3;
	[tilespmem:$0xA108] =	vst v0  }
0x121: {  	[spmem:s5] =	stream.linear.scatter [tilespmem:s6], [sflag:$0x1], $0x2, $0x38;
	[tilespmem:$0x1EF78] =	vst v63  }
0x122: {  	s2 =	sadd.s32 @!p0 $0x88, s2;
	s0 =	sshll.u32 @!p0 s0, $0x6  }
0x123: {  	[spmem:s0] =	stream.linear.scatter @!p0 [tilespmem:s2], [sflag:$0x1], $0x40, $0x38;
	[tilespmem:$0x1EF78] =	vst v63  }
0x124: {  	s2 =	simm.s32 @!p0 $0x42  }
0x125: {  	s0 =	simm.s32 $0x1;
	s2 =	simm.s32 @p0 $0x2  }
0x126: {  	_ =	swait.ge [sflag:s0], s2  }
0x127: {  	s2 =	ssub.s32 $0x0, s2;
	[sflag:s0] =	ssyncset.done $0x0  }
0x128: {  	[sflag:s0] =	ssyncadd.s32 s2  }
0x129: {  	_ =	sfence.stream.spmem  }
0x12a: {  	s29 =	simm.s32 $0x3;
	[bflag:$0x0] =	sbarrier.arrive $0xFFFF  }
0x12b: {  	s30 =	simm.s32 $0x4;
	[sflag:s29] =	ssyncpa.u1 $0x1  }
0x12c: {  	s31 =	simm.s32 $0x3C;
	[sflag:s30] =	ssyncpa.u1 $0x1  }
0x12d: {  	p0 =	sne.s32 s7, $0x0;
	[sflag:s31] =	ssyncpa.u1 $0x1  }
0x12e: {  	_ =	sfence @p0  }
0x12f: {  	[sflag:s0] =	ssyncpa.u1 @p0 $0x1  }
0x130: {  	_ =	strace @p0 $0x90000059  }
0x131: {  	[bflag:$0x2] =	sbarrier.arrive @p0 $0xFFFF  }
0x132: {  	_ =	shalt @p0  }
.LBB2_29:
0x133: {  	_ =	sfence.stream.spmem;
	s0 =	simm.s32 $0x5  }
0x134: {  	s2 =	simm.s32 $0x800;
	s3 =	simm.s32 $0xA118;
	[sflag:s0] =	ssyncpa.u1 $0x0  }
0x135: {  	[tilespmem:s3], [sflag:$0x5] =	stream.linear.gather [spmem:s2], $0x20, $0x38;
	[tilespmem:$0x1EF78] =	vst v63  }
0x136: {  	s30 =	simm.s32 $0xA138;
	s2 =	simm.s32 $0x0  }
0x137: {  	[tilespmem:s30], [sflag:$0x5] =	stream.linear.gather [spmem:s2], $0x800, $0x38;
	[tilespmem:$0x1EF78] =	vst v63  }
.Ltmp23:
0x138: {  	_ = 	snop;
	(pc) =	sbr.rel .LBB2_30-.Ltmp23, $4  }
0x139: {  	_ =	swait.ge [sflag:s0], $0x820  }
0x13a: {  	[sflag:s0] =	ssyncset.done $0x0  }
0x13b: {  	s31 =	simm.s32 $0x6;
	[sflag:s0] =	ssyncadd.s32 $0xFFFFF7E0  }
0x13c: {  	s3 =	simm.s32 $0x0;
	[sflag:s31] =	ssyncpa.u1 $0x0  }
.LBB2_36:
0x13d: {  	p0 =	slt.u32 s4, $0x270F9  }
0x13e: {  	s0 =	sand.u32 @p0 $0x3FFF8, s4  }
0x13f: {  	s4 =	sand.u32 @p0 $0x7, s4;
	s5 =	simm.s32 @p0 $0xA0C8;
	s0 =	sadd.s32 @p0 s1, s0  }
0x140: {  	[tilespmem:s5], [sflag:$0x6] =	stream.linear.gather @p0 [hbm4b:s0+s4], $0x40, $0x38;
	[tilespmem:$0x1EF78] =	vst v63  }
0x141: {  	s0 =	simm.s32 @p0 $0x6  }
0x142: {  	_ =	swait.ge @p0 [sflag:s0], $0x40  }
0x143: {  	[sflag:s0] =	ssyncset.done @p0 $0x0  }
0x144: {  	[sflag:s0] =	ssyncadd.s32 @p0 $0xFFFFFFC0  }
0x145: {  	v1 =	vld @p0 [tilespmem:$0xA0C8];
	_ =	sdelay $0x2  }
0x146: {  	s0 =	sshll.u32 @p0 s3, $0x8  }
0x147: {  	s4 =	sshrl.u32 @p0 s0, $0x2  }
0x148: {  	[tilespmem:s4+$0xA138] =	vst.add.f32.msk @p0 $0xffff, v1  }
0x149: {  	v1 =	vld @p0 [tilespmem:$0xA0D8];
	_ =	sdelay $0x4  }
0x14a: {  	[tilespmem:s4+$0xA148] =	vst.add.f32.msk @p0 $0xffff, v1  }
0x14b: {  	v1 =	vld @p0 [tilespmem:$0xA0E8];
	_ =	sdelay $0x4  }
0x14c: {  	[tilespmem:s4+$0xA158] =	vst.add.f32.msk @p0 $0xffff, v1  }
0x14d: {  	v1 =	vld @p0 [tilespmem:$0xA0F8];
	_ =	sdelay $0x3  }
0x14e: {  	s5 =	sshll.u32 @!p0 s3, $0x8  }
0x14f: {  	s5 =	smov.u32 @p0 s0;
	[tilespmem:s4+$0xA168] =	vst.add.f32.msk @p0 $0xffff, v1  }
0x150: {  	s0 =	sshrl.u32 s5, $0x2;
	[tilespmem:s2+$0xA118] =	vst.msk $0x1, v0  }
0x151: {  	v0 =	vld [tilespmem:s0+$0xA138];
	_ =	sdelay $0x2  }
0x152: {  	s31 =	sshll.u32 s2, $0x8  }
0x153: {  	s4 =	sshra.s32 s31, $0x2  }
0x154: {  	[tilespmem:s4+$0xA138] =	vst v0  }
0x155: {  	v0 =	vld [tilespmem:s0+$0xA148];
	_ =	sdelay $0x4  }
0x156: {  	[tilespmem:s4+$0xA148] =	vst v0  }
0x157: {  	v0 =	vld [tilespmem:s0+$0xA158];
	_ =	sdelay $0x4  }
0x158: {  	[tilespmem:s4+$0xA158] =	vst v0  }
0x159: {  	v0 =	vld [tilespmem:s0+$0xA168];
	_ =	sdelay $0x4  }
0x15a: {  	s2 =	sadd.s32 $0x1, s2;
	[tilespmem:s4+$0xA168] =	vst v0  }
.LBB2_37:
0x15b: {  	s3 =	sadd.s32 $0x1, s3  }
0x15c: {  	p0 =	sne.s32 s3, $0x20  }
.Ltmp24:
0x15d: {  	_ = 	snop;
	(pc) =	sbr.rel @!p0 .LBB2_38-.Ltmp24, $1  }
0x15e: {  	_ =	sdelay $0x3  }
.LBB2_30:
0x15f: {  	v0 =	vld.msk [tilespmem:s3+$0xA118], $0x1;
	_ =	sdelay $0x4  }
0x160: {  	(v2sf) =	vpush v0, $0x0;
	_ =	sdelay $0xe  }
0x161: {  	s4 =	spop (v2sf)  }
0x162: {  	p0 =	seq.s32 s4, $0xFFFFFFFF  }
.Ltmp25:
0x163: {  	_ = 	snop;
	(pc) =	sbr.rel @p0 .LBB2_37-.Ltmp25, $1  }
0x164: {  	_ =	sdelay $0x3  }
0x165: {  	p0 =	slt.s32 s2, $0x1  }
.Ltmp26:
0x166: {  	_ = 	snop;
	(pc) =	sbr.rel @p0 .LBB2_36-.Ltmp26, $1  }
0x167: {  	_ =	sdelay $0x3  }
0x168: {  	s5 =	simm.s32 $0xA118;
	p0 =	por $0x0, $0x0  }
0x169: {  	v1 =	vld.msk @!p0 [tilespmem:s5+$0x0], $0x1;
	_ =	sdelay $0x4  }
0x16a: {  	(v2sf) =	vpush @!p0 v1, $0x0;
	_ =	sdelay $0xd  }
0x16b: {  	p2 =	sne.s32 s2, $0x1  }
.Ltmp27:
0x16c: {  	s0 =	spop @!p0 (v2sf);
	(pc) =	sbr.rel @!p2 .LBB2_34-.Ltmp27, $4  }
0x16d: {  	p1 =	seq.s32 @!p0 s4, s0  }
0x16e: {  	s6 =	simm.s32 $0x0;
	p1 =	por !p1, p0  }
0x16f: {  	s0 =	simm.s32 $0xFFFFFFFF;
	s6 =	simm.s32 @p1 $0xFFFFFFFF  }
0x170: {  	s7 =	simm.s32 $0x1;
	s6 =	smov.u32 @p0 s0  }
.LBB2_33:
0x171: {  	s0 =	smov.u32 s6;
	p0 =	sne.s32 s6, $0xFFFFFFFF  }
0x172: {  	s5 =	sadd.s32 $0x1, s5;
	s6 =	smov.u32 s7;
	s7 =	sadd.s32 $0x1, s7  }
0x173: {  	p1 =	sne.s32 s2, s7;
	v1 =	vld.msk @!p0 [tilespmem:s5+$0x0], $0x1;
	_ =	sdelay $0x4  }
0x174: {  	(v2sf) =	vpush @!p0 v1, $0x0;
	_ =	sdelay $0xe  }
.Ltmp28:
0x175: {  	s8 =	spop @!p0 (v2sf);
	(pc) =	sbr.rel @p1 .LBB2_33-.Ltmp28, $4  }
0x176: {  	p2 =	seq.s32 @!p0 s4, s8  }
0x177: {  	p2 =	por !p2, p0  }
0x178: {  	s6 =	simm.s32 @p2 $0xFFFFFFFF  }
0x179: {  	s6 =	smov.u32 @p0 s0  }
.LBB2_34:
0x17a: {  	p0 =	seq.s32 s6, $0xFFFFFFFF  }
.Ltmp29:
0x17b: {  	_ = 	snop;
	(pc) =	sbr.rel @p0 .LBB2_36-.Ltmp29, $1  }
0x17c: {  	_ =	sdelay $0x3  }
0x17d: {  	s0 =	sshll.u32 s3, $0x6  }
0x17e: {  	s0 =	sand.u32 $0x3FFFFFC0, s0  }
0x17f: {  	v0 =	vld [tilespmem:s0+$0xA138];
	_ =	sdelay $0x2  }
0x180: {  	s4 =	sshll.u32 s6, $0x8  }
0x181: {  	s4 =	sshra.s32 s4, $0x2  }
0x182: {  	[tilespmem:s4+$0xA138] =	vst.add.f32.msk $0xffff, v0  }
0x183: {  	v0 =	vld [tilespmem:s0+$0xA148];
	_ =	sdelay $0x4  }
0x184: {  	[tilespmem:s4+$0xA148] =	vst.add.f32.msk $0xffff, v0  }
0x185: {  	v0 =	vld [tilespmem:s0+$0xA158];
	_ =	sdelay $0x4  }
0x186: {  	[tilespmem:s4+$0xA158] =	vst.add.f32.msk $0xffff, v0  }
0x187: {  	v0 =	vld [tilespmem:s0+$0xA168]  }
.Ltmp30:
0x188: {  	_ = 	snop;
	(pc) =	sbr.rel .LBB2_37-.Ltmp30, $2  }
0x189: {  	_ =	sdelay $0x2  }
0x18a: {  	[tilespmem:s4+$0xA168] =	vst.add.f32.msk $0xffff, v0  }
.LBB2_38:
0x18b: {  	p0 =	slt.s32 s2, $0x1  }
.Ltmp31:
0x18c: {  	_ = 	snop;
	(pc) =	sbr.rel @p0 .LBB2_42-.Ltmp31, $3  }
0x18d: {  	_ =	sdelay $0x1  }
0x18e: {  	s0 =	simm.s32 $0x6  }
0x18f: {  	s3 =	simm.s32 $0x0;
	[sflag:s0] =	ssyncpa.u1 $0x1  }
0x190: {  	s0 =	simm.s32 $0xA118  }
0x191: {  	v0 =	vld.msk [tilespmem:s0+$0x0], $0x1;
	_ =	sdelay $0x4  }
0x192: {  	(v2sf) =	vpush v0, $0x0;
	_ =	sdelay $0xe  }
0x193: {  	s2 =	sadd.s32 $0xFFFFFFFF, s2;
	s0 =	spop (v2sf)  }
0x194: {  	p1 =	sne.s32 s2, $0x0;
	p0 =	sgt.u32 s0, $0x270F8  }
.Ltmp32:
0x195: {  	s5 =	sand.u32 @!p0 $0x3FFF8, s0;
	(pc) =	sbr.rel @!p1 .LBB2_41-.Ltmp32, $4  }
0x196: {  	s4 =	simm.s32 $0xA138;
	s0 =	sand.u32 @!p0 $0x7, s0;
	s5 =	sadd.s32 @!p0 s1, s5  }
0x197: {  	[hbm4b:s5+s0] =	stream.linear.scatter @!p0 [tilespmem:s4], [sflag:$0x5], $0x40, $0x38;
	[tilespmem:$0x1EF78] =	vst v63  }
0x198: {  	s0 =	simm.s32 $0x0  }
0x199: {  	s5 =	simm.s32 $0xA119;
	s0 =	simm.s32 @!p0 $0x100  }
.LBB2_40:
0x19a: {  	v0 =	vld.msk [tilespmem:s5+$0x0], $0x1;
	s2 =	sadd.s32 $0xFFFFFFFF, s2;
	s3 =	sadd.s32 s3, s0  }
0x19b: {  	p0 =	sne.s32 s2, $0x0;
	_ =	sdelay $0x3  }
0x19c: {  	(v2sf) =	vpush v0, $0x0;
	_ =	sdelay $0xe  }
.Ltmp33:
0x19d: {  	s6 =	spop (v2sf);
	(pc) =	sbr.rel @p0 .LBB2_40-.Ltmp33, $4  }
0x19e: {  	s0 =	simm.s32 $0x0;
	p1 =	sgt.u32 s6, $0x270F8  }
0x19f: {  	s4 =	sadd.s32 $0x40, s4;
	s0 =	simm.s32 @!p1 $0x100;
	s7 =	sand.u32 @!p1 $0x3FFF8, s6  }
0x1a0: {  	s5 =	sadd.s32 $0x1, s5;
	s6 =	sand.u32 @!p1 $0x7, s6;
	s7 =	sadd.s32 @!p1 s1, s7  }
0x1a1: {  	[hbm4b:s7+s6] =	stream.linear.scatter @!p1 [tilespmem:s4], [sflag:$0x5], $0x40, $0x38;
	[tilespmem:$0x1EF78] =	vst v63  }
.LBB2_41:
0x1a2: {  	s0 =	sadd.s32 s3, s0  }
0x1a3: {  	s3 =	sshrl.u32 s0, $0x2  }
.LBB2_42:
0x1a4: {  	s0 =	simm.s32 $0x5  }
0x1a5: {  	_ =	swait.ge [sflag:s0], s3  }
0x1a6: {  	s1 =	ssub.s32 $0x0, s3;
	[sflag:s0] =	ssyncset.done $0x0  }
0x1a7: {  	[sflag:s0] =	ssyncadd.s32 s1  }
0x1a8: {  	[sflag:s0] =	ssyncpa.u1 $0x1  }
0x1a9: {  	s30 =	simm.s32 $0x1;
	_ =	sfence  }
0x1aa: {  	[sflag:s30] =	ssyncpa.u1 $0x1  }
0x1ab: {  	_ =	strace $0x90000059  }
0x1ac: {  	[bflag:$0x2] =	sbarrier.arrive $0xFFFF  }
0x1ad: {  	s31 =	rddreg [dreg:$0x1]  }
0x1ae: {  	s0 =	sadd.s32 $0x100000, s31  }
0x1af: {  	[sflag:s0] =	ssyncadd.tile.s32 $0x1;
	_ =	shalt  }
.Lfunc_end2:
_tile_overlayer_lowered:
.L_overlay_start_2:
0x1b0: {  	(tag) =	ssettag $0x2  }
0x1b1: {  	s0 =	rddreg [dreg:$0x0];
	s2 =	stileid.u32  }
0x1b2: {  	s1 =	rddreg [dreg:$0x1];
	p0 =	sne.s32 s2, $0x0  }
0x1b3: {  	s3 =	rddreg [dreg:$0x2];
	[bflag:$0x3] =	sbarrier.arrive $0xFFFF;
	s2 =	simm.s32 @!p0 $0x1C01  }
0x1b4: {  	[timem:s3], [sflag:s2] =	dma.local @!p0 [hbm:s0], s1  }
0x1b5: {  	s0 =	simm.s32 @!p0 $0x1  }
0x1b6: {  	_ =	swait.ge @!p0 [sflag:s0], s1  }
0x1b7: {  	s1 =	ssub.s32 @!p0 $0x0, s1;
	[sflag:s0] =	ssyncset.done @!p0 $0x0  }
0x1b8: {  	[sflag:s0] =	ssyncadd.s32 @!p0 s1  }
0x1b9: {  	[bflag:$0x3] =	sbarrier.arrive $0xFFFF  }
0x1ba: {  	_ =	shalt  }

// kernel: scatter_offload_async_start.4
scs
__scs_entry_jumppad:
0x0: {  	(pc) =	sbr.rel $0x88, $3  }
0x1: {  	(tag) =	ssettag $0x0;
	lr =	simm.s32 $0x1  }
0x2: {  	[smem:$0x3F8A] =	sst lr;
	_ =	strace $0xD0000000  }
0x3: {  	_ = 	snop  }
0x4: {  	_ = 	snop  }
0x5: {  	_ = 	snop  }
0x6: {  	_ = 	snop  }
0x7: {  	_ = 	snop  }
__scs_overlays_trampoline_lowered:
0x8: {  	[smem:$0x3F99] =	sst s0  }
0x9: {  	[smem:$0x3F9A] =	sst s1  }
0xa: {  	[smem:$0x3F9B] =	sst s2  }
0xb: {  	[smem:$0x3F9C] =	sst s3  }
0xc: {  	[smem:$0x3F9D] =	sst s4  }
0xd: {  	[smem:$0x3F9E] =	sst s5  }
0xe: {  	[smem:$0x3F9F] =	sst s6  }
0xf: {  	[smem:$0x3FA0] =	sst s7  }
0x10: {  	[smem:$0x3FA1] =	sst s8  }
0x11: {  	[smem:$0x3FA2] =	sst s9;
	s0 =	simm.s32 @!p0 $0x0  }
0x12: {  	s1 =	sld [smem:$0x3F88];
	s0 =	simm.s32 @p0 $0x1  }
0x13: {  	[smem:$0x3FA3] =	sst s0;
	s0 =	simm.s32 @!p1 $0x0  }
0x14: {  	s2 =	sld [smem:$0x3F87];
	s0 =	simm.s32 @p1 $0x1  }
0x15: {  	[smem:$0x3FA4] =	sst s0;
	s0 =	simm.s32 @!p2 $0x0  }
0x16: {  	s3 =	sld [smem:$0x3FDB];
	s0 =	simm.s32 @p2 $0x1  }
0x17: {  	s4 =	simm.s32 $0x1BF5;
	[smem:$0x3FA6] =	sst s0  }
0x18: {  	s0 =	sld [smem:$0x3F89];
	_ =	swait.ge [sflag:s4], $0x0  }
0x19: {  	s7 =	sld [smem:$0x3F8A]  }
0x1a: {  	s8 =	sadd.s32 $0xFFFFE003, lr  }
0x1b: {  	s9 =	sadd.s32 $0xFFFFFEF7, lr;
	s5 =	simm.s32 $0xFFFFFFFF;
	p2 =	slt.u32 s8, $0xFFFFF086  }
0x1c: {  	p1 =	slt.u32 s9, $0xF7A;
	s5 =	simm.s32 @!p2 $0x0  }
0x1d: {  	s5 =	simm.s32 @p1 $0x1;
	p0 =	seq.s32 s7, s2  }
0x1e: {  	s7 =	smul.u32 @!p0 $0xF7A, s2;
	p2 =	seq.s32 @!p0 s5, $0x0  }
0x1f: {  	s9 =	smul.u32 $0xF7A, s1;
	s8 =	simm.s32 @!p0 $0x1BF5;
	p2 =	por !p2, p0  }
0x20: {  	[sflag:s8] =	ssyncset.s32 @!p0 $0xFFFFF086;
	s6 =	sadd.s32 @!p0 s3, s7;
	s7 =	simm.s32 @!p0 $0x108  }
0x21: {  	s3 =	sadd.s32 s3, s9;
	s6 =	sadd.s32 @!p0 $0x88, s6;
	s7 =	simm.s32 @p2 $0x1082  }
0x22: {  	[simem:s7], [sflag:s8] =	dma.local @!p0 [hbm:s6], $0xF7A  }
0x23: {  	s9 =	sor.u32 $0xD0000000, s2;
	s6 =	simm.s32 $0x108;
	_ =	swait.ge @!p0 [sflag:s8], $0x0  }
0x24: {  	s3 =	sadd.s32 $0x88, s3;
	s6 =	simm.s32 @!p1 $0x1082;
	[sflag:s4] =	ssyncset.s32 $0xFFFFF086  }
0x25: {  	[simem:s6], [sflag:s4] =	dma.local [hbm:s3], $0xF7A  }
0x26: {  	[smem:$0x3F8A] =	sst s1;
	(tag) =	ssettag s2;
	_ =	strace s9  }
0x27: {  	s1 =	sld [smem:$0x3F9A]  }
0x28: {  	s2 =	sld [smem:$0x3F9B]  }
0x29: {  	s4 =	sld [smem:$0x3F9D]  }
0x2a: {  	p0 =	seq.s32 s5, $0x0;
	s5 =	sld [smem:$0x3F9E]  }
0x2b: {  	s6 =	sld [smem:$0x3F9F]  }
0x2c: {  	s7 =	sld [smem:$0x3FA0]  }
0x2d: {  	s3 =	simm.s32 $0x108;
	s8 =	sld [smem:$0x3FA1]  }
0x2e: {  	s3 =	simm.s32 @!p0 $0x1082;
	s9 =	sld [smem:$0x3FA2]  }
0x2f: {  	lr =	sadd.s32 s0, s3;
	s0 =	sld [smem:$0x3F99]  }
0x30: {  	s3 =	sld [smem:$0x3F9C]  }
0x31: {  	[smem:$0x3FA5] =	sst s10  }
0x32: {  	s10 =	sld [smem:$0x3FA3];
	_ =	sdelay $0x3  }
0x33: {  	p0 =	seq.s32 s10, $0x1;
	s10 =	sld [smem:$0x3FA5];
	_ =	sdelay $0x3  }
0x34: {  	[smem:$0x3FA5] =	sst s10  }
0x35: {  	s10 =	sld [smem:$0x3FA4];
	_ =	sdelay $0x3  }
0x36: {  	p1 =	seq.s32 s10, $0x1;
	s10 =	sld [smem:$0x3FA5];
	_ =	sdelay $0x3  }
0x37: {  	[smem:$0x3FA5] =	sst s10  }
0x38: {  	s10 =	sld [smem:$0x3FA6]  }
0x39: {  	_ = 	snop;
	(pc) =	sbr.ind lr, $3  }
0x3a: {  	_ = 	snop  }
0x3b: {  	_ = 	snop  }
0x3c: {  	p2 =	seq.s32 s10, $0x1;
	s10 =	sld [smem:$0x3FA5]  }
0x3d: {  	_ =	shalt  }
0x3e: {  	_ =	shalt  }
0x3f: {  	_ =	shalt  }
0x40: {  	_ =	shalt  }
0x41: {  	_ =	shalt  }
0x42: {  	_ =	shalt  }
0x43: {  	_ =	shalt  }
0x44: {  	_ =	shalt  }
0x45: {  	_ =	shalt  }
0x46: {  	_ =	shalt  }
0x47: {  	_ =	shalt  }
0x48: {  	_ =	shalt  }
0x49: {  	_ =	shalt  }
0x4a: {  	_ =	shalt  }
0x4b: {  	_ =	shalt  }
0x4c: {  	_ =	shalt  }
0x4d: {  	_ =	shalt  }
0x4e: {  	_ =	shalt  }
0x4f: {  	_ =	shalt  }
0x50: {  	_ =	shalt  }
0x51: {  	_ =	shalt  }
0x52: {  	_ =	shalt  }
0x53: {  	_ =	shalt  }
0x54: {  	_ =	shalt  }
0x55: {  	_ =	shalt  }
0x56: {  	_ =	shalt  }
0x57: {  	_ =	shalt  }
0x58: {  	_ =	shalt  }
0x59: {  	_ =	shalt  }
0x5a: {  	_ =	shalt  }
0x5b: {  	_ =	shalt  }
0x5c: {  	_ =	shalt  }
0x5d: {  	_ =	shalt  }
0x5e: {  	_ =	shalt  }
0x5f: {  	_ =	shalt  }
0x60: {  	_ =	shalt  }
0x61: {  	_ =	shalt  }
0x62: {  	_ =	shalt  }
0x63: {  	_ =	shalt  }
0x64: {  	_ =	shalt  }
0x65: {  	_ =	shalt  }
0x66: {  	_ =	shalt  }
0x67: {  	_ =	shalt  }
0x68: {  	_ =	shalt  }
0x69: {  	_ =	shalt  }
0x6a: {  	_ =	shalt  }
0x6b: {  	_ =	shalt  }
0x6c: {  	_ =	shalt  }
0x6d: {  	_ =	shalt  }
0x6e: {  	_ =	shalt  }
0x6f: {  	_ =	shalt  }
0x70: {  	_ =	shalt  }
0x71: {  	_ =	shalt  }
0x72: {  	_ =	shalt  }
0x73: {  	_ =	shalt  }
0x74: {  	_ =	shalt  }
0x75: {  	_ =	shalt  }
0x76: {  	_ =	shalt  }
0x77: {  	_ =	shalt  }
0x78: {  	_ =	shalt  }
0x79: {  	_ =	shalt  }
0x7a: {  	_ =	shalt  }
0x7b: {  	_ =	shalt  }
0x7c: {  	_ =	shalt  }
0x7d: {  	_ =	shalt  }
0x7e: {  	_ =	shalt  }
0x7f: {  	_ =	shalt  }
0x80: {  	_ =	shalt  }
0x81: {  	_ =	shalt  }
0x82: {  	_ =	shalt  }
0x83: {  	_ =	shalt  }
0x84: {  	_ =	shalt  }
0x85: {  	_ =	shalt  }
0x86: {  	_ =	shalt  }
0x87: {  	_ =	shalt  }
.Lfunc_end0:
.L_simem_size_0:
called_computation.4_lowered:
.L_overlay_start_0:
0x88: {  	s0 =	sld [smem:$0x3FD9]  }
0x89: {  	s1 =	sld [smem:$0x3FFE];
	_ =	sdelay $0x3  }
0x8a: {  	s0 =	sadd.s32 s1, s0  }
0x8b: {  	[smem:$0x3FB1] =	sst s0  }
0x8c: {  	_ = 	snop  }
0x8d: {  	(tm) =	ssettm $0x1  }
0x8e: {  	s15 =	sld [smem:$0x3FFB];
	_ =	sdelay $0x3  }
0x8f: {  	_ =	strace s15  }
0x90: {  	s0 =	sld [smem:$0x3FFC];
	_ =	sdelay $0x3  }
0x91: {  	_ =	strace s0  }
0x92: {  	s0 =	sld [smem:$0x3FFD];
	_ =	sdelay $0x3  }
0x93: {  	_ =	strace s0  }
0x94: {  	_ =	strace $0x8FFFFFFF  }
0x95: {  	s16 =	sld [smem:$0x3FDB];
	_ =	sdelay $0x1  }
0x96: {  	s17 =	simm.s32 $_scs_section_size  }
0x97: {  	s2 =	simm.s32 $_size__tile_overlayer_lowered;
	s3 =	simm.s32 $_tile_overlayer_lowered  }
0x98: {  	s20 =	simm.s32 $0x1BFF;
	s19 =	sshll.u32 s3, $0x1;
	s0 =	sadd.s32 s17, s16  }
0x99: {  	s4 =	simm.s32 $0x0;
	s18 =	sshll.u32 s2, $0x1;
	s2 =	sadd.s32 s19, s0  }
0x9a: {  	[timem:s4], [sflag:s20] =	dma.local [hbm:s2], s18  }
0x9b: {  	_ =	swait.ge [sflag:s20], s18  }
0x9c: {  	s1 =	ssub.s32 $0x0, s18;
	[sflag:s20] =	ssyncset.done $0x0  }
0x9d: {  	[sflag:s20] =	ssyncadd.s32 s1;
	_ =	sdelay $0x1  }
0x9e: {  	s21 =	simm.s32 $0x1B8B  }
0x9f: {  	_ =	swait.ge [sflag:s21], $0x1  }
0xa0: {  	[sflag:s21] =	ssyncset.done $0x0  }
0xa1: {  	s23 =	simm.s32 $0x1B8E;
	s22 =	sld [smem:$0x3FFE];
	[sflag:s21] =	ssyncadd.s32 $0xFFFFFFFF  }
0xa2: {  	s24 =	simm.s32 $execute0_lowered;
	[smem:$0x3FD2] =	sst s23  }
0xa3: {  	s2 =	sshll.u32 s24, $0x1;
	_ =	strace $0x80000055;
	[dreg:$0x1] =	wrdreg $0xFFFFFFFF  }
0xa4: {  	s25 =	simm.s32 $_size_execute0_lowered;
	s0 =	sadd.s32 s0, s2;
	[dreg:$0x0] =	wrdreg $0x0  }
0xa5: {  	s2 =	sshll.u32 s25, $0x1;
	[dreg:$0x2] =	wrdreg s0  }
0xa6: {  	[dreg:$0x3] =	wrdreg s2  }
0xa7: {  	[dreg:$0x4] =	wrdreg $0xC0  }
0xa8: {  	_ =	task [dreg:s4], $0x5FFFF  }
0xa9: {  	[dreg:$0x1] =	wrdreg $0xFFFFFFFF  }
0xaa: {  	[dreg:$0x0] =	wrdreg $0x60  }
0xab: {  	[dreg:$0x2] =	wrdreg s22  }
0xac: {  	[dreg:$0x3] =	wrdreg $0xA  }
0xad: {  	_ =	task.clear_ibuf [dreg:s4], $0x4FFFF;
	_ =	strace $0x90000055  }
0xae: {  	s26 =	simm.s32 $0xA;
	_ =	strace $0x80000057  }
0xaf: {  	_ =	swait.ge [sflag:s26], $0x1  }
0xb0: {  	[sflag:s26] =	ssyncadd.s32 $0xFFFFFFFF  }
0xb1: {  	_ =	strace $0x90000057  }
0xb2: {  	_ =	sfence  }
0xb3: {  	s28 =	sld [smem:$0x0];
	_ =	sdelay $0x1  }
0xb4: {  	s29 =	srdreg.scid  }
0xb5: {  	s30 =	sshll.u32 s29, $0xD;
	s31 =	sshrl.u32 s29, $0x2  }
0xb6: {  	s1 =	sand.u32 $0x1, s29;
	s2 =	sand.u32 $0x4000, s30;
	s0 =	sadd.s32 s31, s28  }
0xb7: {  	s1 =	sor.u32 s2, s1;
	s0 =	sshll.u32 s0, $0x11  }
0xb8: {  	s0 =	sor.u32 s0, s1  }
0xb9: {  	s0 =	sadd.s32 $0x8F2B, s0  }
0xba: {  	[sflag:s0] =	ssyncadd.remote.s32 $0x1  }
0xbb: {  	_ =	sfence.sel $0xFFFF  }
0xbc: {  	[dreg:$0x0] =	wrdreg $0xFFFFFFFF;
	(pc) =	sbr.abs _section_cstart, $3  }
0xbd: {  	[dreg:$0x1] =	wrdreg $0xFFFFFFFF  }
0xbe: {  	_ =	task.clear_ibuf [dreg:s4], $0x2FFFF;
	_ =	strace $0x9FFFFFFF  }
0xbf: {  	(tm) =	ssettm $0x7FFFFFFF  }
tec
execute0_lowered:
.L_overlay_start_1:
0x0: {  	(tag) =	ssettag $0x1  }
0x1: {  	s3 =	rddreg [dreg:$0x0]  }
0x2: {  	s14 =	stileid.u32;
	_ =	strace $0x80000056;
	s0 =	simm.s32 $0x1  }
0x3: {  	v1 =	vimm.s32 $0xFFFFFFFF;
	s1 =	smin.u32 s14, $0x4;
	[sflag:s0] =	ssyncpa.u1 $0x0  }
0x4: {  	s1 =	sadd.s32 s14, s1;
	[tilespmem:$0x10] =	vst v1  }
0x5: {  	v0 =	vimm.f32 $0.0e+00;
	p0 =	slt.u32 s14, $0x4;
	[tilespmem:$0x20] =	vst v1;
	s4 =	smul.u32 $0x1F40, s1;
	s1 =	simm.s32 $0x3E80  }
0x6: {  	[tilespmem:$0x30] =	vst v0;
	s1 =	simm.s32 @!p0 $0x1F40  }
0x7: {  	[tilespmem:$0x40] =	vst v0;
	s1 =	sadd.s32 s1, s4  }
0x8: {  	[tilespmem:$0x50] =	vst v0;
	s5 =	smin.u32 s1, $0x27100  }
0x9: {  	s7 =	simm.s32 $0x2;
	s8 =	simm.s32 $0x8;
	[tilespmem:$0x60] =	vst v1;
	s2 =	ssub.s32 s5, s4  }
0xa: {  	s31 =	simm.s32 $0x9;
	s16 =	simm.s32 $0x0;
	[tilespmem:$0x70] =	vst v1;
	p0 =	sgt.s32 s2, $0x0  }
0xb: {  	s17 =	simm.s32 $0xF0;
	s18 =	simm.s32 $0xFFFFFFFF;
	[tilespmem:$0x80] =	vst v1;
	s2 =	simm.s32 @!p0 $0x0  }
0xc: {  	s19 =	simm.s32 $0xFFFFC280;
	s20 =	simm.s32 $0xFFFFFFFE;
	v1 =	vimm.s32 $0x0;
	[tilespmem:$0xB0] =	vst v0;
	s30 =	smulhi.u32 $0x10624DD3, s2  }
0xd: {  	s21 =	simm.s32 $0xF;
	s25 =	simm.s32 $0x0;
	s24 =	simm.s32 $0x0;
	[tilespmem:$0x90] =	vst v1  }
0xe: {  	[tilespmem:$0xA0] =	vst v1;
	[sflag:s7] =	ssyncpa.u1 $0x0;
	s7 =	simm.s32 $0x7;
	s9 =	sshrl.u32 s30, $0x9  }
0xf: {  	s6 =	sadd.s32 $0x2E4800, s3;
	[sflag:s7] =	ssyncpa.u1 $0x0;
	s10 =	smul.u32 $0x1F40, s9  }
.Ltmp0:
0x10: {  	[sflag:s8] =	ssyncpa.u1 $0x0;
	s23 =	smov.u32 s4;
	(pc) =	sbr.rel .LBB2_1-.Ltmp0, $4  }
0x11: {  	s1 =	sadd.s32 $0x1F400, s3;
	[sflag:s31] =	ssyncpa.u1 $0x0;
	p0 =	sne.s32 s2, s10  }
0x12: {  	s10 =	sshll.u32 s14, $0x1;
	s14 =	sshllo.u32 s14, $0x1;
	s0 =	simm.s32 @!p0 $0x0  }
0x13: {  	vm0 =	vmmov $0xffff;
	v2 =	vlaneseq.u32;
	s13 =	sor.u32 $0x81, s10;
	s15 =	sor.u32 $0x80, s10;
	s9 =	sadd.s32 s0, s9  }
0x14: {  	vm1 =	vmxor vm1, vm1;
	vm2 =	vmmov $0x1;
	vm3 =	vcmask $0x3F3C;
	p0 =	por $0x0, $0x0;
	s11 =	sadd.s32 $0x1, s9;
	s12 =	sadd.s32 $0x2, s9  }
.LBB2_9:
0x15: {  	p1 =	slt.u32 s24, $0x3  }
0x16: {  	s0 =	simm.s32 @!p1 $0x2  }
0x17: {  	_ =	swait.ge @!p1 [sflag:s0], $0x1F40  }
0x18: {  	[sflag:s0] =	ssyncset.done @!p1 $0x0  }
0x19: {  	[sflag:s0] =	ssyncadd.s32 @!p1 $0xFFFFE0C0;
	s0 =	simm.s32 @!p1 $0x9  }
0x1a: {  	_ =	swait.ge @!p1 [sflag:s0], $0x10  }
0x1b: {  	[sflag:s0] =	ssyncset.done @!p1 $0x0  }
0x1c: {  	[sflag:s0] =	ssyncadd.s32 @!p1 $0xFFFFFFF0;
	p1 =	sne.s32 s24, s12  }
.Ltmp1:
0x1d: {  	s2 =	sadd.s32 $0x1F40, s23;
	(pc) =	sbr.rel @!p1 .LBB2_10-.Ltmp1, $4  }
0x1e: {  	s22 =	smov.u32 s4;
	s31 =	sadd.s32 $0x1, s24;
	s17 =	sadd.s32 $0x1F40, s17  }
0x1f: {  	s18 =	sadd.s32 $0x1, s18;
	s25 =	smov.u32 s23;
	p2 =	slt.s32 s2, s5  }
0x20: {  	p0 =	por !p0, !p0;
	s19 =	sadd.s32 $0x1F40, s19;
	s22 =	smov.u32 @p2 s2  }
0x21: {  	s20 =	sadd.s32 $0x1, s20;
	s23 =	smov.u32 s22;
	s24 =	smov.u32 s31  }
.LBB2_1:
0x22: {  	p1 =	sge.u32 s24, s9  }
0x23: {  	s0 =	smulhi.u32 @!p1 $0xAAAAAAAB, s24;
	_ =	sdelay $0x1  }
0x24: {  	s0 =	sshrl.u32 @!p1 s0, $0x1  }
0x25: {  	s0 =	smul.u32 @!p1 $0x3, s0;
	_ =	sdelay $0x1  }
0x26: {  	s0 =	ssub.s32 @!p1 s24, s0  }
0x27: {  	s0 =	smul.u32 @!p1 $0x7D00, s0;
	_ =	sdelay $0x1  }
0x28: {  	s2 =	sshrl.u32 @!p1 s23, $0x3;
	s0 =	sshrl.u32 @!p1 s0, $0x2  }
0x29: {  	s22 =	sand.u32 @!p1 $0x7, s23;
	s2 =	sadd.s32 @!p1 s3, s2;
	s0 =	sadd.s32 @!p1 $0x100, s0  }
0x2a: {  	[tilespmem:s0], [sflag:$0x7] =	stream.linear.gather @!p1 [hbm4b:s2+s22], $0x1F40, $0x38;
	[tilespmem:$0x11A60] =	vst v63  }
0x2b: {  	s0 =	sadd.s32 $0xFFFFFFFF, s24  }
0x2c: {  	p1 =	sge.u32 s0, s9  }
.Ltmp2:
0x2d: {  	_ = 	snop;
	(pc) =	sbr.rel @p1 .LBB2_5-.Ltmp2, $1  }
0x2e: {  	_ =	sdelay $0x3  }
0x2f: {  	s2 =	smulhi.u32 $0xAAAAAAAB, s0;
	_ =	sdelay $0x1  }
0x30: {  	s2 =	sshrl.u32 s2, $0x1  }
0x31: {  	s2 =	smul.u32 $0x3, s2;
	_ =	sdelay $0x1  }
0x32: {  	s2 =	ssub.s32 s0, s2  }
0x33: {  	s2 =	smul.u32 $0x7D00, s2  }
0x34: {  	_ =	swait.ge [sflag:s7], $0x1F40  }
0x35: {  	[sflag:s7] =	ssyncset.done $0x0;
	s2 =	sshrl.u32 s2, $0x2  }
0x36: {  	[sflag:s7] =	ssyncadd.s32 $0xFFFFE0C0;
	(ifvalue) =	ssetifvalue $0xFFFFFFFF;
	v3 =	vld.msk [tilespmem:s2+$0x100 ss:$0x1], $0xffff;
	_ =	sdelay $0x2  }
0x37: {  	s30 =	smulhi.u32 $0xAAAAAAAB, s18;
	p1 =	sne.s32 s24, $0x1  }
0x38: {  	v4 =	vimm.s32 @!p1 $0x0  }
0x39: {  	s2 =	sshrl.u32 s30, $0x1;
	v4 =	vperm.xlane @!p1 v3, v4  }
0x3a: {  	s22 =	sshll.u32 s24, $0x4;
	s2 =	smul.u32 $0xFFFE8900, s2;
	vm4 =	vlt.u32 v3, $0x2800  }
0x3b: {  	s22 =	sand.u32 $0x10, s22;
	v3 =	vnsel vm4, $0xFFFFFFFE, v3;
	vm4 =	vlt.u32 @!p1 v4, $0x2800  }
0x3c: {  	s2 =	sshra.s32 s2, $0x2;
	[tilespmem:s22+$0x60] =	vst v3;
	v3 =	vnsel @!p1 vm4, $0xFFFFFFFE, v4  }
0x3d: {  	s28 =	sadd.s32 s2, s17;
	[tilespmem:$0x80] =	vst @!p1 v3  }
0x3e: {  	v3 =	vld.msk [tilespmem:s28+$0x0 ss:$0x1], $0xffff;
	_ =	sdelay $0x4  }
0x3f: {  	(xrf1) =	vunique.msk.u32 $0xffff, v3;
	_ =	sdelay $0xd  }
0x40: {  	v4 =	vimm.s32 $0xFFFFFFFF;
	v5, _, _ =	vpop (xrf1)  }
0x41: {  	vm5 =	vne.s32 v3, v4;
	vm4 =	veq.s32 v5, v2  }
0x42: {  	vm6 =	vlt.u32 v3, $0x2800;
	vm4 =	vmand vm5, vm4  }
0x43: {  	vm4 =	vmand vm6, vm4  }
0x44: {  	v4 =	vnsel vm4, $0xFFFFFFFF, v3  }
0x45: {  	s31 =	sand.u32 $0x1, s0  }
0x46: {  	s0 =	simm.s32 $0x1F40;
	p1 =	seq.s32 s31, $0x1  }
0x47: {  	s0 =	simm.s32 @!p1 $0x0  }
0x48: {  	s26 =	sadd.s32 $0x7DF0, s0;
	(ifvalue) =	ssetifvalue $0xFFFFFFFF  }
0x49: {  	v3 =	vperm.xlane v3, v1;
	[tilespmem:s26], [sflag:$0x8] =	stream.indirect_vreg.gather [hbm4b:s1+s16], $0x1, v4, vm0, $0x4038;
	v4 =	vnsel vm6, $0xFFFFFFFE, v4;
	[tilespmem:$0x11A60] =	vst v63  }
0x4a: {  	s2 =	simm.s32 $0x0;
	s22 =	sadd.s32 $0xFFFFFFF0, s28;
	[tilespmem:s28+$0x0] =	vst v4  }
.LBB2_3:
0x4b: {  	v4 =	vld.msk [tilespmem:s22+$0x0 ss:$0x1], $0xffff;
	s2 =	sadd.s32 $0x10, s2;
	v5 =	vmov v3;
	s28 =	smov.u32 s22  }
0x4c: {  	p1 =	slt.u32 s2, $0x1F30;
	_ =	sdelay $0x4  }
0x4d: {  	v3 =	vperm.xlane v4, v1;
	(xrf1) =	vunique.msk.u32 $0xffff, v4;
	_ =	sdelay $0xd  }
0x4e: {  	v6, _, _ =	vpop (xrf1)  }
0x4f: {  	vm5 =	vne.s32 v4, v5;
	vm4 =	veq.s32 v6, v2  }
0x50: {  	vm6 =	vlt.u32 v4, $0x2800;
	vm4 =	vmand vm5, vm4  }
0x51: {  	vm4 =	vmand vm6, vm4  }
0x52: {  	v4 =	vnsel vm4, $0xFFFFFFFF, v4  }
.Ltmp3:
0x53: {  	v5 =	vnsel vm6, $0xFFFFFFFE, v4;
	(pc) =	sbr.rel @p1 .LBB2_3-.Ltmp3, $3  }
0x54: {  	_ =	sdelay $0x1  }
0x55: {  	s22 =	sadd.s32 $0xFFFFFFF0, s22;
	s26 =	sadd.s32 $0xFFFFFFF0, s26;
	(ifvalue) =	ssetifvalue $0xFFFFFFFF  }
0x56: {  	[tilespmem:s26], [sflag:$0x8] =	stream.indirect_vreg.gather [hbm4b:s1+s16], $0x1, v4, vm0, $0x4038;
	[tilespmem:s28+$0x0] =	vst v5  }
0x57: {  	s2 =	sshrl.u32 s25, $0x3  }
0x58: {  	s0 =	sadd.s32 $0x9D40, s0;
	s2 =	sadd.s32 s6, s2  }
0x59: {  	[tilespmem:s0], [sflag:$0x8] =	stream.linear.gather [hbm:s2], $0x1F40, $0x38;
	[tilespmem:$0x11A60] =	vst v63  }
.LBB2_5:
0x5a: {  	p1 =	slt.u32 s24, $0x2  }
0x5b: {  	p2 =	sge.u32 @!p1 s24, s12  }
0x5c: {  	p1 =	por p1, p2  }
.Ltmp4:
0x5d: {  	_ = 	snop;
	(pc) =	sbr.rel @p1 .LBB2_9-.Ltmp4, $1  }
0x5e: {  	_ =	sdelay $0x3  }
0x5f: {  	s0 =	sadd.s32 $0xFFFFFFFE, s24  }
0x60: {  	s2 =	smulhi.u32 $0xAAAAAAAB, s0;
	_ =	sdelay $0x1  }
0x61: {  	s2 =	sshrl.u32 s2, $0x1  }
0x62: {  	s2 =	smul.u32 $0x3, s2;
	_ =	sdelay $0x1  }
0x63: {  	s0 =	ssub.s32 s0, s2  }
0x64: {  	_ =	swait.ge [sflag:s8], $0x3E80;
	s0 =	smul.u32 $0x1F40, s0  }
0x65: {  	p1 =	sne.s32 s24, s11;
	[sflag:s8] =	ssyncset.done $0x0  }
0x66: {  	[sflag:s8] =	ssyncadd.s32 $0xFFFFC180;
	s2 =	sadd.s32 @!p1 $0x203F, s0  }
0x67: {  	[spmem:s13] =	stream.linear.scatter @!p1 [tilespmem:s2], [sflag:$0x1], $0x1, $0x38;
	[tilespmem:$0x11A60] =	vst v63  }
0x68: {  	s2 =	simm.s32 @!p1 $0x1  }
0x69: {  	_ =	swait.ge @!p1 [sflag:s2], $0x1  }
0x6a: {  	s22 =	sshll.u32 s24, $0x4;
	[sflag:s2] =	ssyncset.done @!p1 $0x0  }
0x6b: {  	s25 =	sand.u32 $0x10, s22;
	[sflag:s2] =	ssyncadd.s32 @!p1 $0xFFFFFFFF  }
0x6c: {  	s2 =	sxor.u32 $0x10, s25;
	v4 =	vld [tilespmem:s25+$0x10]  }
0x6d: {  	v5 =	vld [tilespmem:s2+$0x60]  }
0x6e: {  	v3 =	vld [tilespmem:$0x80];
	_ =	sdelay $0x2  }
0x6f: {  	(v2sf) =	vpush v4, $0x0  }
0x70: {  	(v2sf) =	vpush v5, $0x0  }
0x71: {  	(v2sf) =	vpush v3, $0x0;
	_ =	sdelay $0xc  }
0x72: {  	s22 =	spop (v2sf)  }
0x73: {  	s26 =	spop (v2sf)  }
0x74: {  	s28 =	spop (v2sf)  }
0x75: {  	p2 =	seq.s32 s22, s26;
	p3 =	seq.s32 s28, s22  }
0x76: {  	p3 =	por p2, p3  }
0x77: {  	s26 =	sand.u32 $0x1, s24;
	v4 =	vpsel p3, $0xFFFFFFFF, v4  }
0x78: {  	s29 =	smul.u32 $0x1F40, s26;
	[tilespmem:s25+$0x10] =	vst.msk $0x1, v4  }
0x79: {  	v4 =	vld [tilespmem:$0x30]  }
0x7a: {  	v5 =	vld [tilespmem:s29+$0x9D40]  }
0x7b: {  	v6 =	vld [tilespmem:s25+$0x40];
	_ =	sdelay $0x3  }
0x7c: {  	vm4 =	vmmov vm1;
	v5 =	vadd.f32 v5, v4  }
0x7d: {  	vm5 =	vmmov vm2;
	vm4 =	vmmov @p2 vm2;
	s22 =	sshll.u32 s26, $0x4;
	v4 =	vadd.f32 v6, v4  }
0x7e: {  	s26 =	sor.u32 $0x11A40, s22;
	vm5 =	vmmov @p3 vm1;
	[tilespmem:s29+$0x9D40] =	vst.msk vm4, v5  }
0x7f: {  	[tilespmem:s26+$0x0] =	vst.msk vm5, v4  }
0x80: {  	v4 =	vld [tilespmem:s29+$0x7DF0];
	_ =	sdelay $0x3  }
0x81: {  	v5 =	vimm.f32 $0.0e+00  }
0x82: {  	v4 =	vshift.insert v4, v5, s21  }
0x83: {  	s22 =	sor.u32 $0x40, s2  }
0x84: {  	[tilespmem:s22+$0x0] =	vst.msk $0x1, v4  }
0x85: {  	[tilespmem:s29+$0x7DFF] =	vst.msk $0x1, v5  }
0x86: {  	v4 =	vld [tilespmem:s0+$0x2030];
	_ =	sdelay $0x1  }
0x87: {  	s22 =	smulhi.u32 $0xAAAAAAAB, s20;
	s0 =	simm.s32 $0x1  }
0x88: {  	s0 =	simm.s32 @!p0 $0x0  }
0x89: {  	s22 =	sshrl.u32 s22, $0x1;
	s0 =	smul.u32 $0x7D00, s0  }
0x8a: {  	s22 =	smul.u32 $0xFFFE8900, s22;
	v4 =	vshift.insert v4, v1, s21  }
0x8b: {  	s0 =	sshrl.u32 s0, $0x2  }
0x8c: {  	s22 =	sshra.s32 s22, $0x2;
	s30 =	sadd.s32 $0x9D40, s0;
	[tilespmem:s2+$0x10] =	vst.msk $0x1, v4  }
0x8d: {  	s22 =	sadd.s32 s22, s19;
	v6 =	vld [tilespmem:s30+$0x0]  }
0x8e: {  	v7 =	vld [tilespmem:s22+$0x0];
	_ =	sdelay $0x3  }
0x8f: {  	v5 =	vadd.f32 v6, v5  }
0x90: {  	vm4 =	vne.s32 v7, $0xFFFFFFFF  }
0x91: {  	(xrf2) =	vadd.seg.scan.f32 vm4, v5;
	_ =	sdelay $0x3  }
0x92: {  	s31 =	sadd.s32 $0x5EC0, s0;
	v5 =	vperm.xlane v4, v1  }
0x93: {  	v6 =	vld [tilespmem:s31+$0x0]  }
0x94: {  	vm5 =	veq.s32 v7, v3;
	vm6 =	veq.s32 v7, v5  }
0x95: {  	vm7 =	vgt.u32 v7, $0xFFFFFFFD;
	vm6 =	vmor vm6, vm5  }
0x96: {  	vm6 =	vmor vm6, vm7  }
0x97: {  	v9 =	vld [tilespmem:$0xA0];
	v7 =	vsel vm6, $0xFFFFFFFF, v7  }
0x98: {  	v10 =	vld [tilespmem:$0x90];
	v6 =	vsel vm5, $0x0, v6;
	v8, _, _ =	vpop (xrf2)  }
0x99: {  	v6 =	vadd.f32 v8, v6  }
0x9a: {  	s0 =	sadd.s32 $0xDBC0, s0  }
0x9b: {  	vm4 =	vmand vm4, vm3;
	[tilespmem:s0+$0x0] =	vst v6;
	(ifvalue) =	ssetifvalue $0xFFFFFFFF  }
0x9c: {  	vm6 =	veq.s32 v9, $0x1;
	[hbm4b:s1+s16] =	stream.indirect_vreg.scatter [tilespmem:s0], [sflag:$0x2], $0x1, v7, vm0, $0x4038;
	v7 =	vsel vm4, $0x0, v8;
	[tilespmem:$0x11A60] =	vst v63  }
0x9d: {  	s2 =	simm.s32 $0x0;
	s22 =	sadd.s32 $0x10, s22;
	vm4 =	vmor vm6, vm5;
	v6 =	vsel vm5, v8, v10;
	v7 =	vshift.insert v7, v0, s21  }
.LBB2_7:
0x9e: {  	v8 =	vld [tilespmem:s22+$0x0];
	s30 =	sadd.s32 $0x10, s30  }
0x9f: {  	s31 =	sadd.s32 $0x10, s31;
	v9 =	vld [tilespmem:s30+$0x0]  }
0xa0: {  	s2 =	sadd.s32 $0x10, s2;
	v10 =	vld [tilespmem:s31+$0x0]  }
0xa1: {  	p2 =	slt.u32 s2, $0x1F30;
	_ =	sdelay $0x2  }
0xa2: {  	v7 =	vadd.f32 v9, v7  }
0xa3: {  	vm5 =	vne.s32 v8, $0xFFFFFFFF  }
0xa4: {  	vm6 =	vmand vm5, vm3;
	(xrf2) =	vadd.seg.scan.f32 vm5, v7;
	_ =	sdelay $0x5  }
0xa5: {  	vm7 =	veq.s32 v8, v5;
	vm5 =	veq.s32 v8, v3  }
0xa6: {  	vm8 =	vgt.u32 v8, $0xFFFFFFFD;
	vm4 =	vmor vm4, vm5;
	vm7 =	vmor vm7, vm5  }
0xa7: {  	vm7 =	vmor vm7, vm8  }
0xa8: {  	v8 =	vsel vm7, $0xFFFFFFFF, v8  }
.Ltmp5:
0xa9: {  	v7 =	vsel vm5, $0x0, v10;
	v9, _, _ =	vpop (xrf2);
	(pc) =	sbr.rel @p2 .LBB2_7-.Ltmp5, $4  }
0xaa: {  	v6 =	vsel vm5, v9, v6;
	v10 =	vadd.f32 v9, v7;
	v7 =	vsel vm6, $0x0, v9  }
0xab: {  	s0 =	sadd.s32 $0x10, s0;
	v7 =	vshift.insert v7, v0, s21  }
0xac: {  	s22 =	sadd.s32 $0x10, s22;
	[tilespmem:s0+$0x0] =	vst v10;
	(ifvalue) =	ssetifvalue $0xFFFFFFFF  }
0xad: {  	[hbm4b:s1+s16] =	stream.indirect_vreg.scatter [tilespmem:s0], [sflag:$0x2], $0x1, v8, vm0, $0x4038;
	[tilespmem:$0x11A60] =	vst v63  }
0xae: {  	v3 =	vld [tilespmem:s29+$0xFAF0];
	_ =	sdelay $0x4  }
0xaf: {  	v3 =	vshift.insert v3, v0, s21  }
0xb0: {  	s0 =	simm.s32 $0x30  }
0xb1: {  	[tilespmem:s0+$0x0] =	vst.msk $0x1, v3  }
0xb2: {  	v3 =	vsel vm4, $0x1, v1;
	[tilespmem:$0x90] =	vst v6  }
0xb3: {  	s0 =	sadd.s32 @!p1 $0xFAFF, s29;
	[tilespmem:$0xA0] =	vst v3  }
0xb4: {  	[spmem:s14] =	stream.linear.scatter @!p1 [tilespmem:s0], [sflag:$0x1], $0x1, $0x38;
	[tilespmem:$0x11A60] =	vst v63  }
0xb5: {  	s0 =	simm.s32 @!p1 $0x1  }
0xb6: {  	v3 =	vmctz.xlane @!p1 vm4;
	_ =	swait.ge @!p1 [sflag:s0], $0x1  }
0xb7: {  	(v2sf) =	vpush @!p1 v4, $0x0  }
0xb8: {  	(v2sf) =	vpush @!p1 v3, $0x0;
	_ =	sdelay $0xd  }
0xb9: {  	s2 =	spop @!p1 (v2sf)  }
0xba: {  	s22 =	spop @!p1 (v2sf)  }
0xbb: {  	p2 =	sne.s32 @!p1 s28, s2;
	p3 =	slt.s32 @!p1 s22, $0xF  }
0xbc: {  	[sflag:s0] =	ssyncset.done @!p1 $0x0;
	p2 =	por p2, p1;
	p3 =	por !p3, p1  }
0xbd: {  	[sflag:s0] =	ssyncadd.s32 @!p1 $0xFFFFFFFF;
	v3 =	vimm.s32 @!p2 $0xFFFFFFFF;
	s22 =	simm.s32 @p3 $0xF  }
0xbe: {  	[tilespmem:$0x80] =	vst @!p2 v3;
	s2 =	sadd.s32 @!p1 $0x90, s22  }
0xbf: {  	[spmem:s10] =	stream.linear.scatter @!p1 [tilespmem:s2], [sflag:$0x1], $0x1, $0x38;
	[tilespmem:$0x11A60] =	vst v63  }
0xc0: {  	_ =	swait.ge @!p1 [sflag:s0], $0x1  }
0xc1: {  	[sflag:s0] =	ssyncset.done @!p1 $0x0  }
0xc2: {  	s2 =	simm.s32 @!p1 $0x80;
	[sflag:s0] =	ssyncadd.s32 @!p1 $0xFFFFFFFF  }
0xc3: {  	[spmem:s15] =	stream.linear.scatter @!p1 [tilespmem:s2], [sflag:$0x1], $0x1, $0x38;
	[tilespmem:$0x11A60] =	vst v63  }
0xc4: {  	_ =	swait.ge @!p1 [sflag:s0], $0x1  }
0xc5: {  	[sflag:s0] =	ssyncset.done @!p1 $0x0  }
0xc6: {  	[sflag:s0] =	ssyncadd.s32 @!p1 $0xFFFFFFFF;
	(ifvalue) =	ssetifvalue $0xFFFFFFFF;
	v3 =	vld [tilespmem:s25+$0x10];
	_ =	sdelay $0x3  }
.Ltmp6:
0xc7: {  	_ = 	snop;
	(pc) =	sbr.rel .LBB2_9-.Ltmp6, $3  }
0xc8: {  	_ =	sdelay $0x1  }
0xc9: {  	(ifvalue) =	ssetifvalue $0xFFFFFFFF  }
0xca: {  	[hbm4b:s1+s16] =	stream.indirect_vreg.scatter [tilespmem:s26], [sflag:$0x9], $0x1, v3, vm0, $0x4038;
	[tilespmem:$0x11A60] =	vst v63  }
.LBB2_10:
0xcb: {  	_ =	sfence.sel $0x180000  }
0xcc: {  	s0 =	simm.s32 $0x7;
	[bflag:$0x0] =	sbarrier.arrive $0xFFFF  }
0xcd: {  	s26 =	simm.s32 $0x8;
	[sflag:s0] =	ssyncpa.u1 $0x1  }
0xce: {  	s28 =	simm.s32 $0x9;
	[sflag:s26] =	ssyncpa.u1 $0x1  }
0xcf: {  	[sflag:s28] =	ssyncpa.u1 $0x1  }
0xd0: {  	_ =	sfence.stream.spmem  }
0xd1: {  	s29 =	simm.s32 $0x3;
	[bflag:$0x0] =	sbarrier.arrive $0xFFFF  }
0xd2: {  	s30 =	simm.s32 $0x4;
	[sflag:s29] =	ssyncpa.u1 $0x1  }
0xd3: {  	s31 =	simm.s32 $0x3C;
	s2 =	stileid.u32;
	[sflag:s30] =	ssyncpa.u1 $0x1  }
0xd4: {  	p0 =	sne.s32 s2, $0x0;
	[sflag:s31] =	ssyncpa.u1 $0x1  }
0xd5: {  	s0 =	simm.s32 @p0 $0x1;
	_ =	sfence @p0  }
0xd6: {  	[sflag:s0] =	ssyncpa.u1 @p0 $0x1;
	s0 =	simm.s32 @p0 $0x2  }
0xd7: {  	[sflag:s0] =	ssyncpa.u1 @p0 $0x1  }
0xd8: {  	_ =	strace @p0 $0x90000056  }
0xd9: {  	[bflag:$0x2] =	sbarrier.arrive @p0 $0xFFFF  }
0xda: {  	_ =	shalt @p0  }
.LBB2_11:
0xdb: {  	_ =	sfence.stream.spmem;
	s0 =	simm.s32 $0x5  }
0xdc: {  	s2 =	simm.s32 $0x80;
	s3 =	simm.s32 $0xC0;
	[sflag:s0] =	ssyncpa.u1 $0x0  }
0xdd: {  	[tilespmem:s3], [sflag:$0x5] =	stream.linear.gather [spmem:s2], $0x20, $0x38;
	[tilespmem:$0x11A60] =	vst v63  }
0xde: {  	s2 =	simm.s32 $0x0;
	s3 =	simm.s32 $0xE0  }
0xdf: {  	[tilespmem:s3], [sflag:$0x5] =	stream.linear.gather [spmem:s2], $0x20, $0x38;
	[tilespmem:$0x11A60] =	vst v63  }
.Ltmp7:
0xe0: {  	_ = 	snop;
	(pc) =	sbr.rel .LBB2_12-.Ltmp7, $4  }
0xe1: {  	_ =	swait.ge [sflag:s0], $0x40  }
0xe2: {  	[sflag:s0] =	ssyncset.done $0x0  }
0xe3: {  	s31 =	simm.s32 $0x6;
	[sflag:s0] =	ssyncadd.s32 $0xFFFFFFC0  }
0xe4: {  	s4 =	simm.s32 $0x0;
	[sflag:s31] =	ssyncpa.u1 $0x0  }
.LBB2_17:
0xe5: {  	p0 =	sgt.u32 s5, $0x27FF  }
0xe6: {  	s0 =	sshrl.u32 @!p0 s5, $0x3  }
0xe7: {  	s5 =	sand.u32 @!p0 $0x7, s5;
	s6 =	simm.s32 @!p0 $0xB0;
	s0 =	sadd.s32 @!p0 s1, s0  }
0xe8: {  	[tilespmem:s6], [sflag:$0x6] =	stream.linear.gather @!p0 [hbm4b:s0+s5], $0x1, $0x38;
	[tilespmem:$0x11A60] =	vst v63  }
0xe9: {  	s0 =	simm.s32 @!p0 $0x6  }
0xea: {  	_ =	swait.ge @!p0 [sflag:s0], $0x1  }
0xeb: {  	[sflag:s0] =	ssyncset.done @!p0 $0x0  }
0xec: {  	[sflag:s0] =	ssyncadd.s32 @!p0 $0xFFFFFFFF  }
0xed: {  	v2 =	vmov @!p0 s4;
	v1 =	vld.msk @!p0 [tilespmem:$0xB0], $0x1;
	_ =	sdelay $0x3  }
0xee: {  	s0 =	simm.s32 @!p0 $0xE0  }
0xef: {  	[tilespmem:v2+s0+$0x0], v1 =	vst.idx.ret.add.f32.msk @!p0 $0x1, v1  }
0xf0: {  	[tilespmem:s2+$0xC0] =	vst.msk $0x1, v0  }
0xf1: {  	v0 =	vld.msk [tilespmem:s4+$0xE0], $0x1;
	_ =	sdelay $0x4  }
0xf2: {  	[tilespmem:s2+$0xE0] =	vst.msk $0x1, v0;
	s2 =	sadd.s32 $0x1, s2  }
.LBB2_19:
0xf3: {  	s4 =	sadd.s32 $0x1, s4  }
0xf4: {  	p0 =	sne.s32 s4, $0x20  }
.Ltmp8:
0xf5: {  	_ = 	snop;
	(pc) =	sbr.rel @!p0 .LBB2_20-.Ltmp8, $1  }
0xf6: {  	_ =	sdelay $0x3  }
.LBB2_12:
0xf7: {  	v0 =	vld.msk [tilespmem:s4+$0xC0], $0x1;
	_ =	sdelay $0x4  }
0xf8: {  	(v2sf) =	vpush v0, $0x0;
	_ =	sdelay $0xe  }
0xf9: {  	s5 =	spop (v2sf)  }
0xfa: {  	p0 =	seq.s32 s5, $0xFFFFFFFF  }
.Ltmp9:
0xfb: {  	_ = 	snop;
	(pc) =	sbr.rel @p0 .LBB2_19-.Ltmp9, $1  }
0xfc: {  	_ =	sdelay $0x3  }
0xfd: {  	p0 =	slt.s32 s2, $0x1  }
.Ltmp10:
0xfe: {  	_ = 	snop;
	(pc) =	sbr.rel @p0 .LBB2_17-.Ltmp10, $1  }
0xff: {  	_ =	sdelay $0x3  }
0x100: {  	s0 =	simm.s32 $0xC0;
	p0 =	por $0x0, $0x0  }
0x101: {  	v1 =	vld.msk @!p0 [tilespmem:s0+$0x0], $0x1;
	_ =	sdelay $0x4  }
0x102: {  	(v2sf) =	vpush @!p0 v1, $0x0;
	_ =	sdelay $0xd  }
0x103: {  	p2 =	sne.s32 s2, $0x1  }
.Ltmp11:
0x104: {  	s6 =	spop @!p0 (v2sf);
	(pc) =	sbr.rel @!p2 .LBB2_16-.Ltmp11, $4  }
0x105: {  	p1 =	seq.s32 @!p0 s5, s6  }
0x106: {  	s6 =	simm.s32 $0x0;
	p1 =	por !p1, p0  }
0x107: {  	s8 =	simm.s32 $0xFFFFFFFF;
	s6 =	simm.s32 @p1 $0xFFFFFFFF  }
0x108: {  	s7 =	simm.s32 $0x1;
	s6 =	smov.u32 @p0 s8  }
.LBB2_15:
0x109: {  	s8 =	smov.u32 s6;
	p0 =	sne.s32 s6, $0xFFFFFFFF  }
0x10a: {  	s0 =	sadd.s32 $0x1, s0;
	s6 =	smov.u32 s7;
	s7 =	sadd.s32 $0x1, s7  }
0x10b: {  	p1 =	sne.s32 s2, s7;
	v1 =	vld.msk @!p0 [tilespmem:s0+$0x0], $0x1;
	_ =	sdelay $0x4  }
0x10c: {  	(v2sf) =	vpush @!p0 v1, $0x0;
	_ =	sdelay $0xe  }
.Ltmp12:
0x10d: {  	s9 =	spop @!p0 (v2sf);
	(pc) =	sbr.rel @p1 .LBB2_15-.Ltmp12, $4  }
0x10e: {  	p2 =	seq.s32 @!p0 s5, s9  }
0x10f: {  	p2 =	por !p2, p0  }
0x110: {  	s6 =	simm.s32 @p2 $0xFFFFFFFF  }
0x111: {  	s6 =	smov.u32 @p0 s8  }
.LBB2_16:
0x112: {  	p0 =	sne.s32 s6, $0xFFFFFFFF  }
.Ltmp13:
0x113: {  	_ = 	snop;
	(pc) =	sbr.rel @!p0 .LBB2_17-.Ltmp13, $1  }
0x114: {  	_ =	sdelay $0x3  }
0x115: {  	v0 =	vld.msk [tilespmem:s4+$0xE0], $0x1;
	v1 =	vmov s6  }
.Ltmp14:
0x116: {  	_ = 	snop;
	(pc) =	sbr.rel .LBB2_19-.Ltmp14, $2  }
0x117: {  	_ =	sdelay $0x2  }
0x118: {  	[tilespmem:v1+s3+$0x0], v0 =	vst.idx.ret.add.f32.msk $0x1, v0  }
.LBB2_20:
0x119: {  	p0 =	slt.s32 s2, $0x1  }
.Ltmp15:
0x11a: {  	_ = 	snop;
	(pc) =	sbr.rel @p0 .LBB2_24-.Ltmp15, $3  }
0x11b: {  	_ =	sdelay $0x1  }
0x11c: {  	s0 =	simm.s32 $0x6  }
0x11d: {  	s3 =	simm.s32 $0x0;
	[sflag:s0] =	ssyncpa.u1 $0x1  }
0x11e: {  	s0 =	simm.s32 $0xC0  }
0x11f: {  	v0 =	vld.msk [tilespmem:s0+$0x0], $0x1;
	_ =	sdelay $0x4  }
0x120: {  	(v2sf) =	vpush v0, $0x0;
	_ =	sdelay $0xe  }
0x121: {  	s2 =	sadd.s32 $0xFFFFFFFF, s2;
	s4 =	spop (v2sf)  }
0x122: {  	p1 =	sne.s32 s2, $0x0;
	p0 =	sgt.u32 s4, $0x27FF  }
.Ltmp16:
0x123: {  	s5 =	sshrl.u32 @!p0 s4, $0x3;
	(pc) =	sbr.rel @!p1 .LBB2_23-.Ltmp16, $4  }
0x124: {  	s0 =	simm.s32 $0xE0;
	s4 =	sand.u32 @!p0 $0x7, s4;
	s5 =	sadd.s32 @!p0 s1, s5  }
0x125: {  	[hbm4b:s5+s4] =	stream.linear.scatter @!p0 [tilespmem:s0], [sflag:$0x5], $0x1, $0x38;
	[tilespmem:$0x11A60] =	vst v63  }
0x126: {  	s5 =	simm.s32 $0x0  }
0x127: {  	s4 =	simm.s32 $0xC1;
	s5 =	simm.s32 @!p0 $0x4  }
.LBB2_22:
0x128: {  	v0 =	vld.msk [tilespmem:s4+$0x0], $0x1;
	s2 =	sadd.s32 $0xFFFFFFFF, s2;
	s3 =	sadd.s32 s3, s5  }
0x129: {  	p0 =	sne.s32 s2, $0x0;
	_ =	sdelay $0x3  }
0x12a: {  	(v2sf) =	vpush v0, $0x0;
	_ =	sdelay $0xe  }
.Ltmp17:
0x12b: {  	s6 =	spop (v2sf);
	(pc) =	sbr.rel @p0 .LBB2_22-.Ltmp17, $4  }
0x12c: {  	s5 =	simm.s32 $0x0;
	p1 =	sgt.u32 s6, $0x27FF  }
0x12d: {  	s0 =	sadd.s32 $0x1, s0;
	s5 =	simm.s32 @!p1 $0x4;
	s7 =	sshrl.u32 @!p1 s6, $0x3  }
0x12e: {  	s4 =	sadd.s32 $0x1, s4;
	s6 =	sand.u32 @!p1 $0x7, s6;
	s7 =	sadd.s32 @!p1 s1, s7  }
0x12f: {  	[hbm4b:s7+s6] =	stream.linear.scatter @!p1 [tilespmem:s0], [sflag:$0x5], $0x1, $0x38;
	[tilespmem:$0x11A60] =	vst v63  }
.LBB2_23:
0x130: {  	s0 =	sadd.s32 s3, s5  }
0x131: {  	s3 =	sshrl.u32 s0, $0x2  }
.LBB2_24:
0x132: {  	s0 =	simm.s32 $0x5  }
0x133: {  	_ =	swait.ge [sflag:s0], s3  }
0x134: {  	s1 =	ssub.s32 $0x0, s3;
	[sflag:s0] =	ssyncset.done $0x0  }
0x135: {  	[sflag:s0] =	ssyncadd.s32 s1  }
0x136: {  	[sflag:s0] =	ssyncpa.u1 $0x1  }
0x137: {  	s29 =	simm.s32 $0x1;
	_ =	sfence  }
0x138: {  	s30 =	simm.s32 $0x2;
	[sflag:s29] =	ssyncpa.u1 $0x1  }
0x139: {  	[sflag:s30] =	ssyncpa.u1 $0x1  }
0x13a: {  	_ =	strace $0x90000056  }
0x13b: {  	[bflag:$0x2] =	sbarrier.arrive $0xFFFF  }
0x13c: {  	s31 =	rddreg [dreg:$0x1]  }
0x13d: {  	s0 =	sadd.s32 $0x100000, s31  }
0x13e: {  	[sflag:s0] =	ssyncadd.tile.s32 $0x1;
	_ =	shalt  }
.Lfunc_end2:
_tile_overlayer_lowered:
.L_overlay_start_2:
0x13f: {  	(tag) =	ssettag $0x2  }
0x140: {  	s0 =	rddreg [dreg:$0x0];
	s2 =	stileid.u32  }
0x141: {  	s1 =	rddreg [dreg:$0x1];
	p0 =	sne.s32 s2, $0x0  }
0x142: {  	s3 =	rddreg [dreg:$0x2];
	[bflag:$0x3] =	sbarrier.arrive $0xFFFF;
	s2 =	simm.s32 @!p0 $0x1C01  }
0x143: {  	[timem:s3], [sflag:s2] =	dma.local @!p0 [hbm:s0], s1  }
0x144: {  	s0 =	simm.s32 @!p0 $0x1  }
0x145: {  	_ =	swait.ge @!p0 [sflag:s0], s1  }
0x146: {  	s1 =	ssub.s32 @!p0 $0x0, s1;
	[sflag:s0] =	ssyncset.done @!p0 $0x0  }
0x147: {  	[sflag:s0] =	ssyncadd.s32 @!p0 s1  }
0x148: {  	[bflag:$0x3] =	sbarrier.arrive $0xFFFF  }
0x149: {  	_ =	shalt  }

// kernel: scatter_offload_async_start.5
scs
__scs_entry_jumppad:
0x0: {  	(pc) =	sbr.rel $0x88, $3  }
0x1: {  	(tag) =	ssettag $0x0;
	lr =	simm.s32 $0x1  }
0x2: {  	[smem:$0x3F8A] =	sst lr;
	_ =	strace $0xD0000000  }
0x3: {  	_ = 	snop  }
0x4: {  	_ = 	snop  }
0x5: {  	_ = 	snop  }
0x6: {  	_ = 	snop  }
0x7: {  	_ = 	snop  }
__scs_overlays_trampoline_lowered:
0x8: {  	[smem:$0x3F99] =	sst s0  }
0x9: {  	[smem:$0x3F9A] =	sst s1  }
0xa: {  	[smem:$0x3F9B] =	sst s2  }
0xb: {  	[smem:$0x3F9C] =	sst s3  }
0xc: {  	[smem:$0x3F9D] =	sst s4  }
0xd: {  	[smem:$0x3F9E] =	sst s5  }
0xe: {  	[smem:$0x3F9F] =	sst s6  }
0xf: {  	[smem:$0x3FA0] =	sst s7  }
0x10: {  	[smem:$0x3FA1] =	sst s8  }
0x11: {  	[smem:$0x3FA2] =	sst s9;
	s0 =	simm.s32 @!p0 $0x0  }
0x12: {  	s1 =	sld [smem:$0x3F88];
	s0 =	simm.s32 @p0 $0x1  }
0x13: {  	[smem:$0x3FA3] =	sst s0;
	s0 =	simm.s32 @!p1 $0x0  }
0x14: {  	s2 =	sld [smem:$0x3F87];
	s0 =	simm.s32 @p1 $0x1  }
0x15: {  	[smem:$0x3FA4] =	sst s0;
	s0 =	simm.s32 @!p2 $0x0  }
0x16: {  	s3 =	sld [smem:$0x3FDB];
	s0 =	simm.s32 @p2 $0x1  }
0x17: {  	s4 =	simm.s32 $0x1BF5;
	[smem:$0x3FA6] =	sst s0  }
0x18: {  	s0 =	sld [smem:$0x3F89];
	_ =	swait.ge [sflag:s4], $0x0  }
0x19: {  	s7 =	sld [smem:$0x3F8A]  }
0x1a: {  	s8 =	sadd.s32 $0xFFFFE003, lr  }
0x1b: {  	s9 =	sadd.s32 $0xFFFFFEF7, lr;
	s5 =	simm.s32 $0xFFFFFFFF;
	p2 =	slt.u32 s8, $0xFFFFF086  }
0x1c: {  	p1 =	slt.u32 s9, $0xF7A;
	s5 =	simm.s32 @!p2 $0x0  }
0x1d: {  	s5 =	simm.s32 @p1 $0x1;
	p0 =	seq.s32 s7, s2  }
0x1e: {  	s7 =	smul.u32 @!p0 $0xF7A, s2;
	p2 =	seq.s32 @!p0 s5, $0x0  }
0x1f: {  	s9 =	smul.u32 $0xF7A, s1;
	s8 =	simm.s32 @!p0 $0x1BF5;
	p2 =	por !p2, p0  }
0x20: {  	[sflag:s8] =	ssyncset.s32 @!p0 $0xFFFFF086;
	s6 =	sadd.s32 @!p0 s3, s7;
	s7 =	simm.s32 @!p0 $0x108  }
0x21: {  	s3 =	sadd.s32 s3, s9;
	s6 =	sadd.s32 @!p0 $0x88, s6;
	s7 =	simm.s32 @p2 $0x1082  }
0x22: {  	[simem:s7], [sflag:s8] =	dma.local @!p0 [hbm:s6], $0xF7A  }
0x23: {  	s9 =	sor.u32 $0xD0000000, s2;
	s6 =	simm.s32 $0x108;
	_ =	swait.ge @!p0 [sflag:s8], $0x0  }
0x24: {  	s3 =	sadd.s32 $0x88, s3;
	s6 =	simm.s32 @!p1 $0x1082;
	[sflag:s4] =	ssyncset.s32 $0xFFFFF086  }
0x25: {  	[simem:s6], [sflag:s4] =	dma.local [hbm:s3], $0xF7A  }
0x26: {  	[smem:$0x3F8A] =	sst s1;
	(tag) =	ssettag s2;
	_ =	strace s9  }
0x27: {  	s1 =	sld [smem:$0x3F9A]  }
0x28: {  	s2 =	sld [smem:$0x3F9B]  }
0x29: {  	s4 =	sld [smem:$0x3F9D]  }
0x2a: {  	p0 =	seq.s32 s5, $0x0;
	s5 =	sld [smem:$0x3F9E]  }
0x2b: {  	s6 =	sld [smem:$0x3F9F]  }
0x2c: {  	s7 =	sld [smem:$0x3FA0]  }
0x2d: {  	s3 =	simm.s32 $0x108;
	s8 =	sld [smem:$0x3FA1]  }
0x2e: {  	s3 =	simm.s32 @!p0 $0x1082;
	s9 =	sld [smem:$0x3FA2]  }
0x2f: {  	lr =	sadd.s32 s0, s3;
	s0 =	sld [smem:$0x3F99]  }
0x30: {  	s3 =	sld [smem:$0x3F9C]  }
0x31: {  	[smem:$0x3FA5] =	sst s10  }
0x32: {  	s10 =	sld [smem:$0x3FA3];
	_ =	sdelay $0x3  }
0x33: {  	p0 =	seq.s32 s10, $0x1;
	s10 =	sld [smem:$0x3FA5];
	_ =	sdelay $0x3  }
0x34: {  	[smem:$0x3FA5] =	sst s10  }
0x35: {  	s10 =	sld [smem:$0x3FA4];
	_ =	sdelay $0x3  }
0x36: {  	p1 =	seq.s32 s10, $0x1;
	s10 =	sld [smem:$0x3FA5];
	_ =	sdelay $0x3  }
0x37: {  	[smem:$0x3FA5] =	sst s10  }
0x38: {  	s10 =	sld [smem:$0x3FA6]  }
0x39: {  	_ = 	snop;
	(pc) =	sbr.ind lr, $3  }
0x3a: {  	_ = 	snop  }
0x3b: {  	_ = 	snop  }
0x3c: {  	p2 =	seq.s32 s10, $0x1;
	s10 =	sld [smem:$0x3FA5]  }
0x3d: {  	_ =	shalt  }
0x3e: {  	_ =	shalt  }
0x3f: {  	_ =	shalt  }
0x40: {  	_ =	shalt  }
0x41: {  	_ =	shalt  }
0x42: {  	_ =	shalt  }
0x43: {  	_ =	shalt  }
0x44: {  	_ =	shalt  }
0x45: {  	_ =	shalt  }
0x46: {  	_ =	shalt  }
0x47: {  	_ =	shalt  }
0x48: {  	_ =	shalt  }
0x49: {  	_ =	shalt  }
0x4a: {  	_ =	shalt  }
0x4b: {  	_ =	shalt  }
0x4c: {  	_ =	shalt  }
0x4d: {  	_ =	shalt  }
0x4e: {  	_ =	shalt  }
0x4f: {  	_ =	shalt  }
0x50: {  	_ =	shalt  }
0x51: {  	_ =	shalt  }
0x52: {  	_ =	shalt  }
0x53: {  	_ =	shalt  }
0x54: {  	_ =	shalt  }
0x55: {  	_ =	shalt  }
0x56: {  	_ =	shalt  }
0x57: {  	_ =	shalt  }
0x58: {  	_ =	shalt  }
0x59: {  	_ =	shalt  }
0x5a: {  	_ =	shalt  }
0x5b: {  	_ =	shalt  }
0x5c: {  	_ =	shalt  }
0x5d: {  	_ =	shalt  }
0x5e: {  	_ =	shalt  }
0x5f: {  	_ =	shalt  }
0x60: {  	_ =	shalt  }
0x61: {  	_ =	shalt  }
0x62: {  	_ =	shalt  }
0x63: {  	_ =	shalt  }
0x64: {  	_ =	shalt  }
0x65: {  	_ =	shalt  }
0x66: {  	_ =	shalt  }
0x67: {  	_ =	shalt  }
0x68: {  	_ =	shalt  }
0x69: {  	_ =	shalt  }
0x6a: {  	_ =	shalt  }
0x6b: {  	_ =	shalt  }
0x6c: {  	_ =	shalt  }
0x6d: {  	_ =	shalt  }
0x6e: {  	_ =	shalt  }
0x6f: {  	_ =	shalt  }
0x70: {  	_ =	shalt  }
0x71: {  	_ =	shalt  }
0x72: {  	_ =	shalt  }
0x73: {  	_ =	shalt  }
0x74: {  	_ =	shalt  }
0x75: {  	_ =	shalt  }
0x76: {  	_ =	shalt  }
0x77: {  	_ =	shalt  }
0x78: {  	_ =	shalt  }
0x79: {  	_ =	shalt  }
0x7a: {  	_ =	shalt  }
0x7b: {  	_ =	shalt  }
0x7c: {  	_ =	shalt  }
0x7d: {  	_ =	shalt  }
0x7e: {  	_ =	shalt  }
0x7f: {  	_ =	shalt  }
0x80: {  	_ =	shalt  }
0x81: {  	_ =	shalt  }
0x82: {  	_ =	shalt  }
0x83: {  	_ =	shalt  }
0x84: {  	_ =	shalt  }
0x85: {  	_ =	shalt  }
0x86: {  	_ =	shalt  }
0x87: {  	_ =	shalt  }
.Lfunc_end0:
.L_simem_size_0:
called_computation.5_lowered:
.L_overlay_start_0:
0x88: {  	s0 =	sld [smem:$0x3FD9]  }
0x89: {  	s1 =	sld [smem:$0x3FFE];
	_ =	sdelay $0x3  }
0x8a: {  	s0 =	sadd.s32 s1, s0  }
0x8b: {  	[smem:$0x3FB1] =	sst s0  }
0x8c: {  	_ = 	snop  }
0x8d: {  	(tm) =	ssettm $0x1  }
0x8e: {  	s15 =	sld [smem:$0x3FFB];
	_ =	sdelay $0x3  }
0x8f: {  	_ =	strace s15  }
0x90: {  	s0 =	sld [smem:$0x3FFC];
	_ =	sdelay $0x3  }
0x91: {  	_ =	strace s0  }
0x92: {  	s0 =	sld [smem:$0x3FFD];
	_ =	sdelay $0x3  }
0x93: {  	_ =	strace s0  }
0x94: {  	_ =	strace $0x8FFFFFFF  }
0x95: {  	s16 =	sld [smem:$0x3FDB];
	_ =	sdelay $0x1  }
0x96: {  	s17 =	simm.s32 $_scs_section_size  }
0x97: {  	s2 =	simm.s32 $_size__tile_overlayer_lowered;
	s3 =	simm.s32 $_tile_overlayer_lowered  }
0x98: {  	s20 =	simm.s32 $0x1BFF;
	s19 =	sshll.u32 s3, $0x1;
	s0 =	sadd.s32 s17, s16  }
0x99: {  	s4 =	simm.s32 $0x0;
	s18 =	sshll.u32 s2, $0x1;
	s2 =	sadd.s32 s19, s0  }
0x9a: {  	[timem:s4], [sflag:s20] =	dma.local [hbm:s2], s18  }
0x9b: {  	_ =	swait.ge [sflag:s20], s18  }
0x9c: {  	s1 =	ssub.s32 $0x0, s18;
	[sflag:s20] =	ssyncset.done $0x0  }
0x9d: {  	[sflag:s20] =	ssyncadd.s32 s1;
	_ =	sdelay $0x1  }
0x9e: {  	s21 =	simm.s32 $0x1B8B  }
0x9f: {  	_ =	swait.ge [sflag:s21], $0x1  }
0xa0: {  	[sflag:s21] =	ssyncset.done $0x0  }
0xa1: {  	s23 =	simm.s32 $0x1B8E;
	s22 =	sld [smem:$0x3FFE];
	[sflag:s21] =	ssyncadd.s32 $0xFFFFFFFF  }
0xa2: {  	s24 =	simm.s32 $execute0_lowered;
	[smem:$0x3FD2] =	sst s23  }
0xa3: {  	s2 =	sshll.u32 s24, $0x1;
	_ =	strace $0x80000052;
	[dreg:$0x1] =	wrdreg $0xFFFFFFFF  }
0xa4: {  	s25 =	simm.s32 $_size_execute0_lowered;
	s0 =	sadd.s32 s0, s2;
	[dreg:$0x0] =	wrdreg $0x0  }
0xa5: {  	s2 =	sshll.u32 s25, $0x1;
	[dreg:$0x2] =	wrdreg s0  }
0xa6: {  	[dreg:$0x3] =	wrdreg s2  }
0xa7: {  	[dreg:$0x4] =	wrdreg $0xC0  }
0xa8: {  	_ =	task [dreg:s4], $0x5FFFF  }
0xa9: {  	[dreg:$0x1] =	wrdreg $0xFFFFFFFF  }
0xaa: {  	[dreg:$0x0] =	wrdreg $0x60  }
0xab: {  	[dreg:$0x2] =	wrdreg s22  }
0xac: {  	[dreg:$0x3] =	wrdreg $0xB  }
0xad: {  	_ =	task.clear_ibuf [dreg:s4], $0x4FFFF;
	_ =	strace $0x90000052  }
0xae: {  	s26 =	simm.s32 $0xB;
	_ =	strace $0x80000054  }
0xaf: {  	_ =	swait.ge [sflag:s26], $0x1  }
0xb0: {  	[sflag:s26] =	ssyncadd.s32 $0xFFFFFFFF  }
0xb1: {  	_ =	strace $0x90000054  }
0xb2: {  	_ =	sfence  }
0xb3: {  	s28 =	sld [smem:$0x0];
	_ =	sdelay $0x1  }
0xb4: {  	s29 =	srdreg.scid  }
0xb5: {  	s30 =	sshll.u32 s29, $0xD;
	s31 =	sshrl.u32 s29, $0x2  }
0xb6: {  	s1 =	sand.u32 $0x1, s29;
	s2 =	sand.u32 $0x4000, s30;
	s0 =	sadd.s32 s31, s28  }
0xb7: {  	s1 =	sor.u32 s2, s1;
	s0 =	sshll.u32 s0, $0x11  }
0xb8: {  	s0 =	sor.u32 s0, s1  }
0xb9: {  	s0 =	sadd.s32 $0x8F2B, s0  }
0xba: {  	[sflag:s0] =	ssyncadd.remote.s32 $0x1  }
0xbb: {  	_ =	sfence.sel $0xFFFF  }
0xbc: {  	[dreg:$0x0] =	wrdreg $0xFFFFFFFF;
	(pc) =	sbr.abs _section_cstart, $3  }
0xbd: {  	[dreg:$0x1] =	wrdreg $0xFFFFFFFF  }
0xbe: {  	_ =	task.clear_ibuf [dreg:s4], $0x2FFFF;
	_ =	strace $0x9FFFFFFF  }
0xbf: {  	(tm) =	ssettm $0x7FFFFFFF  }
tec
execute0_lowered:
.L_overlay_start_1:
0x0: {  	(tag) =	ssettag $0x1  }
0x1: {  	s0 =	rddreg [dreg:$0x0]  }
0x2: {  	s14 =	stileid.u32;
	_ =	strace $0x80000053;
	s2 =	simm.s32 $0x1  }
0x3: {  	v1 =	vimm.s32 $0xFFFFFFFF;
	s1 =	smin.u32 s14, $0x4;
	[sflag:s2] =	ssyncpa.u1 $0x0  }
0x4: {  	s1 =	sadd.s32 s14, s1;
	[tilespmem:$0x10] =	vst v1  }
0x5: {  	v0 =	vimm.f32 $0.0e+00;
	p0 =	slt.u32 s14, $0x4;
	[tilespmem:$0x20] =	vst v1;
	s3 =	smul.u32 $0x1F40, s1;
	s1 =	simm.s32 $0x3E80  }
0x6: {  	[tilespmem:$0x30] =	vst v0;
	s1 =	simm.s32 @!p0 $0x1F40  }
0x7: {  	[tilespmem:$0x40] =	vst v0;
	s1 =	sadd.s32 s1, s3  }
0x8: {  	[tilespmem:$0x50] =	vst v0;
	s4 =	smin.u32 s1, $0x27100  }
0x9: {  	[tilespmem:$0x60] =	vst v1;
	s9 =	ssub.s32 s4, s3  }
0xa: {  	s7 =	simm.s32 $0x2;
	s8 =	simm.s32 $0x8;
	[tilespmem:$0x70] =	vst v1;
	p0 =	sgt.s32 s9, $0x0  }
0xb: {  	s31 =	simm.s32 $0x9;
	s16 =	simm.s32 $0x0;
	[tilespmem:$0x80] =	vst v1;
	s9 =	simm.s32 @!p0 $0x0  }
0xc: {  	s17 =	simm.s32 $0xF0;
	s18 =	simm.s32 $0xFFFFFFFF;
	v1 =	vimm.s32 $0x0;
	[tilespmem:$0xB0] =	vst v0;
	s5 =	smulhi.u32 $0x10624DD3, s9  }
0xd: {  	s19 =	simm.s32 $0xFFFFC280;
	s20 =	simm.s32 $0xFFFFFFFE;
	s21 =	simm.s32 $0xF;
	[tilespmem:$0x90] =	vst v1  }
0xe: {  	[tilespmem:$0xA0] =	vst v1;
	[sflag:s7] =	ssyncpa.u1 $0x0;
	s7 =	simm.s32 $0x7;
	s10 =	sshrl.u32 s5, $0x9  }
0xf: {  	s25 =	simm.s32 $0x0;
	[sflag:s7] =	ssyncpa.u1 $0x0;
	s11 =	smul.u32 $0x1F40, s10  }
0x10: {  	s24 =	simm.s32 $0x0;
	s6 =	sadd.s32 $0x19C00, s0;
	[sflag:s8] =	ssyncpa.u1 $0x0  }
.Ltmp0:
0x11: {  	s23 =	smov.u32 s3;
	p0 =	sne.s32 s9, s11;
	(pc) =	sbr.rel .LBB2_1-.Ltmp0, $4  }
0x12: {  	s1 =	sadd.s32 $0x2E9800, s0;
	[sflag:s31] =	ssyncpa.u1 $0x0;
	s2 =	simm.s32 @!p0 $0x0  }
0x13: {  	s5 =	sadd.s32 $0x14C00, s0;
	p0 =	por $0x0, $0x0;
	s9 =	sadd.s32 s2, s10  }
0x14: {  	vm0 =	vmmov $0xffff;
	v2 =	vlaneseq.u32;
	s10 =	sshll.u32 s14, $0x1;
	s14 =	sshllo.u32 s14, $0x1;
	s11 =	sadd.s32 $0x1, s9  }
0x15: {  	vm1 =	vmxor vm1, vm1;
	vm2 =	vmmov $0x1;
	vm3 =	vcmask $0x3F3C;
	s12 =	sadd.s32 $0x2, s9;
	s13 =	sor.u32 $0x81, s10;
	s15 =	sor.u32 $0x80, s10  }
.LBB2_9:
0x16: {  	p1 =	slt.u32 s24, $0x3  }
0x17: {  	s0 =	simm.s32 @!p1 $0x2  }
0x18: {  	_ =	swait.ge @!p1 [sflag:s0], $0x1F40  }
0x19: {  	[sflag:s0] =	ssyncset.done @!p1 $0x0  }
0x1a: {  	[sflag:s0] =	ssyncadd.s32 @!p1 $0xFFFFE0C0;
	s0 =	simm.s32 @!p1 $0x9  }
0x1b: {  	_ =	swait.ge @!p1 [sflag:s0], $0x10  }
0x1c: {  	[sflag:s0] =	ssyncset.done @!p1 $0x0  }
0x1d: {  	[sflag:s0] =	ssyncadd.s32 @!p1 $0xFFFFFFF0;
	p1 =	sne.s32 s24, s12  }
.Ltmp1:
0x1e: {  	s2 =	sadd.s32 $0x1F40, s23;
	(pc) =	sbr.rel @!p1 .LBB2_10-.Ltmp1, $4  }
0x1f: {  	s22 =	smov.u32 s3;
	s31 =	sadd.s32 $0x1, s24;
	s17 =	sadd.s32 $0x1F40, s17  }
0x20: {  	s18 =	sadd.s32 $0x1, s18;
	s25 =	smov.u32 s23;
	p2 =	slt.s32 s2, s4  }
0x21: {  	p0 =	por !p0, !p0;
	s19 =	sadd.s32 $0x1F40, s19;
	s22 =	smov.u32 @p2 s2  }
0x22: {  	s20 =	sadd.s32 $0x1, s20;
	s23 =	smov.u32 s22;
	s24 =	smov.u32 s31  }
.LBB2_1:
0x23: {  	p1 =	sge.u32 s24, s9  }
0x24: {  	s0 =	smulhi.u32 @!p1 $0xAAAAAAAB, s24;
	_ =	sdelay $0x1  }
0x25: {  	s0 =	sshrl.u32 @!p1 s0, $0x1  }
0x26: {  	s0 =	smul.u32 @!p1 $0x3, s0;
	_ =	sdelay $0x1  }
0x27: {  	s0 =	ssub.s32 @!p1 s24, s0  }
0x28: {  	s0 =	smul.u32 @!p1 $0x7D00, s0;
	_ =	sdelay $0x1  }
0x29: {  	s2 =	sshrl.u32 @!p1 s23, $0x3;
	s0 =	sshrl.u32 @!p1 s0, $0x2  }
0x2a: {  	s22 =	sand.u32 @!p1 $0x7, s23;
	s2 =	sadd.s32 @!p1 s5, s2;
	s0 =	sadd.s32 @!p1 $0x100, s0  }
0x2b: {  	[tilespmem:s0], [sflag:$0x7] =	stream.linear.gather @!p1 [hbm4b:s2+s22], $0x1F40, $0x38;
	[tilespmem:$0x11A60] =	vst v63  }
0x2c: {  	s0 =	sadd.s32 $0xFFFFFFFF, s24  }
0x2d: {  	p1 =	sge.u32 s0, s9  }
.Ltmp2:
0x2e: {  	_ = 	snop;
	(pc) =	sbr.rel @p1 .LBB2_5-.Ltmp2, $1  }
0x2f: {  	_ =	sdelay $0x3  }
0x30: {  	s2 =	smulhi.u32 $0xAAAAAAAB, s0;
	_ =	sdelay $0x1  }
0x31: {  	s2 =	sshrl.u32 s2, $0x1  }
0x32: {  	s2 =	smul.u32 $0x3, s2;
	_ =	sdelay $0x1  }
0x33: {  	s2 =	ssub.s32 s0, s2  }
0x34: {  	s2 =	smul.u32 $0x7D00, s2  }
0x35: {  	_ =	swait.ge [sflag:s7], $0x1F40  }
0x36: {  	[sflag:s7] =	ssyncset.done $0x0;
	s2 =	sshrl.u32 s2, $0x2  }
0x37: {  	[sflag:s7] =	ssyncadd.s32 $0xFFFFE0C0;
	(ifvalue) =	ssetifvalue $0xFFFFFFFF;
	v3 =	vld.msk [tilespmem:s2+$0x100 ss:$0x1], $0xffff;
	_ =	sdelay $0x2  }
0x38: {  	s30 =	smulhi.u32 $0xAAAAAAAB, s18;
	p1 =	sne.s32 s24, $0x1  }
0x39: {  	v4 =	vimm.s32 @!p1 $0x0  }
0x3a: {  	s2 =	sshrl.u32 s30, $0x1;
	v4 =	vperm.xlane @!p1 v3, v4  }
0x3b: {  	s22 =	sshll.u32 s24, $0x4;
	s2 =	smul.u32 $0xFFFE8900, s2;
	vm4 =	vlt.u32 v3, $0x5F5E400  }
0x3c: {  	s22 =	sand.u32 $0x10, s22;
	v3 =	vnsel vm4, $0xFFFFFFFE, v3;
	vm4 =	vlt.u32 @!p1 v4, $0x5F5E400  }
0x3d: {  	s2 =	sshra.s32 s2, $0x2;
	[tilespmem:s22+$0x60] =	vst v3;
	v3 =	vnsel @!p1 vm4, $0xFFFFFFFE, v4  }
0x3e: {  	s28 =	sadd.s32 s2, s17;
	[tilespmem:$0x80] =	vst @!p1 v3  }
0x3f: {  	v3 =	vld.msk [tilespmem:s28+$0x0 ss:$0x1], $0xffff;
	_ =	sdelay $0x4  }
0x40: {  	(xrf1) =	vunique.msk.u32 $0xffff, v3;
	_ =	sdelay $0xd  }
0x41: {  	v4 =	vimm.s32 $0xFFFFFFFF;
	v5, _, _ =	vpop (xrf1)  }
0x42: {  	vm5 =	vne.s32 v3, v4;
	vm4 =	veq.s32 v5, v2  }
0x43: {  	vm6 =	vlt.u32 v3, $0x5F5E400;
	vm4 =	vmand vm5, vm4  }
0x44: {  	vm4 =	vmand vm6, vm4  }
0x45: {  	v4 =	vnsel vm4, $0xFFFFFFFF, v3  }
0x46: {  	s31 =	sand.u32 $0x1, s0  }
0x47: {  	s0 =	simm.s32 $0x1F40;
	p1 =	seq.s32 s31, $0x1  }
0x48: {  	s0 =	simm.s32 @!p1 $0x0  }
0x49: {  	s26 =	sadd.s32 $0x7DF0, s0;
	(ifvalue) =	ssetifvalue $0xFFFFFFFF  }
0x4a: {  	v3 =	vperm.xlane v3, v1;
	[tilespmem:s26], [sflag:$0x8] =	stream.indirect_vreg.gather [hbm4b:s1+s16], $0x1, v4, vm0, $0x4038;
	v4 =	vnsel vm6, $0xFFFFFFFE, v4;
	[tilespmem:$0x11A60] =	vst v63  }
0x4b: {  	s2 =	simm.s32 $0x0;
	s22 =	sadd.s32 $0xFFFFFFF0, s28;
	[tilespmem:s28+$0x0] =	vst v4  }
.LBB2_3:
0x4c: {  	v4 =	vld.msk [tilespmem:s22+$0x0 ss:$0x1], $0xffff;
	s2 =	sadd.s32 $0x10, s2;
	v5 =	vmov v3;
	s28 =	smov.u32 s22  }
0x4d: {  	p1 =	slt.u32 s2, $0x1F30;
	_ =	sdelay $0x4  }
0x4e: {  	v3 =	vperm.xlane v4, v1;
	(xrf1) =	vunique.msk.u32 $0xffff, v4;
	_ =	sdelay $0xd  }
0x4f: {  	v6, _, _ =	vpop (xrf1)  }
0x50: {  	vm5 =	vne.s32 v4, v5;
	vm4 =	veq.s32 v6, v2  }
0x51: {  	vm6 =	vlt.u32 v4, $0x5F5E400;
	vm4 =	vmand vm5, vm4  }
0x52: {  	vm4 =	vmand vm6, vm4  }
0x53: {  	v4 =	vnsel vm4, $0xFFFFFFFF, v4  }
.Ltmp3:
0x54: {  	v5 =	vnsel vm6, $0xFFFFFFFE, v4;
	(pc) =	sbr.rel @p1 .LBB2_3-.Ltmp3, $3  }
0x55: {  	_ =	sdelay $0x1  }
0x56: {  	s22 =	sadd.s32 $0xFFFFFFF0, s22;
	s26 =	sadd.s32 $0xFFFFFFF0, s26;
	(ifvalue) =	ssetifvalue $0xFFFFFFFF  }
0x57: {  	[tilespmem:s26], [sflag:$0x8] =	stream.indirect_vreg.gather [hbm4b:s1+s16], $0x1, v4, vm0, $0x4038;
	[tilespmem:s28+$0x0] =	vst v5  }
0x58: {  	s2 =	sshrl.u32 s25, $0x3  }
0x59: {  	s0 =	sadd.s32 $0x9D40, s0;
	s2 =	sadd.s32 s6, s2  }
0x5a: {  	[tilespmem:s0], [sflag:$0x8] =	stream.linear.gather [hbm:s2], $0x1F40, $0x38;
	[tilespmem:$0x11A60] =	vst v63  }
.LBB2_5:
0x5b: {  	p1 =	slt.u32 s24, $0x2  }
0x5c: {  	p2 =	sge.u32 @!p1 s24, s12  }
0x5d: {  	p1 =	por p1, p2  }
.Ltmp4:
0x5e: {  	_ = 	snop;
	(pc) =	sbr.rel @p1 .LBB2_9-.Ltmp4, $1  }
0x5f: {  	_ =	sdelay $0x3  }
0x60: {  	s0 =	sadd.s32 $0xFFFFFFFE, s24  }
0x61: {  	s2 =	smulhi.u32 $0xAAAAAAAB, s0;
	_ =	sdelay $0x1  }
0x62: {  	s2 =	sshrl.u32 s2, $0x1  }
0x63: {  	s2 =	smul.u32 $0x3, s2;
	_ =	sdelay $0x1  }
0x64: {  	s0 =	ssub.s32 s0, s2  }
0x65: {  	_ =	swait.ge [sflag:s8], $0x3E80;
	s0 =	smul.u32 $0x1F40, s0  }
0x66: {  	p1 =	sne.s32 s24, s11;
	[sflag:s8] =	ssyncset.done $0x0  }
0x67: {  	[sflag:s8] =	ssyncadd.s32 $0xFFFFC180;
	s2 =	sadd.s32 @!p1 $0x203F, s0  }
0x68: {  	[spmem:s13] =	stream.linear.scatter @!p1 [tilespmem:s2], [sflag:$0x1], $0x1, $0x38;
	[tilespmem:$0x11A60] =	vst v63  }
0x69: {  	s2 =	simm.s32 @!p1 $0x1  }
0x6a: {  	_ =	swait.ge @!p1 [sflag:s2], $0x1  }
0x6b: {  	s22 =	sshll.u32 s24, $0x4;
	[sflag:s2] =	ssyncset.done @!p1 $0x0  }
0x6c: {  	s25 =	sand.u32 $0x10, s22;
	[sflag:s2] =	ssyncadd.s32 @!p1 $0xFFFFFFFF  }
0x6d: {  	s2 =	sxor.u32 $0x10, s25;
	v4 =	vld [tilespmem:s25+$0x10]  }
0x6e: {  	v5 =	vld [tilespmem:s2+$0x60]  }
0x6f: {  	v3 =	vld [tilespmem:$0x80];
	_ =	sdelay $0x2  }
0x70: {  	(v2sf) =	vpush v4, $0x0  }
0x71: {  	(v2sf) =	vpush v5, $0x0  }
0x72: {  	(v2sf) =	vpush v3, $0x0;
	_ =	sdelay $0xc  }
0x73: {  	s22 =	spop (v2sf)  }
0x74: {  	s26 =	spop (v2sf)  }
0x75: {  	s28 =	spop (v2sf)  }
0x76: {  	p2 =	seq.s32 s22, s26;
	p3 =	seq.s32 s28, s22  }
0x77: {  	p3 =	por p2, p3  }
0x78: {  	s26 =	sand.u32 $0x1, s24;
	v4 =	vpsel p3, $0xFFFFFFFF, v4  }
0x79: {  	s29 =	smul.u32 $0x1F40, s26;
	[tilespmem:s25+$0x10] =	vst.msk $0x1, v4  }
0x7a: {  	v4 =	vld [tilespmem:$0x30]  }
0x7b: {  	v5 =	vld [tilespmem:s29+$0x9D40]  }
0x7c: {  	v6 =	vld [tilespmem:s25+$0x40];
	_ =	sdelay $0x3  }
0x7d: {  	vm4 =	vmmov vm1;
	v5 =	vadd.f32 v5, v4  }
0x7e: {  	vm5 =	vmmov vm2;
	vm4 =	vmmov @p2 vm2;
	s22 =	sshll.u32 s26, $0x4;
	v4 =	vadd.f32 v6, v4  }
0x7f: {  	s26 =	sor.u32 $0x11A40, s22;
	vm5 =	vmmov @p3 vm1;
	[tilespmem:s29+$0x9D40] =	vst.msk vm4, v5  }
0x80: {  	[tilespmem:s26+$0x0] =	vst.msk vm5, v4  }
0x81: {  	v4 =	vld [tilespmem:s29+$0x7DF0];
	_ =	sdelay $0x3  }
0x82: {  	v5 =	vimm.f32 $0.0e+00  }
0x83: {  	v4 =	vshift.insert v4, v5, s21  }
0x84: {  	s22 =	sor.u32 $0x40, s2  }
0x85: {  	[tilespmem:s22+$0x0] =	vst.msk $0x1, v4  }
0x86: {  	[tilespmem:s29+$0x7DFF] =	vst.msk $0x1, v5  }
0x87: {  	v4 =	vld [tilespmem:s0+$0x2030];
	_ =	sdelay $0x1  }
0x88: {  	s22 =	smulhi.u32 $0xAAAAAAAB, s20;
	s0 =	simm.s32 $0x1  }
0x89: {  	s0 =	simm.s32 @!p0 $0x0  }
0x8a: {  	s22 =	sshrl.u32 s22, $0x1;
	s0 =	smul.u32 $0x7D00, s0  }
0x8b: {  	s22 =	smul.u32 $0xFFFE8900, s22;
	v4 =	vshift.insert v4, v1, s21  }
0x8c: {  	s0 =	sshrl.u32 s0, $0x2  }
0x8d: {  	s22 =	sshra.s32 s22, $0x2;
	s30 =	sadd.s32 $0x9D40, s0;
	[tilespmem:s2+$0x10] =	vst.msk $0x1, v4  }
0x8e: {  	s22 =	sadd.s32 s22, s19;
	v6 =	vld [tilespmem:s30+$0x0]  }
0x8f: {  	v7 =	vld [tilespmem:s22+$0x0];
	_ =	sdelay $0x3  }
0x90: {  	v5 =	vadd.f32 v6, v5  }
0x91: {  	vm4 =	vne.s32 v7, $0xFFFFFFFF  }
0x92: {  	(xrf2) =	vadd.seg.scan.f32 vm4, v5;
	_ =	sdelay $0x3  }
0x93: {  	s31 =	sadd.s32 $0x5EC0, s0;
	v5 =	vperm.xlane v4, v1  }
0x94: {  	v6 =	vld [tilespmem:s31+$0x0]  }
0x95: {  	vm5 =	veq.s32 v7, v3;
	vm6 =	veq.s32 v7, v5  }
0x96: {  	vm7 =	vgt.u32 v7, $0xFFFFFFFD;
	vm6 =	vmor vm6, vm5  }
0x97: {  	vm6 =	vmor vm6, vm7  }
0x98: {  	v9 =	vld [tilespmem:$0xA0];
	v7 =	vsel vm6, $0xFFFFFFFF, v7  }
0x99: {  	v10 =	vld [tilespmem:$0x90];
	v6 =	vsel vm5, $0x0, v6;
	v8, _, _ =	vpop (xrf2)  }
0x9a: {  	v6 =	vadd.f32 v8, v6  }
0x9b: {  	s0 =	sadd.s32 $0xDBC0, s0  }
0x9c: {  	vm4 =	vmand vm4, vm3;
	[tilespmem:s0+$0x0] =	vst v6;
	(ifvalue) =	ssetifvalue $0xFFFFFFFF  }
0x9d: {  	vm6 =	veq.s32 v9, $0x1;
	[hbm4b:s1+s16] =	stream.indirect_vreg.scatter [tilespmem:s0], [sflag:$0x2], $0x1, v7, vm0, $0x4038;
	v7 =	vsel vm4, $0x0, v8;
	[tilespmem:$0x11A60] =	vst v63  }
0x9e: {  	s2 =	simm.s32 $0x0;
	s22 =	sadd.s32 $0x10, s22;
	vm4 =	vmor vm6, vm5;
	v6 =	vsel vm5, v8, v10;
	v7 =	vshift.insert v7, v0, s21  }
.LBB2_7:
0x9f: {  	v8 =	vld [tilespmem:s22+$0x0];
	s30 =	sadd.s32 $0x10, s30  }
0xa0: {  	s31 =	sadd.s32 $0x10, s31;
	v9 =	vld [tilespmem:s30+$0x0]  }
0xa1: {  	s2 =	sadd.s32 $0x10, s2;
	v10 =	vld [tilespmem:s31+$0x0]  }
0xa2: {  	p2 =	slt.u32 s2, $0x1F30;
	_ =	sdelay $0x2  }
0xa3: {  	v7 =	vadd.f32 v9, v7  }
0xa4: {  	vm5 =	vne.s32 v8, $0xFFFFFFFF  }
0xa5: {  	vm6 =	vmand vm5, vm3;
	(xrf2) =	vadd.seg.scan.f32 vm5, v7;
	_ =	sdelay $0x5  }
0xa6: {  	vm7 =	veq.s32 v8, v5;
	vm5 =	veq.s32 v8, v3  }
0xa7: {  	vm8 =	vgt.u32 v8, $0xFFFFFFFD;
	vm4 =	vmor vm4, vm5;
	vm7 =	vmor vm7, vm5  }
0xa8: {  	vm7 =	vmor vm7, vm8  }
0xa9: {  	v8 =	vsel vm7, $0xFFFFFFFF, v8  }
.Ltmp5:
0xaa: {  	v7 =	vsel vm5, $0x0, v10;
	v9, _, _ =	vpop (xrf2);
	(pc) =	sbr.rel @p2 .LBB2_7-.Ltmp5, $4  }
0xab: {  	v6 =	vsel vm5, v9, v6;
	v10 =	vadd.f32 v9, v7;
	v7 =	vsel vm6, $0x0, v9  }
0xac: {  	s0 =	sadd.s32 $0x10, s0;
	v7 =	vshift.insert v7, v0, s21  }
0xad: {  	s22 =	sadd.s32 $0x10, s22;
	[tilespmem:s0+$0x0] =	vst v10;
	(ifvalue) =	ssetifvalue $0xFFFFFFFF  }
0xae: {  	[hbm4b:s1+s16] =	stream.indirect_vreg.scatter [tilespmem:s0], [sflag:$0x2], $0x1, v8, vm0, $0x4038;
	[tilespmem:$0x11A60] =	vst v63  }
0xaf: {  	v3 =	vld [tilespmem:s29+$0xFAF0];
	_ =	sdelay $0x4  }
0xb0: {  	v3 =	vshift.insert v3, v0, s21  }
0xb1: {  	s0 =	simm.s32 $0x30  }
0xb2: {  	[tilespmem:s0+$0x0] =	vst.msk $0x1, v3  }
0xb3: {  	v3 =	vsel vm4, $0x1, v1;
	[tilespmem:$0x90] =	vst v6  }
0xb4: {  	s0 =	sadd.s32 @!p1 $0xFAFF, s29;
	[tilespmem:$0xA0] =	vst v3  }
0xb5: {  	[spmem:s14] =	stream.linear.scatter @!p1 [tilespmem:s0], [sflag:$0x1], $0x1, $0x38;
	[tilespmem:$0x11A60] =	vst v63  }
0xb6: {  	s0 =	simm.s32 @!p1 $0x1  }
0xb7: {  	v3 =	vmctz.xlane @!p1 vm4;
	_ =	swait.ge @!p1 [sflag:s0], $0x1  }
0xb8: {  	(v2sf) =	vpush @!p1 v4, $0x0  }
0xb9: {  	(v2sf) =	vpush @!p1 v3, $0x0;
	_ =	sdelay $0xd  }
0xba: {  	s2 =	spop @!p1 (v2sf)  }
0xbb: {  	s22 =	spop @!p1 (v2sf)  }
0xbc: {  	p2 =	sne.s32 @!p1 s28, s2;
	p3 =	slt.s32 @!p1 s22, $0xF  }
0xbd: {  	[sflag:s0] =	ssyncset.done @!p1 $0x0;
	p2 =	por p2, p1;
	p3 =	por !p3, p1  }
0xbe: {  	[sflag:s0] =	ssyncadd.s32 @!p1 $0xFFFFFFFF;
	v3 =	vimm.s32 @!p2 $0xFFFFFFFF;
	s22 =	simm.s32 @p3 $0xF  }
0xbf: {  	[tilespmem:$0x80] =	vst @!p2 v3;
	s2 =	sadd.s32 @!p1 $0x90, s22  }
0xc0: {  	[spmem:s10] =	stream.linear.scatter @!p1 [tilespmem:s2], [sflag:$0x1], $0x1, $0x38;
	[tilespmem:$0x11A60] =	vst v63  }
0xc1: {  	_ =	swait.ge @!p1 [sflag:s0], $0x1  }
0xc2: {  	[sflag:s0] =	ssyncset.done @!p1 $0x0  }
0xc3: {  	s2 =	simm.s32 @!p1 $0x80;
	[sflag:s0] =	ssyncadd.s32 @!p1 $0xFFFFFFFF  }
0xc4: {  	[spmem:s15] =	stream.linear.scatter @!p1 [tilespmem:s2], [sflag:$0x1], $0x1, $0x38;
	[tilespmem:$0x11A60] =	vst v63  }
0xc5: {  	_ =	swait.ge @!p1 [sflag:s0], $0x1  }
0xc6: {  	[sflag:s0] =	ssyncset.done @!p1 $0x0  }
0xc7: {  	[sflag:s0] =	ssyncadd.s32 @!p1 $0xFFFFFFFF;
	(ifvalue) =	ssetifvalue $0xFFFFFFFF;
	v3 =	vld [tilespmem:s25+$0x10];
	_ =	sdelay $0x3  }
.Ltmp6:
0xc8: {  	_ = 	snop;
	(pc) =	sbr.rel .LBB2_9-.Ltmp6, $3  }
0xc9: {  	_ =	sdelay $0x1  }
0xca: {  	(ifvalue) =	ssetifvalue $0xFFFFFFFF  }
0xcb: {  	[hbm4b:s1+s16] =	stream.indirect_vreg.scatter [tilespmem:s26], [sflag:$0x9], $0x1, v3, vm0, $0x4038;
	[tilespmem:$0x11A60] =	vst v63  }
.LBB2_10:
0xcc: {  	_ =	sfence.sel $0x180000  }
0xcd: {  	s0 =	simm.s32 $0x7;
	[bflag:$0x0] =	sbarrier.arrive $0xFFFF  }
0xce: {  	s26 =	simm.s32 $0x8;
	[sflag:s0] =	ssyncpa.u1 $0x1  }
0xcf: {  	s28 =	simm.s32 $0x9;
	[sflag:s26] =	ssyncpa.u1 $0x1  }
0xd0: {  	[sflag:s28] =	ssyncpa.u1 $0x1  }
0xd1: {  	_ =	sfence.stream.spmem  }
0xd2: {  	s29 =	simm.s32 $0x3;
	[bflag:$0x0] =	sbarrier.arrive $0xFFFF  }
0xd3: {  	s30 =	simm.s32 $0x4;
	[sflag:s29] =	ssyncpa.u1 $0x1  }
0xd4: {  	s31 =	simm.s32 $0x3C;
	s2 =	stileid.u32;
	[sflag:s30] =	ssyncpa.u1 $0x1  }
0xd5: {  	p0 =	sne.s32 s2, $0x0;
	[sflag:s31] =	ssyncpa.u1 $0x1  }
0xd6: {  	s0 =	simm.s32 @p0 $0x1;
	_ =	sfence @p0  }
0xd7: {  	[sflag:s0] =	ssyncpa.u1 @p0 $0x1;
	s0 =	simm.s32 @p0 $0x2  }
0xd8: {  	[sflag:s0] =	ssyncpa.u1 @p0 $0x1  }
0xd9: {  	_ =	strace @p0 $0x90000053  }
0xda: {  	[bflag:$0x2] =	sbarrier.arrive @p0 $0xFFFF  }
0xdb: {  	_ =	shalt @p0  }
.LBB2_11:
0xdc: {  	_ =	sfence.stream.spmem;
	s0 =	simm.s32 $0x5  }
0xdd: {  	s2 =	simm.s32 $0x80;
	s3 =	simm.s32 $0xC0;
	[sflag:s0] =	ssyncpa.u1 $0x0  }
0xde: {  	[tilespmem:s3], [sflag:$0x5] =	stream.linear.gather [spmem:s2], $0x20, $0x38;
	[tilespmem:$0x11A60] =	vst v63  }
0xdf: {  	s2 =	simm.s32 $0x0;
	s3 =	simm.s32 $0xE0  }
0xe0: {  	[tilespmem:s3], [sflag:$0x5] =	stream.linear.gather [spmem:s2], $0x20, $0x38;
	[tilespmem:$0x11A60] =	vst v63  }
.Ltmp7:
0xe1: {  	_ = 	snop;
	(pc) =	sbr.rel .LBB2_12-.Ltmp7, $4  }
0xe2: {  	_ =	swait.ge [sflag:s0], $0x40  }
0xe3: {  	[sflag:s0] =	ssyncset.done $0x0  }
0xe4: {  	s31 =	simm.s32 $0x6;
	[sflag:s0] =	ssyncadd.s32 $0xFFFFFFC0  }
0xe5: {  	s4 =	simm.s32 $0x0;
	[sflag:s31] =	ssyncpa.u1 $0x0  }
.LBB2_17:
0xe6: {  	p0 =	sgt.u32 s5, $0x5F5E3FF  }
0xe7: {  	s0 =	sshrl.u32 @!p0 s5, $0x3  }
0xe8: {  	s5 =	sand.u32 @!p0 $0x7, s5;
	s6 =	simm.s32 @!p0 $0xB0;
	s0 =	sadd.s32 @!p0 s1, s0  }
0xe9: {  	[tilespmem:s6], [sflag:$0x6] =	stream.linear.gather @!p0 [hbm4b:s0+s5], $0x1, $0x38;
	[tilespmem:$0x11A60] =	vst v63  }
0xea: {  	s0 =	simm.s32 @!p0 $0x6  }
0xeb: {  	_ =	swait.ge @!p0 [sflag:s0], $0x1  }
0xec: {  	[sflag:s0] =	ssyncset.done @!p0 $0x0  }
0xed: {  	[sflag:s0] =	ssyncadd.s32 @!p0 $0xFFFFFFFF  }
0xee: {  	v2 =	vmov @!p0 s4;
	v1 =	vld.msk @!p0 [tilespmem:$0xB0], $0x1;
	_ =	sdelay $0x3  }
0xef: {  	s0 =	simm.s32 @!p0 $0xE0  }
0xf0: {  	[tilespmem:v2+s0+$0x0], v1 =	vst.idx.ret.add.f32.msk @!p0 $0x1, v1  }
0xf1: {  	[tilespmem:s2+$0xC0] =	vst.msk $0x1, v0  }
0xf2: {  	v0 =	vld.msk [tilespmem:s4+$0xE0], $0x1;
	_ =	sdelay $0x4  }
0xf3: {  	[tilespmem:s2+$0xE0] =	vst.msk $0x1, v0;
	s2 =	sadd.s32 $0x1, s2  }
.LBB2_19:
0xf4: {  	s4 =	sadd.s32 $0x1, s4  }
0xf5: {  	p0 =	sne.s32 s4, $0x20  }
.Ltmp8:
0xf6: {  	_ = 	snop;
	(pc) =	sbr.rel @!p0 .LBB2_20-.Ltmp8, $1  }
0xf7: {  	_ =	sdelay $0x3  }
.LBB2_12:
0xf8: {  	v0 =	vld.msk [tilespmem:s4+$0xC0], $0x1;
	_ =	sdelay $0x4  }
0xf9: {  	(v2sf) =	vpush v0, $0x0;
	_ =	sdelay $0xe  }
0xfa: {  	s5 =	spop (v2sf)  }
0xfb: {  	p0 =	seq.s32 s5, $0xFFFFFFFF  }
.Ltmp9:
0xfc: {  	_ = 	snop;
	(pc) =	sbr.rel @p0 .LBB2_19-.Ltmp9, $1  }
0xfd: {  	_ =	sdelay $0x3  }
0xfe: {  	p0 =	slt.s32 s2, $0x1  }
.Ltmp10:
0xff: {  	_ = 	snop;
	(pc) =	sbr.rel @p0 .LBB2_17-.Ltmp10, $1  }
0x100: {  	_ =	sdelay $0x3  }
0x101: {  	s0 =	simm.s32 $0xC0;
	p0 =	por $0x0, $0x0  }
0x102: {  	v1 =	vld.msk @!p0 [tilespmem:s0+$0x0], $0x1;
	_ =	sdelay $0x4  }
0x103: {  	(v2sf) =	vpush @!p0 v1, $0x0;
	_ =	sdelay $0xd  }
0x104: {  	p2 =	sne.s32 s2, $0x1  }
.Ltmp11:
0x105: {  	s6 =	spop @!p0 (v2sf);
	(pc) =	sbr.rel @!p2 .LBB2_16-.Ltmp11, $4  }
0x106: {  	p1 =	seq.s32 @!p0 s5, s6  }
0x107: {  	s6 =	simm.s32 $0x0;
	p1 =	por !p1, p0  }
0x108: {  	s8 =	simm.s32 $0xFFFFFFFF;
	s6 =	simm.s32 @p1 $0xFFFFFFFF  }
0x109: {  	s7 =	simm.s32 $0x1;
	s6 =	smov.u32 @p0 s8  }
.LBB2_15:
0x10a: {  	s8 =	smov.u32 s6;
	p0 =	sne.s32 s6, $0xFFFFFFFF  }
0x10b: {  	s0 =	sadd.s32 $0x1, s0;
	s6 =	smov.u32 s7;
	s7 =	sadd.s32 $0x1, s7  }
0x10c: {  	p1 =	sne.s32 s2, s7;
	v1 =	vld.msk @!p0 [tilespmem:s0+$0x0], $0x1;
	_ =	sdelay $0x4  }
0x10d: {  	(v2sf) =	vpush @!p0 v1, $0x0;
	_ =	sdelay $0xe  }
.Ltmp12:
0x10e: {  	s9 =	spop @!p0 (v2sf);
	(pc) =	sbr.rel @p1 .LBB2_15-.Ltmp12, $4  }
0x10f: {  	p2 =	seq.s32 @!p0 s5, s9  }
0x110: {  	p2 =	por !p2, p0  }
0x111: {  	s6 =	simm.s32 @p2 $0xFFFFFFFF  }
0x112: {  	s6 =	smov.u32 @p0 s8  }
.LBB2_16:
0x113: {  	p0 =	sne.s32 s6, $0xFFFFFFFF  }
.Ltmp13:
0x114: {  	_ = 	snop;
	(pc) =	sbr.rel @!p0 .LBB2_17-.Ltmp13, $1  }
0x115: {  	_ =	sdelay $0x3  }
0x116: {  	v0 =	vld.msk [tilespmem:s4+$0xE0], $0x1;
	v1 =	vmov s6  }
.Ltmp14:
0x117: {  	_ = 	snop;
	(pc) =	sbr.rel .LBB2_19-.Ltmp14, $2  }
0x118: {  	_ =	sdelay $0x2  }
0x119: {  	[tilespmem:v1+s3+$0x0], v0 =	vst.idx.ret.add.f32.msk $0x1, v0  }
.LBB2_20:
0x11a: {  	p0 =	slt.s32 s2, $0x1  }
.Ltmp15:
0x11b: {  	_ = 	snop;
	(pc) =	sbr.rel @p0 .LBB2_24-.Ltmp15, $3  }
0x11c: {  	_ =	sdelay $0x1  }
0x11d: {  	s0 =	simm.s32 $0x6  }
0x11e: {  	s3 =	simm.s32 $0x0;
	[sflag:s0] =	ssyncpa.u1 $0x1  }
0x11f: {  	s0 =	simm.s32 $0xC0  }
0x120: {  	v0 =	vld.msk [tilespmem:s0+$0x0], $0x1;
	_ =	sdelay $0x4  }
0x121: {  	(v2sf) =	vpush v0, $0x0;
	_ =	sdelay $0xe  }
0x122: {  	s2 =	sadd.s32 $0xFFFFFFFF, s2;
	s4 =	spop (v2sf)  }
0x123: {  	p1 =	sne.s32 s2, $0x0;
	p0 =	sgt.u32 s4, $0x5F5E3FF  }
.Ltmp16:
0x124: {  	s5 =	sshrl.u32 @!p0 s4, $0x3;
	(pc) =	sbr.rel @!p1 .LBB2_23-.Ltmp16, $4  }
0x125: {  	s0 =	simm.s32 $0xE0;
	s4 =	sand.u32 @!p0 $0x7, s4;
	s5 =	sadd.s32 @!p0 s1, s5  }
0x126: {  	[hbm4b:s5+s4] =	stream.linear.scatter @!p0 [tilespmem:s0], [sflag:$0x5], $0x1, $0x38;
	[tilespmem:$0x11A60] =	vst v63  }
0x127: {  	s5 =	simm.s32 $0x0  }
0x128: {  	s4 =	simm.s32 $0xC1;
	s5 =	simm.s32 @!p0 $0x4  }
.LBB2_22:
0x129: {  	v0 =	vld.msk [tilespmem:s4+$0x0], $0x1;
	s2 =	sadd.s32 $0xFFFFFFFF, s2;
	s3 =	sadd.s32 s3, s5  }
0x12a: {  	p0 =	sne.s32 s2, $0x0;
	_ =	sdelay $0x3  }
0x12b: {  	(v2sf) =	vpush v0, $0x0;
	_ =	sdelay $0xe  }
.Ltmp17:
0x12c: {  	s6 =	spop (v2sf);
	(pc) =	sbr.rel @p0 .LBB2_22-.Ltmp17, $4  }
0x12d: {  	s5 =	simm.s32 $0x0;
	p1 =	sgt.u32 s6, $0x5F5E3FF  }
0x12e: {  	s0 =	sadd.s32 $0x1, s0;
	s5 =	simm.s32 @!p1 $0x4;
	s7 =	sshrl.u32 @!p1 s6, $0x3  }
0x12f: {  	s4 =	sadd.s32 $0x1, s4;
	s6 =	sand.u32 @!p1 $0x7, s6;
	s7 =	sadd.s32 @!p1 s1, s7  }
0x130: {  	[hbm4b:s7+s6] =	stream.linear.scatter @!p1 [tilespmem:s0], [sflag:$0x5], $0x1, $0x38;
	[tilespmem:$0x11A60] =	vst v63  }
.LBB2_23:
0x131: {  	s0 =	sadd.s32 s3, s5  }
0x132: {  	s3 =	sshrl.u32 s0, $0x2  }
.LBB2_24:
0x133: {  	s0 =	simm.s32 $0x5  }
0x134: {  	_ =	swait.ge [sflag:s0], s3  }
0x135: {  	s1 =	ssub.s32 $0x0, s3;
	[sflag:s0] =	ssyncset.done $0x0  }
0x136: {  	[sflag:s0] =	ssyncadd.s32 s1  }
0x137: {  	[sflag:s0] =	ssyncpa.u1 $0x1  }
0x138: {  	s29 =	simm.s32 $0x1;
	_ =	sfence  }
0x139: {  	s30 =	simm.s32 $0x2;
	[sflag:s29] =	ssyncpa.u1 $0x1  }
0x13a: {  	[sflag:s30] =	ssyncpa.u1 $0x1  }
0x13b: {  	_ =	strace $0x90000053  }
0x13c: {  	[bflag:$0x2] =	sbarrier.arrive $0xFFFF  }
0x13d: {  	s31 =	rddreg [dreg:$0x1]  }
0x13e: {  	s0 =	sadd.s32 $0x100000, s31  }
0x13f: {  	[sflag:s0] =	ssyncadd.tile.s32 $0x1;
	_ =	shalt  }
.Lfunc_end2:
_tile_overlayer_lowered:
.L_overlay_start_2:
0x140: {  	(tag) =	ssettag $0x2  }
0x141: {  	s0 =	rddreg [dreg:$0x0];
	s2 =	stileid.u32  }
0x142: {  	s1 =	rddreg [dreg:$0x1];
	p0 =	sne.s32 s2, $0x0  }
0x143: {  	s3 =	rddreg [dreg:$0x2];
	[bflag:$0x3] =	sbarrier.arrive $0xFFFF;
	s2 =	simm.s32 @!p0 $0x1C01  }
0x144: {  	[timem:s3], [sflag:s2] =	dma.local @!p0 [hbm:s0], s1  }
0x145: {  	s0 =	simm.s32 @!p0 $0x1  }
0x146: {  	_ =	swait.ge @!p0 [sflag:s0], s1  }
0x147: {  	s1 =	ssub.s32 @!p0 $0x0, s1;
	[sflag:s0] =	ssyncset.done @!p0 $0x0  }
0x148: {  	[sflag:s0] =	ssyncadd.s32 @!p0 s1  }
0x149: {  	[bflag:$0x3] =	sbarrier.arrive $0xFFFF  }
0x14a: {  	_ =	shalt  }

// kernel: scatter_offload_async_start
scs
__scs_entry_jumppad:
0x0: {  	(pc) =	sbr.rel $0x88, $3  }
0x1: {  	(tag) =	ssettag $0x0;
	lr =	simm.s32 $0x1  }
0x2: {  	[smem:$0x3F8A] =	sst lr;
	_ =	strace $0xD0000000  }
0x3: {  	_ = 	snop  }
0x4: {  	_ = 	snop  }
0x5: {  	_ = 	snop  }
0x6: {  	_ = 	snop  }
0x7: {  	_ = 	snop  }
__scs_overlays_trampoline_lowered:
0x8: {  	[smem:$0x3F99] =	sst s0  }
0x9: {  	[smem:$0x3F9A] =	sst s1  }
0xa: {  	[smem:$0x3F9B] =	sst s2  }
0xb: {  	[smem:$0x3F9C] =	sst s3  }
0xc: {  	[smem:$0x3F9D] =	sst s4  }
0xd: {  	[smem:$0x3F9E] =	sst s5  }
0xe: {  	[smem:$0x3F9F] =	sst s6  }
0xf: {  	[smem:$0x3FA0] =	sst s7  }
0x10: {  	[smem:$0x3FA1] =	sst s8  }
0x11: {  	[smem:$0x3FA2] =	sst s9;
	s0 =	simm.s32 @!p0 $0x0  }
0x12: {  	s1 =	sld [smem:$0x3F88];
	s0 =	simm.s32 @p0 $0x1  }
0x13: {  	[smem:$0x3FA3] =	sst s0;
	s0 =	simm.s32 @!p1 $0x0  }
0x14: {  	s2 =	sld [smem:$0x3F87];
	s0 =	simm.s32 @p1 $0x1  }
0x15: {  	[smem:$0x3FA4] =	sst s0;
	s0 =	simm.s32 @!p2 $0x0  }
0x16: {  	s3 =	sld [smem:$0x3FDB];
	s0 =	simm.s32 @p2 $0x1  }
0x17: {  	s4 =	simm.s32 $0x1BF5;
	[smem:$0x3FA6] =	sst s0  }
0x18: {  	s0 =	sld [smem:$0x3F89];
	_ =	swait.ge [sflag:s4], $0x0  }
0x19: {  	s7 =	sld [smem:$0x3F8A]  }
0x1a: {  	s8 =	sadd.s32 $0xFFFFE003, lr  }
0x1b: {  	s9 =	sadd.s32 $0xFFFFFEF7, lr;
	s5 =	simm.s32 $0xFFFFFFFF;
	p2 =	slt.u32 s8, $0xFFFFF086  }
0x1c: {  	p1 =	slt.u32 s9, $0xF7A;
	s5 =	simm.s32 @!p2 $0x0  }
0x1d: {  	s5 =	simm.s32 @p1 $0x1;
	p0 =	seq.s32 s7, s2  }
0x1e: {  	s7 =	smul.u32 @!p0 $0xF7A, s2;
	p2 =	seq.s32 @!p0 s5, $0x0  }
0x1f: {  	s9 =	smul.u32 $0xF7A, s1;
	s8 =	simm.s32 @!p0 $0x1BF5;
	p2 =	por !p2, p0  }
0x20: {  	[sflag:s8] =	ssyncset.s32 @!p0 $0xFFFFF086;
	s6 =	sadd.s32 @!p0 s3, s7;
	s7 =	simm.s32 @!p0 $0x108  }
0x21: {  	s3 =	sadd.s32 s3, s9;
	s6 =	sadd.s32 @!p0 $0x88, s6;
	s7 =	simm.s32 @p2 $0x1082  }
0x22: {  	[simem:s7], [sflag:s8] =	dma.local @!p0 [hbm:s6], $0xF7A  }
0x23: {  	s9 =	sor.u32 $0xD0000000, s2;
	s6 =	simm.s32 $0x108;
	_ =	swait.ge @!p0 [sflag:s8], $0x0  }
0x24: {  	s3 =	sadd.s32 $0x88, s3;
	s6 =	simm.s32 @!p1 $0x1082;
	[sflag:s4] =	ssyncset.s32 $0xFFFFF086  }
0x25: {  	[simem:s6], [sflag:s4] =	dma.local [hbm:s3], $0xF7A  }
0x26: {  	[smem:$0x3F8A] =	sst s1;
	(tag) =	ssettag s2;
	_ =	strace s9  }
0x27: {  	s1 =	sld [smem:$0x3F9A]  }
0x28: {  	s2 =	sld [smem:$0x3F9B]  }
0x29: {  	s4 =	sld [smem:$0x3F9D]  }
0x2a: {  	p0 =	seq.s32 s5, $0x0;
	s5 =	sld [smem:$0x3F9E]  }
0x2b: {  	s6 =	sld [smem:$0x3F9F]  }
0x2c: {  	s7 =	sld [smem:$0x3FA0]  }
0x2d: {  	s3 =	simm.s32 $0x108;
	s8 =	sld [smem:$0x3FA1]  }
0x2e: {  	s3 =	simm.s32 @!p0 $0x1082;
	s9 =	sld [smem:$0x3FA2]  }
0x2f: {  	lr =	sadd.s32 s0, s3;
	s0 =	sld [smem:$0x3F99]  }
0x30: {  	s3 =	sld [smem:$0x3F9C]  }
0x31: {  	[smem:$0x3FA5] =	sst s10  }
0x32: {  	s10 =	sld [smem:$0x3FA3];
	_ =	sdelay $0x3  }
0x33: {  	p0 =	seq.s32 s10, $0x1;
	s10 =	sld [smem:$0x3FA5];
	_ =	sdelay $0x3  }
0x34: {  	[smem:$0x3FA5] =	sst s10  }
0x35: {  	s10 =	sld [smem:$0x3FA4];
	_ =	sdelay $0x3  }
0x36: {  	p1 =	seq.s32 s10, $0x1;
	s10 =	sld [smem:$0x3FA5];
	_ =	sdelay $0x3  }
0x37: {  	[smem:$0x3FA5] =	sst s10  }
0x38: {  	s10 =	sld [smem:$0x3FA6]  }
0x39: {  	_ = 	snop;
	(pc) =	sbr.ind lr, $3  }
0x3a: {  	_ = 	snop  }
0x3b: {  	_ = 	snop  }
0x3c: {  	p2 =	seq.s32 s10, $0x1;
	s10 =	sld [smem:$0x3FA5]  }
0x3d: {  	_ =	shalt  }
0x3e: {  	_ =	shalt  }
0x3f: {  	_ =	shalt  }
0x40: {  	_ =	shalt  }
0x41: {  	_ =	shalt  }
0x42: {  	_ =	shalt  }
0x43: {  	_ =	shalt  }
0x44: {  	_ =	shalt  }
0x45: {  	_ =	shalt  }
0x46: {  	_ =	shalt  }
0x47: {  	_ =	shalt  }
0x48: {  	_ =	shalt  }
0x49: {  	_ =	shalt  }
0x4a: {  	_ =	shalt  }
0x4b: {  	_ =	shalt  }
0x4c: {  	_ =	shalt  }
0x4d: {  	_ =	shalt  }
0x4e: {  	_ =	shalt  }
0x4f: {  	_ =	shalt  }
0x50: {  	_ =	shalt  }
0x51: {  	_ =	shalt  }
0x52: {  	_ =	shalt  }
0x53: {  	_ =	shalt  }
0x54: {  	_ =	shalt  }
0x55: {  	_ =	shalt  }
0x56: {  	_ =	shalt  }
0x57: {  	_ =	shalt  }
0x58: {  	_ =	shalt  }
0x59: {  	_ =	shalt  }
0x5a: {  	_ =	shalt  }
0x5b: {  	_ =	shalt  }
0x5c: {  	_ =	shalt  }
0x5d: {  	_ =	shalt  }
0x5e: {  	_ =	shalt  }
0x5f: {  	_ =	shalt  }
0x60: {  	_ =	shalt  }
0x61: {  	_ =	shalt  }
0x62: {  	_ =	shalt  }
0x63: {  	_ =	shalt  }
0x64: {  	_ =	shalt  }
0x65: {  	_ =	shalt  }
0x66: {  	_ =	shalt  }
0x67: {  	_ =	shalt  }
0x68: {  	_ =	shalt  }
0x69: {  	_ =	shalt  }
0x6a: {  	_ =	shalt  }
0x6b: {  	_ =	shalt  }
0x6c: {  	_ =	shalt  }
0x6d: {  	_ =	shalt  }
0x6e: {  	_ =	shalt  }
0x6f: {  	_ =	shalt  }
0x70: {  	_ =	shalt  }
0x71: {  	_ =	shalt  }
0x72: {  	_ =	shalt  }
0x73: {  	_ =	shalt  }
0x74: {  	_ =	shalt  }
0x75: {  	_ =	shalt  }
0x76: {  	_ =	shalt  }
0x77: {  	_ =	shalt  }
0x78: {  	_ =	shalt  }
0x79: {  	_ =	shalt  }
0x7a: {  	_ =	shalt  }
0x7b: {  	_ =	shalt  }
0x7c: {  	_ =	shalt  }
0x7d: {  	_ =	shalt  }
0x7e: {  	_ =	shalt  }
0x7f: {  	_ =	shalt  }
0x80: {  	_ =	shalt  }
0x81: {  	_ =	shalt  }
0x82: {  	_ =	shalt  }
0x83: {  	_ =	shalt  }
0x84: {  	_ =	shalt  }
0x85: {  	_ =	shalt  }
0x86: {  	_ =	shalt  }
0x87: {  	_ =	shalt  }
.Lfunc_end0:
.L_simem_size_0:
called_computation_lowered:
.L_overlay_start_0:
0x88: {  	s0 =	sld [smem:$0x3FD9]  }
0x89: {  	s1 =	sld [smem:$0x3FFE];
	_ =	sdelay $0x3  }
0x8a: {  	s0 =	sadd.s32 s1, s0  }
0x8b: {  	[smem:$0x3FB1] =	sst s0  }
0x8c: {  	_ = 	snop  }
0x8d: {  	(tm) =	ssettm $0x1  }
0x8e: {  	s14 =	sld [smem:$0x3FFB];
	_ =	sdelay $0x3  }
0x8f: {  	_ =	strace s14  }
0x90: {  	s0 =	sld [smem:$0x3FFC];
	_ =	sdelay $0x3  }
0x91: {  	_ =	strace s0  }
0x92: {  	s0 =	sld [smem:$0x3FFD];
	_ =	sdelay $0x3  }
0x93: {  	_ =	strace s0  }
0x94: {  	_ =	strace $0x8FFFFFFF  }
0x95: {  	s15 =	sld [smem:$0x3FDB];
	_ =	sdelay $0x1  }
0x96: {  	s16 =	simm.s32 $_scs_section_size  }
0x97: {  	s2 =	simm.s32 $_size__tile_overlayer_lowered;
	s3 =	simm.s32 $_tile_overlayer_lowered  }
0x98: {  	s4 =	simm.s32 $0x1BFF;
	s17 =	sshll.u32 s3, $0x1;
	s1 =	sadd.s32 s16, s15  }
0x99: {  	s18 =	simm.s32 $0x0;
	s2 =	sshll.u32 s2, $0x1;
	s3 =	sadd.s32 s17, s1  }
0x9a: {  	[timem:s18], [sflag:s4] =	dma.local [hbm:s3], s2  }
0x9b: {  	_ =	swait.ge [sflag:s4], s2  }
0x9c: {  	s2 =	ssub.s32 $0x0, s2;
	[sflag:s4] =	ssyncset.done $0x0  }
0x9d: {  	[sflag:s4] =	ssyncadd.s32 s2;
	_ =	sdelay $0x1  }
0x9e: {  	s19 =	simm.s32 $0x1B8B  }
0x9f: {  	_ =	swait.ge [sflag:s19], $0x1  }
0xa0: {  	[sflag:s19] =	ssyncset.done $0x0  }
0xa1: {  	s21 =	simm.s32 $0x1B8E;
	s20 =	sld [smem:$0x3FFE];
	[sflag:s19] =	ssyncadd.s32 $0xFFFFFFFF  }
0xa2: {  	s22 =	simm.s32 $execute0_lowered;
	[smem:$0x3FD2] =	sst s21  }
0xa3: {  	s3 =	sshll.u32 s22, $0x1;
	_ =	strace $0x80000046;
	[dreg:$0x1] =	wrdreg $0xFFFFFFFF  }
0xa4: {  	s23 =	simm.s32 $_size_execute0_lowered;
	s3 =	sadd.s32 s1, s3;
	[dreg:$0x0] =	wrdreg $0x0  }
0xa5: {  	s4 =	sshll.u32 s23, $0x1;
	[dreg:$0x2] =	wrdreg s3  }
0xa6: {  	[dreg:$0x3] =	wrdreg s4  }
0xa7: {  	[dreg:$0x4] =	wrdreg $0xC0  }
0xa8: {  	s24 =	simm.s32 $execute1_lowered;
	_ =	task [dreg:s18], $0x5FFFF  }
0xa9: {  	s3 =	sshll.u32 s24, $0x1;
	[dreg:$0x1] =	wrdreg $0xFFFFFFFF  }
0xaa: {  	s1 =	sadd.s32 s1, s3;
	[dreg:$0x0] =	wrdreg $0x60  }
0xab: {  	[dreg:$0x2] =	wrdreg s1  }
0xac: {  	[dreg:$0x3] =	wrdreg s20  }
0xad: {  	[dreg:$0x4] =	wrdreg $0x9  }
0xae: {  	_ =	task.clear_ibuf [dreg:s18], $0x5FFFF;
	_ =	strace $0x90000046  }
0xaf: {  	s25 =	simm.s32 $0x9;
	_ =	strace $0x80000048  }
0xb0: {  	_ =	swait.ge [sflag:s25], $0x1  }
0xb1: {  	[sflag:s25] =	ssyncadd.s32 $0xFFFFFFFF  }
0xb2: {  	_ =	strace $0x90000048  }
0xb3: {  	_ =	strace $0x80000049;
	[dreg:$0x1] =	wrdreg $0xFFFFFFFF  }
0xb4: {  	[dreg:$0x0] =	wrdreg $0x2030  }
0xb5: {  	[dreg:$0x2] =	wrdreg s20  }
0xb6: {  	[dreg:$0x3] =	wrdreg $0xA  }
0xb7: {  	_ =	task.clear_ibuf [dreg:s18], $0x4FFFF;
	_ =	strace $0x90000049  }
0xb8: {  	s26 =	simm.s32 $0xA;
	_ =	strace $0x8000004B  }
0xb9: {  	_ =	swait.ge [sflag:s26], $0x1  }
0xba: {  	[sflag:s26] =	ssyncadd.s32 $0xFFFFFFFF  }
0xbb: {  	_ =	strace $0x9000004B  }
0xbc: {  	_ =	sfence  }
0xbd: {  	s28 =	sld [smem:$0x0];
	_ =	sdelay $0x1  }
0xbe: {  	s29 =	srdreg.scid  }
0xbf: {  	s30 =	sshll.u32 s29, $0xD;
	s31 =	sshrl.u32 s29, $0x2  }
0xc0: {  	s2 =	sand.u32 $0x1, s29;
	s3 =	sand.u32 $0x4000, s30;
	s1 =	sadd.s32 s31, s28  }
0xc1: {  	s2 =	sor.u32 s3, s2;
	s1 =	sshll.u32 s1, $0x11  }
0xc2: {  	s1 =	sor.u32 s1, s2  }
0xc3: {  	s1 =	sadd.s32 $0x8F2B, s1  }
0xc4: {  	[sflag:s1] =	ssyncadd.remote.s32 $0x1  }
0xc5: {  	_ =	sfence.sel $0xFFFF  }
0xc6: {  	[dreg:$0x0] =	wrdreg $0xFFFFFFFF;
	(pc) =	sbr.abs _section_cstart, $3  }
0xc7: {  	[dreg:$0x1] =	wrdreg $0xFFFFFFFF  }
0xc8: {  	_ =	task.clear_ibuf [dreg:s18], $0x2FFFF;
	_ =	strace $0x9FFFFFFF  }
0xc9: {  	(tm) =	ssettm $0x7FFFFFFF  }
tec
execute0_lowered:
.L_overlay_start_1:
0x0: {  	(tag) =	ssettag $0x1  }
0x1: {  	s2 =	rddreg [dreg:$0x0]  }
0x2: {  	s4 =	rddreg [dreg:$0x1]  }
0x3: {  	s0 =	rddreg [dreg:$0x2];
	s3 =	stileid.u32  }
0x4: {  	[bflag:$0x3] =	sbarrier.arrive $0xFFFF;
	s1 =	simm.s32 $_size_execute1_lowered;
	p0 =	sne.s32 s3, $0x0  }
0x5: {  	s1 =	sshll.u32 s1, $0x1;
	s5 =	simm.s32 @!p0 $0x1C3F;
	s6 =	simm.s32 @!p0 $0x4060  }
0x6: {  	[timem:s6], [sflag:s5] =	dma.local @!p0 [hbm:s2], s1  }
0x7: {  	s2 =	smul.u32 $0x280, s3  }
.Ltmp0:
0x8: {  	s31 =	simm.s32 $0x2;
	s7 =	simm.s32 $0x280;
	(pc) =	sbr.rel .LBB2_1-.Ltmp0, $4  }
0x9: {  	s8 =	simm.s32 $0x780;
	s10 =	simm.s32 $0x0;
	s9 =	simm.s32 $0x0  }
0xa: {  	s3 =	simm.s32 $0x1;
	_ =	strace $0x80000047;
	s30 =	sshrl.u32 s2, $0x3  }
0xb: {  	s6 =	simm.s32 $0x0;
	[sflag:s3] =	ssyncpa.u1 $0x0;
	s5 =	sadd.s32 s30, s4  }
0xc: {  	s4 =	sadd.s32 $0x1FA00, s4;
	[sflag:s31] =	ssyncpa.u1 $0x0;
	s5 =	sadd.s32 $0x1F400, s5  }
.LBB2_8:
0xd: {  	p1 =	seq.s32 s9, $0x2  }
.Ltmp1:
0xe: {  	_ = 	snop;
	(pc) =	sbr.rel @p1 .LBB2_10-.Ltmp1, $1  }
0xf: {  	_ =	sdelay $0x3  }
.LBB2_9:
0x10: {  	s9 =	sadd.s32 $0x1, s9;
	s10 =	smov.u32 s2  }
.LBB2_1:
0x11: {  	p1 =	sne.s32 s9, $0x0  }
.Ltmp2:
0x12: {  	_ = 	snop;
	(pc) =	sbr.rel @!p1 .LBB2_2-.Ltmp2, $1  }
0x13: {  	_ =	sdelay $0x3  }
0x14: {  	s11 =	sand.u32 $0x1, s9  }
0x15: {  	p1 =	seq.s32 s11, $0x0  }
.Ltmp3:
0x16: {  	_ = 	snop;
	(pc) =	sbr.rel @p1 .LBB2_8-.Ltmp3, $1  }
0x17: {  	_ =	sdelay $0x3  }
0x18: {  	_ =	swait.ge [sflag:s3], $0x280  }
0x19: {  	[sflag:s3] =	ssyncset.done $0x0  }
0x1a: {  	s11 =	simm.s32 $0x0;
	p1 =	por $0x1, $0x1;
	[sflag:s3] =	ssyncadd.s32 $0xFFFFFD80  }
.LBB2_5:
0x1b: {  	v0 =	vld [tilespmem:s11+$0x280]  }
0x1c: {  	v1 =	vld [tilespmem:s11+$0x290]  }
0x1d: {  	v2 =	vld [tilespmem:s11+$0x2A0]  }
0x1e: {  	v3 =	vld [tilespmem:s11+$0x2B0]  }
0x1f: {  	v4 =	vld [tilespmem:s11+$0x2C0]  }
0x20: {  	v53 =	vld [tilespmem:s11+$0x2D0];
	[tilespmem:s11+$0x780] =	vst v0  }
0x21: {  	v54 =	vld [tilespmem:s11+$0x2E0];
	[tilespmem:s11+$0x790] =	vst v1  }
0x22: {  	v55 =	vld [tilespmem:s11+$0x2F0];
	[tilespmem:s11+$0x7A0] =	vst v2  }
0x23: {  	v56 =	vld [tilespmem:s11+$0x300];
	[tilespmem:s11+$0x7B0] =	vst v3  }
0x24: {  	v57 =	vld [tilespmem:s11+$0x310];
	[tilespmem:s11+$0x7C0] =	vst v4  }
0x25: {  	v58 =	vld [tilespmem:s11+$0x320];
	[tilespmem:s11+$0x7D0] =	vst v53  }
0x26: {  	v59 =	vld [tilespmem:s11+$0x330];
	[tilespmem:s11+$0x7E0] =	vst v54  }
0x27: {  	v60 =	vld [tilespmem:s11+$0x340];
	[tilespmem:s11+$0x7F0] =	vst v55  }
0x28: {  	v61 =	vld [tilespmem:s11+$0x350];
	[tilespmem:s11+$0x800] =	vst v56  }
0x29: {  	v62 =	vld [tilespmem:s11+$0x360];
	[tilespmem:s11+$0x810] =	vst v57  }
0x2a: {  	v63 =	vld [tilespmem:s11+$0x370];
	p2 =	por p1, p1;
	[tilespmem:s11+$0x820] =	vst v58  }
.Ltmp4:
0x2b: {  	[tilespmem:s11+$0x830] =	vst v59;
	(pc) =	sbr.rel @p2 .LBB2_5-.Ltmp4, $4  }
0x2c: {  	[tilespmem:s11+$0x840] =	vst v60  }
0x2d: {  	[tilespmem:s11+$0x850] =	vst v61  }
0x2e: {  	s12 =	simm.s32 $0x1F0;
	s13 =	simm.s32 $0x980;
	[tilespmem:s11+$0x860] =	vst v62  }
0x2f: {  	s14 =	simm.s32 $0x480;
	p1 =	por $0x0, $0x0;
	[tilespmem:s11+$0x870] =	vst v63;
	s11 =	simm.s32 $0x100  }
.LBB2_6:
0x30: {  	s12 =	sadd.s32 $0x10, s12  }
0x31: {  	v0 =	vld [tilespmem:s14+$0x0];
	p1 =	slt.u32 s12, $0x270  }
.Ltmp5:
0x32: {  	_ = 	snop;
	(pc) =	sbr.rel @p1 .LBB2_6-.Ltmp5, $2  }
0x33: {  	_ =	sdelay $0x2  }
0x34: {  	s14 =	sadd.s32 $0x10, s14;
	[tilespmem:s13+$0x0] =	vst v0;
	s13 =	sadd.s32 $0x10, s13  }
.Ltmp6:
0x35: {  	(pc) =	sbr.rel .LBB2_8-.Ltmp6, $4  }
0x36: {  	_ = 	snop  }
0x37: {  	s10 =	sshrl.u32 s10, $0x3  }
0x38: {  	s10 =	sadd.s32 s4, s10  }
0x39: {  	[hbm4b:s10+s6] =	stream.linear.scatter [tilespmem:s8], [sflag:$0x2], $0x280, $0x38;
	[tilespmem:$0xA00] =	vst v63  }
.LBB2_2:
.Ltmp7:
0x3a: {  	(pc) =	sbr.rel .LBB2_9-.Ltmp7, $2  }
0x3b: {  	_ =	sdelay $0x2  }
0x3c: {  	[tilespmem:s7], [sflag:$0x1] =	stream.linear.gather [hbm4b:s5+s6], $0x280, $0x38;
	[tilespmem:$0xA00] =	vst v63  }
.LBB2_10:
0x3d: {  	s2 =	simm.s32 $0x2  }
0x3e: {  	_ =	swait.ge [sflag:s2], $0x280  }
0x3f: {  	[sflag:s2] =	ssyncset.done $0x0  }
0x40: {  	[sflag:s2] =	ssyncadd.s32 $0xFFFFFD80  }
0x41: {  	_ =	sfence.sel $0x180000  }
0x42: {  	s3 =	simm.s32 $0x1;
	[bflag:$0x0] =	sbarrier.arrive $0xFFFF  }
0x43: {  	[sflag:s3] =	ssyncpa.u1 $0x1  }
0x44: {  	[sflag:s2] =	ssyncpa.u1 $0x1  }
0x45: {  	_ =	strace $0x90000047  }
0x46: {  	s0 =	sadd.s32 @!p0 $0x100000, s0;
	[bflag:$0x2] =	sbarrier.arrive $0xFFFF  }
0x47: {  	[sflag:s0] =	ssyncadd.tile.s32 @!p0 $0x1;
	s0 =	simm.s32 @!p0 $0x3F  }
0x48: {  	_ =	swait.ge @!p0 [sflag:s0], s1  }
0x49: {  	s1 =	ssub.s32 @!p0 $0x0, s1;
	[sflag:s0] =	ssyncset.done @!p0 $0x0  }
0x4a: {  	[sflag:s0] =	ssyncadd.s32 @!p0 s1  }
0x4b: {  	[bflag:$0x3] =	sbarrier.arrive $0xFFFF  }
0x4c: {  	_ =	shalt  }
.Lfunc_end2:
execute1_lowered:
.L_overlay_start_2:
0x4d: {  	(tag) =	ssettag $0x2  }
0x4e: {  	s0 =	rddreg [dreg:$0x0]  }
0x4f: {  	s6 =	stileid.u32;
	_ =	strace $0x8000004A;
	s2 =	simm.s32 $0x1  }
0x50: {  	v1 =	vimm.s32 $0xFFFFFFFF;
	s1 =	smin.u32 s6, $0x9;
	[sflag:s2] =	ssyncpa.u1 $0x0  }
0x51: {  	s1 =	sadd.s32 s6, s1;
	[tilespmem:$0x10] =	vst v1  }
0x52: {  	v0 =	vimm.f32 $0.0e+00;
	p0 =	slt.u32 s6, $0x9;
	[tilespmem:$0x20] =	vst v1;
	s3 =	smul.u32 $0x1A90, s1;
	s1 =	simm.s32 $0x3520  }
0x53: {  	[tilespmem:$0x30] =	vst v0;
	s1 =	simm.s32 @!p0 $0x1A90  }
0x54: {  	[tilespmem:$0x40] =	vst v0;
	s1 =	sadd.s32 s1, s3  }
0x55: {  	[tilespmem:$0x50] =	vst v0;
	s4 =	smin.u32 s1, $0x29810  }
0x56: {  	s7 =	simm.s32 $0x2;
	[tilespmem:$0x60] =	vst v1;
	s9 =	ssub.s32 s4, s3  }
0x57: {  	s8 =	simm.s32 $0x8;
	s31 =	simm.s32 $0x9;
	[tilespmem:$0x70] =	vst v1;
	p0 =	sgt.s32 s9, $0x0  }
0x58: {  	s16 =	simm.s32 $0x0;
	s17 =	simm.s32 $0xF0;
	[tilespmem:$0x80] =	vst v1;
	s9 =	simm.s32 @!p0 $0x0  }
0x59: {  	s18 =	simm.s32 $0xFFFFFFFF;
	s19 =	simm.s32 $0xFFFFCBE0;
	v1 =	vimm.s32 $0x0;
	[tilespmem:$0xB0] =	vst v0;
	s5 =	smulhi.u32 $0x134679AD, s9  }
0x5a: {  	s20 =	simm.s32 $0xFFFFFFFE;
	s21 =	simm.s32 $0xF;
	s25 =	simm.s32 $0x0;
	[tilespmem:$0x90] =	vst v1  }
0x5b: {  	[tilespmem:$0xA0] =	vst v1;
	[sflag:s7] =	ssyncpa.u1 $0x0;
	s7 =	simm.s32 $0x7;
	s10 =	sshrl.u32 s5, $0x9  }
0x5c: {  	s24 =	simm.s32 $0x0;
	[sflag:s7] =	ssyncpa.u1 $0x0;
	s11 =	smul.u32 $0x1A90, s10  }
0x5d: {  	s14 =	sshllo.u32 s6, $0x1;
	[sflag:s8] =	ssyncpa.u1 $0x0;
	s23 =	smov.u32 s3  }
.Ltmp8:
0x5e: {  	s1 =	sadd.s32 $0x1FA00, s0;
	p0 =	sne.s32 s9, s11;
	(pc) =	sbr.rel .LBB3_1-.Ltmp8, $4  }
0x5f: {  	s5 =	sadd.s32 $0x14C00, s0;
	s0 =	sadd.s32 $0x1A000, s0;
	s2 =	simm.s32 @!p0 $0x0  }
0x60: {  	[sflag:s31] =	ssyncpa.u1 $0x0;
	[dreg:$0x2] =	wrdreg s0;
	s9 =	sadd.s32 s2, s10  }
0x61: {  	vm0 =	vmmov $0xffff;
	v2 =	vlaneseq.u32;
	p0 =	por $0x0, $0x0;
	s10 =	sshll.u32 s6, $0x1;
	s11 =	sadd.s32 $0x1, s9  }
0x62: {  	vm1 =	vmxor vm1, vm1;
	vm2 =	vmmov $0x1;
	vm3 =	vcmask $0x3F3C;
	s12 =	sadd.s32 $0x2, s9;
	s13 =	sor.u32 $0x81, s10;
	s15 =	sor.u32 $0x80, s10  }
.LBB3_9:
0x63: {  	p1 =	slt.u32 s24, $0x3  }
0x64: {  	s0 =	simm.s32 @!p1 $0x2  }
0x65: {  	_ =	swait.ge @!p1 [sflag:s0], $0x1A90  }
0x66: {  	[sflag:s0] =	ssyncset.done @!p1 $0x0  }
0x67: {  	[sflag:s0] =	ssyncadd.s32 @!p1 $0xFFFFE570;
	s0 =	simm.s32 @!p1 $0x9  }
0x68: {  	_ =	swait.ge @!p1 [sflag:s0], $0x10  }
0x69: {  	[sflag:s0] =	ssyncset.done @!p1 $0x0  }
0x6a: {  	[sflag:s0] =	ssyncadd.s32 @!p1 $0xFFFFFFF0;
	p1 =	sne.s32 s24, s12  }
.Ltmp9:
0x6b: {  	s2 =	sadd.s32 $0x1A90, s23;
	(pc) =	sbr.rel @!p1 .LBB3_10-.Ltmp9, $4  }
0x6c: {  	s6 =	smov.u32 s3;
	s31 =	sadd.s32 $0x1, s24;
	s17 =	sadd.s32 $0x1A90, s17  }
0x6d: {  	s18 =	sadd.s32 $0x1, s18;
	s25 =	smov.u32 s23;
	p2 =	slt.s32 s2, s4  }
0x6e: {  	p0 =	por !p0, !p0;
	s19 =	sadd.s32 $0x1A90, s19;
	s6 =	smov.u32 @p2 s2  }
0x6f: {  	s20 =	sadd.s32 $0x1, s20;
	s23 =	smov.u32 s6;
	s24 =	smov.u32 s31  }
.LBB3_1:
0x70: {  	p1 =	sge.u32 s24, s9  }
0x71: {  	s0 =	smulhi.u32 @!p1 $0xAAAAAAAB, s24;
	_ =	sdelay $0x1  }
0x72: {  	s0 =	sshrl.u32 @!p1 s0, $0x1  }
0x73: {  	s0 =	smul.u32 @!p1 $0x3, s0;
	_ =	sdelay $0x1  }
0x74: {  	s0 =	ssub.s32 @!p1 s24, s0  }
0x75: {  	s0 =	smul.u32 @!p1 $0x6A40, s0;
	_ =	sdelay $0x1  }
0x76: {  	s2 =	sshrl.u32 @!p1 s23, $0x3;
	s0 =	sshrl.u32 @!p1 s0, $0x2  }
0x77: {  	s22 =	sand.u32 @!p1 $0x7, s23;
	s2 =	sadd.s32 @!p1 s5, s2;
	s0 =	sadd.s32 @!p1 $0x100, s0  }
0x78: {  	[tilespmem:s0], [sflag:$0x7] =	stream.linear.gather @!p1 [hbm4b:s2+s22], $0x1A90, $0x38;
	[tilespmem:$0xF030] =	vst v63  }
0x79: {  	s0 =	sadd.s32 $0xFFFFFFFF, s24  }
0x7a: {  	p1 =	sge.u32 s0, s9  }
.Ltmp10:
0x7b: {  	_ = 	snop;
	(pc) =	sbr.rel @p1 .LBB3_5-.Ltmp10, $1  }
0x7c: {  	_ =	sdelay $0x3  }
0x7d: {  	s2 =	smulhi.u32 $0xAAAAAAAB, s0;
	_ =	sdelay $0x1  }
0x7e: {  	s2 =	sshrl.u32 s2, $0x1  }
0x7f: {  	s2 =	smul.u32 $0x3, s2;
	_ =	sdelay $0x1  }
0x80: {  	s2 =	ssub.s32 s0, s2  }
0x81: {  	s2 =	smul.u32 $0x6A40, s2  }
0x82: {  	_ =	swait.ge [sflag:s7], $0x1A90  }
0x83: {  	[sflag:s7] =	ssyncset.done $0x0;
	s2 =	sshrl.u32 s2, $0x2  }
0x84: {  	[sflag:s7] =	ssyncadd.s32 $0xFFFFE570;
	(ifvalue) =	ssetifvalue $0xFFFFFFFF;
	v3 =	vld.msk [tilespmem:s2+$0x100 ss:$0x1], $0xffff;
	_ =	sdelay $0x2  }
0x85: {  	s30 =	smulhi.u32 $0xAAAAAAAB, s18;
	p1 =	sne.s32 s24, $0x1  }
0x86: {  	v4 =	vimm.s32 @!p1 $0x0  }
0x87: {  	s2 =	sshrl.u32 s30, $0x1;
	v4 =	vperm.xlane @!p1 v3, v4  }
0x88: {  	s22 =	sshll.u32 s24, $0x4;
	s2 =	smul.u32 $0xFFFEC140, s2;
	vm4 =	vlt.u32 v3, $0x2800  }
0x89: {  	s22 =	sand.u32 $0x10, s22;
	v3 =	vnsel vm4, $0xFFFFFFFE, v3;
	vm4 =	vlt.u32 @!p1 v4, $0x2800  }
0x8a: {  	s2 =	sshra.s32 s2, $0x2;
	[tilespmem:s22+$0x60] =	vst v3;
	v3 =	vnsel @!p1 vm4, $0xFFFFFFFE, v4  }
0x8b: {  	s28 =	sadd.s32 s2, s17;
	[tilespmem:$0x80] =	vst @!p1 v3  }
0x8c: {  	v3 =	vld.msk [tilespmem:s28+$0x0 ss:$0x1], $0xffff;
	_ =	sdelay $0x4  }
0x8d: {  	(xrf1) =	vunique.msk.u32 $0xffff, v3;
	_ =	sdelay $0xd  }
0x8e: {  	v4 =	vimm.s32 $0xFFFFFFFF;
	v5, _, _ =	vpop (xrf1)  }
0x8f: {  	vm5 =	vne.s32 v3, v4;
	vm4 =	veq.s32 v5, v2  }
0x90: {  	vm6 =	vlt.u32 v3, $0x2800;
	vm4 =	vmand vm5, vm4  }
0x91: {  	vm4 =	vmand vm6, vm4  }
0x92: {  	v4 =	vnsel vm4, $0xFFFFFFFF, v3  }
0x93: {  	s31 =	sand.u32 $0x1, s0  }
0x94: {  	s0 =	simm.s32 $0x1A90;
	p1 =	seq.s32 s31, $0x1  }
0x95: {  	s0 =	simm.s32 @!p1 $0x0  }
0x96: {  	s26 =	sadd.s32 $0x6B30, s0;
	(ifvalue) =	ssetifvalue $0xFFFFFFFF  }
0x97: {  	v3 =	vperm.xlane v3, v1;
	[tilespmem:s26], [sflag:$0x8] =	stream.indirect_vreg.gather [hbm4b:s1+s16], $0x1, v4, vm0, $0x4038;
	v4 =	vnsel vm6, $0xFFFFFFFE, v4;
	[tilespmem:$0xF030] =	vst v63  }
0x98: {  	s2 =	simm.s32 $0x0;
	s22 =	sadd.s32 $0xFFFFFFF0, s28;
	[tilespmem:s28+$0x0] =	vst v4  }
.LBB3_3:
0x99: {  	v4 =	vld.msk [tilespmem:s22+$0x0 ss:$0x1], $0xffff;
	s2 =	sadd.s32 $0x10, s2;
	v5 =	vmov v3;
	s28 =	smov.u32 s22  }
0x9a: {  	p1 =	slt.u32 s2, $0x1A80;
	_ =	sdelay $0x4  }
0x9b: {  	v3 =	vperm.xlane v4, v1;
	(xrf1) =	vunique.msk.u32 $0xffff, v4;
	_ =	sdelay $0xd  }
0x9c: {  	v6, _, _ =	vpop (xrf1)  }
0x9d: {  	vm5 =	vne.s32 v4, v5;
	vm4 =	veq.s32 v6, v2  }
0x9e: {  	vm6 =	vlt.u32 v4, $0x2800;
	vm4 =	vmand vm5, vm4  }
0x9f: {  	vm4 =	vmand vm6, vm4  }
0xa0: {  	v4 =	vnsel vm4, $0xFFFFFFFF, v4  }
.Ltmp11:
0xa1: {  	v5 =	vnsel vm6, $0xFFFFFFFE, v4;
	(pc) =	sbr.rel @p1 .LBB3_3-.Ltmp11, $3  }
0xa2: {  	_ =	sdelay $0x1  }
0xa3: {  	s22 =	sadd.s32 $0xFFFFFFF0, s22;
	s26 =	sadd.s32 $0xFFFFFFF0, s26;
	(ifvalue) =	ssetifvalue $0xFFFFFFFF  }
0xa4: {  	[tilespmem:s26], [sflag:$0x8] =	stream.indirect_vreg.gather [hbm4b:s1+s16], $0x1, v4, vm0, $0x4038;
	[tilespmem:s28+$0x0] =	vst v5  }
0xa5: {  	s2 =	sshrl.u32 s25, $0x3;
	s6 =	rddreg [dreg:$0x2]  }
0xa6: {  	s0 =	sadd.s32 $0x85D0, s0;
	s2 =	sadd.s32 s6, s2  }
0xa7: {  	[tilespmem:s0], [sflag:$0x8] =	stream.linear.gather [hbm:s2], $0x1A90, $0x38;
	[tilespmem:$0xF030] =	vst v63  }
.LBB3_5:
0xa8: {  	p1 =	slt.u32 s24, $0x2  }
0xa9: {  	p2 =	sge.u32 @!p1 s24, s12  }
0xaa: {  	p1 =	por p1, p2  }
.Ltmp12:
0xab: {  	_ = 	snop;
	(pc) =	sbr.rel @p1 .LBB3_9-.Ltmp12, $1  }
0xac: {  	_ =	sdelay $0x3  }
0xad: {  	s0 =	sadd.s32 $0xFFFFFFFE, s24  }
0xae: {  	s2 =	smulhi.u32 $0xAAAAAAAB, s0;
	_ =	sdelay $0x1  }
0xaf: {  	s2 =	sshrl.u32 s2, $0x1  }
0xb0: {  	s2 =	smul.u32 $0x3, s2;
	_ =	sdelay $0x1  }
0xb1: {  	s0 =	ssub.s32 s0, s2  }
0xb2: {  	_ =	swait.ge [sflag:s8], $0x3520;
	s0 =	smul.u32 $0x1A90, s0  }
0xb3: {  	p1 =	sne.s32 s24, s11;
	[sflag:s8] =	ssyncset.done $0x0  }
0xb4: {  	[sflag:s8] =	ssyncadd.s32 $0xFFFFCAE0;
	s2 =	sadd.s32 @!p1 $0x1B8F, s0  }
0xb5: {  	[spmem:s13] =	stream.linear.scatter @!p1 [tilespmem:s2], [sflag:$0x1], $0x1, $0x38;
	[tilespmem:$0xF030] =	vst v63  }
0xb6: {  	s2 =	simm.s32 @!p1 $0x1  }
0xb7: {  	_ =	swait.ge @!p1 [sflag:s2], $0x1  }
0xb8: {  	s22 =	sshll.u32 s24, $0x4;
	[sflag:s2] =	ssyncset.done @!p1 $0x0  }
0xb9: {  	s25 =	sand.u32 $0x10, s22;
	[sflag:s2] =	ssyncadd.s32 @!p1 $0xFFFFFFFF  }
0xba: {  	s2 =	sxor.u32 $0x10, s25;
	v4 =	vld [tilespmem:s25+$0x10]  }
0xbb: {  	v5 =	vld [tilespmem:s2+$0x60]  }
0xbc: {  	v3 =	vld [tilespmem:$0x80];
	_ =	sdelay $0x2  }
0xbd: {  	(v2sf) =	vpush v4, $0x0  }
0xbe: {  	(v2sf) =	vpush v5, $0x0  }
0xbf: {  	(v2sf) =	vpush v3, $0x0;
	_ =	sdelay $0xc  }
0xc0: {  	s6 =	spop (v2sf)  }
0xc1: {  	s28 =	spop (v2sf)  }
0xc2: {  	s26 =	spop (v2sf)  }
0xc3: {  	p2 =	seq.s32 s6, s28;
	p3 =	seq.s32 s26, s6  }
0xc4: {  	p3 =	por p2, p3  }
0xc5: {  	s6 =	sand.u32 $0x1, s24;
	v4 =	vpsel p3, $0xFFFFFFFF, v4  }
0xc6: {  	s28 =	smul.u32 $0x1A90, s6;
	[tilespmem:s25+$0x10] =	vst.msk $0x1, v4  }
0xc7: {  	v4 =	vld [tilespmem:$0x30]  }
0xc8: {  	v5 =	vld [tilespmem:s28+$0x85D0]  }
0xc9: {  	v6 =	vld [tilespmem:s25+$0x40];
	_ =	sdelay $0x3  }
0xca: {  	vm4 =	vmmov vm1;
	v5 =	vadd.f32 v5, v4  }
0xcb: {  	vm5 =	vmmov vm2;
	vm4 =	vmmov @p2 vm2;
	v4 =	vadd.f32 v6, v4  }
0xcc: {  	s22 =	sshll.u32 s6, $0x4;
	vm5 =	vmmov @p3 vm1;
	[tilespmem:s28+$0x85D0] =	vst.msk vm4, v5  }
0xcd: {  	[tilespmem:s22+$0xF010] =	vst.msk vm5, v4  }
0xce: {  	v4 =	vld [tilespmem:s28+$0x6B30];
	_ =	sdelay $0x3  }
0xcf: {  	v5 =	vimm.f32 $0.0e+00  }
0xd0: {  	v4 =	vshift.insert v4, v5, s21  }
0xd1: {  	s29 =	sor.u32 $0x40, s2  }
0xd2: {  	[tilespmem:s29+$0x0] =	vst.msk $0x1, v4  }
0xd3: {  	[tilespmem:s28+$0x6B3F] =	vst.msk $0x1, v5  }
0xd4: {  	v4 =	vld [tilespmem:s0+$0x1B80];
	_ =	sdelay $0x1  }
0xd5: {  	s29 =	smulhi.u32 $0xAAAAAAAB, s20;
	s0 =	simm.s32 $0x1  }
0xd6: {  	s0 =	simm.s32 @!p0 $0x0  }
0xd7: {  	s29 =	sshrl.u32 s29, $0x1;
	s0 =	smul.u32 $0x6A40, s0  }
0xd8: {  	s29 =	smul.u32 $0xFFFEC140, s29;
	v4 =	vshift.insert v4, v1, s21  }
0xd9: {  	s0 =	sshrl.u32 s0, $0x2  }
0xda: {  	s29 =	sshra.s32 s29, $0x2;
	s30 =	sadd.s32 $0x85D0, s0;
	[tilespmem:s2+$0x10] =	vst.msk $0x1, v4  }
0xdb: {  	s6 =	sadd.s32 s29, s19;
	v6 =	vld [tilespmem:s30+$0x0]  }
0xdc: {  	v7 =	vld [tilespmem:s6+$0x0];
	_ =	sdelay $0x3  }
0xdd: {  	v5 =	vadd.f32 v6, v5  }
0xde: {  	vm4 =	vne.s32 v7, $0xFFFFFFFF  }
0xdf: {  	(xrf2) =	vadd.seg.scan.f32 vm4, v5;
	_ =	sdelay $0x3  }
0xe0: {  	s31 =	sadd.s32 $0x50B0, s0;
	v5 =	vperm.xlane v4, v1  }
0xe1: {  	v6 =	vld [tilespmem:s31+$0x0]  }
0xe2: {  	vm5 =	veq.s32 v7, v3;
	vm6 =	veq.s32 v7, v5  }
0xe3: {  	vm7 =	vgt.u32 v7, $0xFFFFFFFD;
	vm6 =	vmor vm6, vm5  }
0xe4: {  	vm6 =	vmor vm6, vm7  }
0xe5: {  	v9 =	vld [tilespmem:$0xA0];
	v7 =	vsel vm6, $0xFFFFFFFF, v7  }
0xe6: {  	v10 =	vld [tilespmem:$0x90];
	v6 =	vsel vm5, $0x0, v6;
	v8, _, _ =	vpop (xrf2)  }
0xe7: {  	v6 =	vadd.f32 v8, v6  }
0xe8: {  	s0 =	sadd.s32 $0xBAF0, s0  }
0xe9: {  	vm4 =	vmand vm4, vm3;
	[tilespmem:s0+$0x0] =	vst v6;
	(ifvalue) =	ssetifvalue $0xFFFFFFFF  }
0xea: {  	vm6 =	veq.s32 v9, $0x1;
	[hbm4b:s1+s16] =	stream.indirect_vreg.scatter [tilespmem:s0], [sflag:$0x2], $0x1, v7, vm0, $0x4038;
	v7 =	vsel vm4, $0x0, v8;
	[tilespmem:$0xF030] =	vst v63  }
0xeb: {  	s29 =	sadd.s32 $0xF010, s22;
	s22 =	sadd.s32 $0x10, s6;
	s2 =	simm.s32 $0x0;
	vm4 =	vmor vm6, vm5;
	v6 =	vsel vm5, v8, v10;
	v7 =	vshift.insert v7, v0, s21  }
.LBB3_7:
0xec: {  	v8 =	vld [tilespmem:s22+$0x0];
	s30 =	sadd.s32 $0x10, s30  }
0xed: {  	s31 =	sadd.s32 $0x10, s31;
	v9 =	vld [tilespmem:s30+$0x0]  }
0xee: {  	s2 =	sadd.s32 $0x10, s2;
	v10 =	vld [tilespmem:s31+$0x0]  }
0xef: {  	p2 =	slt.u32 s2, $0x1A80;
	_ =	sdelay $0x2  }
0xf0: {  	v7 =	vadd.f32 v9, v7  }
0xf1: {  	vm5 =	vne.s32 v8, $0xFFFFFFFF  }
0xf2: {  	vm6 =	vmand vm5, vm3;
	(xrf2) =	vadd.seg.scan.f32 vm5, v7;
	_ =	sdelay $0x5  }
0xf3: {  	vm7 =	veq.s32 v8, v5;
	vm5 =	veq.s32 v8, v3  }
0xf4: {  	vm8 =	vgt.u32 v8, $0xFFFFFFFD;
	vm4 =	vmor vm4, vm5;
	vm7 =	vmor vm7, vm5  }
0xf5: {  	vm7 =	vmor vm7, vm8  }
0xf6: {  	v8 =	vsel vm7, $0xFFFFFFFF, v8  }
.Ltmp13:
0xf7: {  	v7 =	vsel vm5, $0x0, v10;
	v9, _, _ =	vpop (xrf2);
	(pc) =	sbr.rel @p2 .LBB3_7-.Ltmp13, $4  }
0xf8: {  	v6 =	vsel vm5, v9, v6;
	v10 =	vadd.f32 v9, v7;
	v7 =	vsel vm6, $0x0, v9  }
0xf9: {  	s0 =	sadd.s32 $0x10, s0;
	v7 =	vshift.insert v7, v0, s21  }
0xfa: {  	s22 =	sadd.s32 $0x10, s22;
	[tilespmem:s0+$0x0] =	vst v10;
	(ifvalue) =	ssetifvalue $0xFFFFFFFF  }
0xfb: {  	[hbm4b:s1+s16] =	stream.indirect_vreg.scatter [tilespmem:s0], [sflag:$0x2], $0x1, v8, vm0, $0x4038;
	[tilespmem:$0xF030] =	vst v63  }
0xfc: {  	v3 =	vld [tilespmem:s28+$0xD570];
	_ =	sdelay $0x4  }
0xfd: {  	v3 =	vshift.insert v3, v0, s21  }
0xfe: {  	s0 =	simm.s32 $0x30  }
0xff: {  	[tilespmem:s0+$0x0] =	vst.msk $0x1, v3  }
0x100: {  	v3 =	vsel vm4, $0x1, v1;
	[tilespmem:$0x90] =	vst v6  }
0x101: {  	s0 =	sadd.s32 @!p1 $0xD57F, s28;
	[tilespmem:$0xA0] =	vst v3  }
0x102: {  	[spmem:s14] =	stream.linear.scatter @!p1 [tilespmem:s0], [sflag:$0x1], $0x1, $0x38;
	[tilespmem:$0xF030] =	vst v63  }
0x103: {  	s0 =	simm.s32 @!p1 $0x1  }
0x104: {  	v3 =	vmctz.xlane @!p1 vm4;
	_ =	swait.ge @!p1 [sflag:s0], $0x1  }
0x105: {  	(v2sf) =	vpush @!p1 v4, $0x0  }
0x106: {  	(v2sf) =	vpush @!p1 v3, $0x0;
	_ =	sdelay $0xd  }
0x107: {  	s2 =	spop @!p1 (v2sf)  }
0x108: {  	s6 =	spop @!p1 (v2sf)  }
0x109: {  	p2 =	sne.s32 @!p1 s26, s2;
	p3 =	slt.s32 @!p1 s6, $0xF  }
0x10a: {  	[sflag:s0] =	ssyncset.done @!p1 $0x0;
	p2 =	por p2, p1;
	p3 =	por !p3, p1  }
0x10b: {  	[sflag:s0] =	ssyncadd.s32 @!p1 $0xFFFFFFFF;
	v3 =	vimm.s32 @!p2 $0xFFFFFFFF;
	s6 =	simm.s32 @p3 $0xF  }
0x10c: {  	[tilespmem:$0x80] =	vst @!p2 v3;
	s2 =	sadd.s32 @!p1 $0x90, s6  }
0x10d: {  	[spmem:s10] =	stream.linear.scatter @!p1 [tilespmem:s2], [sflag:$0x1], $0x1, $0x38;
	[tilespmem:$0xF030] =	vst v63  }
0x10e: {  	_ =	swait.ge @!p1 [sflag:s0], $0x1  }
0x10f: {  	[sflag:s0] =	ssyncset.done @!p1 $0x0  }
0x110: {  	s2 =	simm.s32 @!p1 $0x80;
	[sflag:s0] =	ssyncadd.s32 @!p1 $0xFFFFFFFF  }
0x111: {  	[spmem:s15] =	stream.linear.scatter @!p1 [tilespmem:s2], [sflag:$0x1], $0x1, $0x38;
	[tilespmem:$0xF030] =	vst v63  }
0x112: {  	_ =	swait.ge @!p1 [sflag:s0], $0x1  }
0x113: {  	[sflag:s0] =	ssyncset.done @!p1 $0x0  }
0x114: {  	[sflag:s0] =	ssyncadd.s32 @!p1 $0xFFFFFFFF;
	(ifvalue) =	ssetifvalue $0xFFFFFFFF;
	v3 =	vld [tilespmem:s25+$0x10];
	_ =	sdelay $0x3  }
.Ltmp14:
0x115: {  	_ = 	snop;
	(pc) =	sbr.rel .LBB3_9-.Ltmp14, $3  }
0x116: {  	_ =	sdelay $0x1  }
0x117: {  	(ifvalue) =	ssetifvalue $0xFFFFFFFF  }
0x118: {  	[hbm4b:s1+s16] =	stream.indirect_vreg.scatter [tilespmem:s29], [sflag:$0x9], $0x1, v3, vm0, $0x4038;
	[tilespmem:$0xF030] =	vst v63  }
.LBB3_10:
0x119: {  	_ =	sfence.sel $0x180000  }
0x11a: {  	s0 =	simm.s32 $0x7;
	[bflag:$0x0] =	sbarrier.arrive $0xFFFF  }
0x11b: {  	s26 =	simm.s32 $0x8;
	[sflag:s0] =	ssyncpa.u1 $0x1  }
0x11c: {  	s28 =	simm.s32 $0x9;
	[sflag:s26] =	ssyncpa.u1 $0x1  }
0x11d: {  	[sflag:s28] =	ssyncpa.u1 $0x1  }
0x11e: {  	_ =	sfence.stream.spmem  }
0x11f: {  	s29 =	simm.s32 $0x3;
	[bflag:$0x0] =	sbarrier.arrive $0xFFFF  }
0x120: {  	s30 =	simm.s32 $0x4;
	[sflag:s29] =	ssyncpa.u1 $0x1  }
0x121: {  	s31 =	simm.s32 $0x3C;
	s2 =	stileid.u32;
	[sflag:s30] =	ssyncpa.u1 $0x1  }
0x122: {  	p0 =	sne.s32 s2, $0x0;
	[sflag:s31] =	ssyncpa.u1 $0x1  }
0x123: {  	s0 =	simm.s32 @p0 $0x1;
	_ =	sfence @p0  }
0x124: {  	[sflag:s0] =	ssyncpa.u1 @p0 $0x1;
	s0 =	simm.s32 @p0 $0x2  }
0x125: {  	[sflag:s0] =	ssyncpa.u1 @p0 $0x1  }
0x126: {  	_ =	strace @p0 $0x9000004A  }
0x127: {  	[bflag:$0x2] =	sbarrier.arrive @p0 $0xFFFF  }
0x128: {  	_ =	shalt @p0  }
.LBB3_11:
0x129: {  	_ =	sfence.stream.spmem;
	s0 =	simm.s32 $0x5  }
0x12a: {  	s2 =	simm.s32 $0x80;
	s3 =	simm.s32 $0xC0;
	[sflag:s0] =	ssyncpa.u1 $0x0  }
0x12b: {  	[tilespmem:s3], [sflag:$0x5] =	stream.linear.gather [spmem:s2], $0x20, $0x38;
	[tilespmem:$0xF030] =	vst v63  }
0x12c: {  	s2 =	simm.s32 $0x0;
	s3 =	simm.s32 $0xE0  }
0x12d: {  	[tilespmem:s3], [sflag:$0x5] =	stream.linear.gather [spmem:s2], $0x20, $0x38;
	[tilespmem:$0xF030] =	vst v63  }
.Ltmp15:
0x12e: {  	_ = 	snop;
	(pc) =	sbr.rel .LBB3_12-.Ltmp15, $4  }
0x12f: {  	_ =	swait.ge [sflag:s0], $0x40  }
0x130: {  	[sflag:s0] =	ssyncset.done $0x0  }
0x131: {  	s31 =	simm.s32 $0x6;
	[sflag:s0] =	ssyncadd.s32 $0xFFFFFFC0  }
0x132: {  	s4 =	simm.s32 $0x0;
	[sflag:s31] =	ssyncpa.u1 $0x0  }
.LBB3_17:
0x133: {  	p0 =	sgt.u32 s5, $0x27FF  }
0x134: {  	s0 =	sshrl.u32 @!p0 s5, $0x3  }
0x135: {  	s5 =	sand.u32 @!p0 $0x7, s5;
	s6 =	simm.s32 @!p0 $0xB0;
	s0 =	sadd.s32 @!p0 s1, s0  }
0x136: {  	[tilespmem:s6], [sflag:$0x6] =	stream.linear.gather @!p0 [hbm4b:s0+s5], $0x1, $0x38;
	[tilespmem:$0xF030] =	vst v63  }
0x137: {  	s0 =	simm.s32 @!p0 $0x6  }
0x138: {  	_ =	swait.ge @!p0 [sflag:s0], $0x1  }
0x139: {  	[sflag:s0] =	ssyncset.done @!p0 $0x0  }
0x13a: {  	[sflag:s0] =	ssyncadd.s32 @!p0 $0xFFFFFFFF  }
0x13b: {  	v2 =	vmov @!p0 s4;
	v1 =	vld.msk @!p0 [tilespmem:$0xB0], $0x1;
	_ =	sdelay $0x3  }
0x13c: {  	s0 =	simm.s32 @!p0 $0xE0  }
0x13d: {  	[tilespmem:v2+s0+$0x0], v1 =	vst.idx.ret.add.f32.msk @!p0 $0x1, v1  }
0x13e: {  	[tilespmem:s2+$0xC0] =	vst.msk $0x1, v0  }
0x13f: {  	v0 =	vld.msk [tilespmem:s4+$0xE0], $0x1;
	_ =	sdelay $0x4  }
0x140: {  	[tilespmem:s2+$0xE0] =	vst.msk $0x1, v0;
	s2 =	sadd.s32 $0x1, s2  }
.LBB3_19:
0x141: {  	s4 =	sadd.s32 $0x1, s4  }
0x142: {  	p0 =	sne.s32 s4, $0x20  }
.Ltmp16:
0x143: {  	_ = 	snop;
	(pc) =	sbr.rel @!p0 .LBB3_20-.Ltmp16, $1  }
0x144: {  	_ =	sdelay $0x3  }
.LBB3_12:
0x145: {  	v0 =	vld.msk [tilespmem:s4+$0xC0], $0x1;
	_ =	sdelay $0x4  }
0x146: {  	(v2sf) =	vpush v0, $0x0;
	_ =	sdelay $0xe  }
0x147: {  	s5 =	spop (v2sf)  }
0x148: {  	p0 =	seq.s32 s5, $0xFFFFFFFF  }
.Ltmp17:
0x149: {  	_ = 	snop;
	(pc) =	sbr.rel @p0 .LBB3_19-.Ltmp17, $1  }
0x14a: {  	_ =	sdelay $0x3  }
0x14b: {  	p0 =	slt.s32 s2, $0x1  }
.Ltmp18:
0x14c: {  	_ = 	snop;
	(pc) =	sbr.rel @p0 .LBB3_17-.Ltmp18, $1  }
0x14d: {  	_ =	sdelay $0x3  }
0x14e: {  	s0 =	simm.s32 $0xC0;
	p0 =	por $0x0, $0x0  }
0x14f: {  	v1 =	vld.msk @!p0 [tilespmem:s0+$0x0], $0x1;
	_ =	sdelay $0x4  }
0x150: {  	(v2sf) =	vpush @!p0 v1, $0x0;
	_ =	sdelay $0xd  }
0x151: {  	p2 =	sne.s32 s2, $0x1  }
.Ltmp19:
0x152: {  	s6 =	spop @!p0 (v2sf);
	(pc) =	sbr.rel @!p2 .LBB3_16-.Ltmp19, $4  }
0x153: {  	p1 =	seq.s32 @!p0 s5, s6  }
0x154: {  	s6 =	simm.s32 $0x0;
	p1 =	por !p1, p0  }
0x155: {  	s8 =	simm.s32 $0xFFFFFFFF;
	s6 =	simm.s32 @p1 $0xFFFFFFFF  }
0x156: {  	s7 =	simm.s32 $0x1;
	s6 =	smov.u32 @p0 s8  }
.LBB3_15:
0x157: {  	s8 =	smov.u32 s6;
	p0 =	sne.s32 s6, $0xFFFFFFFF  }
0x158: {  	s0 =	sadd.s32 $0x1, s0;
	s6 =	smov.u32 s7;
	s7 =	sadd.s32 $0x1, s7  }
0x159: {  	p1 =	sne.s32 s2, s7;
	v1 =	vld.msk @!p0 [tilespmem:s0+$0x0], $0x1;
	_ =	sdelay $0x4  }
0x15a: {  	(v2sf) =	vpush @!p0 v1, $0x0;
	_ =	sdelay $0xe  }
.Ltmp20:
0x15b: {  	s9 =	spop @!p0 (v2sf);
	(pc) =	sbr.rel @p1 .LBB3_15-.Ltmp20, $4  }
0x15c: {  	p2 =	seq.s32 @!p0 s5, s9  }
0x15d: {  	p2 =	por !p2, p0  }
0x15e: {  	s6 =	simm.s32 @p2 $0xFFFFFFFF  }
0x15f: {  	s6 =	smov.u32 @p0 s8  }
.LBB3_16:
0x160: {  	p0 =	sne.s32 s6, $0xFFFFFFFF  }
.Ltmp21:
0x161: {  	_ = 	snop;
	(pc) =	sbr.rel @!p0 .LBB3_17-.Ltmp21, $1  }
0x162: {  	_ =	sdelay $0x3  }
0x163: {  	v0 =	vld.msk [tilespmem:s4+$0xE0], $0x1;
	v1 =	vmov s6  }
.Ltmp22:
0x164: {  	_ = 	snop;
	(pc) =	sbr.rel .LBB3_19-.Ltmp22, $2  }
0x165: {  	_ =	sdelay $0x2  }
0x166: {  	[tilespmem:v1+s3+$0x0], v0 =	vst.idx.ret.add.f32.msk $0x1, v0  }
.LBB3_20:
0x167: {  	p0 =	slt.s32 s2, $0x1  }
.Ltmp23:
0x168: {  	_ = 	snop;
	(pc) =	sbr.rel @p0 .LBB3_24-.Ltmp23, $3  }
0x169: {  	_ =	sdelay $0x1  }
0x16a: {  	s0 =	simm.s32 $0x6  }
0x16b: {  	s3 =	simm.s32 $0x0;
	[sflag:s0] =	ssyncpa.u1 $0x1  }
0x16c: {  	s0 =	simm.s32 $0xC0  }
0x16d: {  	v0 =	vld.msk [tilespmem:s0+$0x0], $0x1;
	_ =	sdelay $0x4  }
0x16e: {  	(v2sf) =	vpush v0, $0x0;
	_ =	sdelay $0xe  }
0x16f: {  	s2 =	sadd.s32 $0xFFFFFFFF, s2;
	s4 =	spop (v2sf)  }
0x170: {  	p1 =	sne.s32 s2, $0x0;
	p0 =	sgt.u32 s4, $0x27FF  }
.Ltmp24:
0x171: {  	s5 =	sshrl.u32 @!p0 s4, $0x3;
	(pc) =	sbr.rel @!p1 .LBB3_23-.Ltmp24, $4  }
0x172: {  	s0 =	simm.s32 $0xE0;
	s4 =	sand.u32 @!p0 $0x7, s4;
	s5 =	sadd.s32 @!p0 s1, s5  }
0x173: {  	[hbm4b:s5+s4] =	stream.linear.scatter @!p0 [tilespmem:s0], [sflag:$0x5], $0x1, $0x38;
	[tilespmem:$0xF030] =	vst v63  }
0x174: {  	s5 =	simm.s32 $0x0  }
0x175: {  	s4 =	simm.s32 $0xC1;
	s5 =	simm.s32 @!p0 $0x4  }
.LBB3_22:
0x176: {  	v0 =	vld.msk [tilespmem:s4+$0x0], $0x1;
	s2 =	sadd.s32 $0xFFFFFFFF, s2;
	s3 =	sadd.s32 s3, s5  }
0x177: {  	p0 =	sne.s32 s2, $0x0;
	_ =	sdelay $0x3  }
0x178: {  	(v2sf) =	vpush v0, $0x0;
	_ =	sdelay $0xe  }
.Ltmp25:
0x179: {  	s6 =	spop (v2sf);
	(pc) =	sbr.rel @p0 .LBB3_22-.Ltmp25, $4  }
0x17a: {  	s5 =	simm.s32 $0x0;
	p1 =	sgt.u32 s6, $0x27FF  }
0x17b: {  	s0 =	sadd.s32 $0x1, s0;
	s5 =	simm.s32 @!p1 $0x4;
	s7 =	sshrl.u32 @!p1 s6, $0x3  }
0x17c: {  	s4 =	sadd.s32 $0x1, s4;
	s6 =	sand.u32 @!p1 $0x7, s6;
	s7 =	sadd.s32 @!p1 s1, s7  }
0x17d: {  	[hbm4b:s7+s6] =	stream.linear.scatter @!p1 [tilespmem:s0], [sflag:$0x5], $0x1, $0x38;
	[tilespmem:$0xF030] =	vst v63  }
.LBB3_23:
0x17e: {  	s0 =	sadd.s32 s3, s5  }
0x17f: {  	s3 =	sshrl.u32 s0, $0x2  }
.LBB3_24:
0x180: {  	s0 =	simm.s32 $0x5  }
0x181: {  	_ =	swait.ge [sflag:s0], s3  }
0x182: {  	s1 =	ssub.s32 $0x0, s3;
	[sflag:s0] =	ssyncset.done $0x0  }
0x183: {  	[sflag:s0] =	ssyncadd.s32 s1  }
0x184: {  	[sflag:s0] =	ssyncpa.u1 $0x1  }
0x185: {  	s29 =	simm.s32 $0x1;
	_ =	sfence  }
0x186: {  	s30 =	simm.s32 $0x2;
	[sflag:s29] =	ssyncpa.u1 $0x1  }
0x187: {  	[sflag:s30] =	ssyncpa.u1 $0x1  }
0x188: {  	_ =	strace $0x9000004A  }
0x189: {  	[bflag:$0x2] =	sbarrier.arrive $0xFFFF  }
0x18a: {  	s31 =	rddreg [dreg:$0x1]  }
0x18b: {  	s0 =	sadd.s32 $0x100000, s31  }
0x18c: {  	[sflag:s0] =	ssyncadd.tile.s32 $0x1;
	_ =	shalt  }
.Lfunc_end3:
_tile_overlayer_lowered:
.L_overlay_start_3:
0x18d: {  	(tag) =	ssettag $0x3  }
0x18e: {  	s0 =	rddreg [dreg:$0x0];
	s2 =	stileid.u32  }
0x18f: {  	s1 =	rddreg [dreg:$0x1];
	p0 =	sne.s32 s2, $0x0  }
0x190: {  	s3 =	rddreg [dreg:$0x2];
	[bflag:$0x3] =	sbarrier.arrive $0xFFFF;
	s2 =	simm.s32 @!p0 $0x1C01  }
0x191: {  	[timem:s3], [sflag:s2] =	dma.local @!p0 [hbm:s0], s1  }
0x192: {  	s0 =	simm.s32 @!p0 $0x1  }
0x193: {  	_ =	swait.ge @!p0 [sflag:s0], s1  }
0x194: {  	s1 =	ssub.s32 @!p0 $0x0, s1;
	[sflag:s0] =	ssyncset.done @!p0 $0x0  }
0x195: {  	[sflag:s0] =	ssyncadd.s32 @!p0 s1  }
0x196: {  	[bflag:$0x3] =	sbarrier.arrive $0xFFFF  }
0x197: {  	_ =	shalt  }

</sc_bundles>
